<compile_context>
chip_gen: v7x
topology: tpu7x:2x2x1
jax: 0.10.2.dev20260603
libtpu: 0.0.44.dev20260713+nightly
codegen_flags: <defaults>
</compile_context>

<pallas_src>
import functools

import jax
import jax.numpy as jnp
from jax import lax
from jax.experimental import pallas as pl
from jax.experimental.pallas import tpu as pltpu
from jax.experimental.pallas import tpu_sc as plsc

N = 10000
NPAD = 10240
D = 128
E = 320000
EPAD = 327680
NW = 32
NS = 16
B = 128
NB = EPAD // (NW * B)
RPT = NPAD // NS

_mesh = plsc.VectorSubcoreMesh(core_axis_name="c", subcore_axis_name="s")

HR = NPAD // 128
HRT = HR // NS


@functools.partial(
    pl.kernel,
    out_type=jax.ShapeDtypeStruct((2, HR, 128), jnp.float32),
    mesh=_mesh,
    compiler_params=pltpu.CompilerParams(needs_layout_passes=False),
    scratch_types=[
        pltpu.VMEM((NB, B), jnp.int32),
        pltpu.VMEM((HR, 128), jnp.float32),
        pltpu.VMEM((NS * 8, 128), jnp.float32),
        pltpu.VMEM((8, 128), jnp.float32),
        pltpu.VMEM_SHARED((NS, HR, 128), jnp.float32),
    ],
)
def _sc_deg(cidx_hbm, out_hbm, cidx_v, hist, rbuf, obuf, stage):
    c = lax.axis_index("c")
    s = lax.axis_index("s")
    wid = c * NS + s

    def zb(r, carry):
        for l in range(8):
            hist[r, pl.ds(l * 16, 16)] = jnp.zeros((16,), jnp.float32)
        return carry

    lax.fori_loop(0, HR, zb, 0)
    pltpu.sync_copy(cidx_hbm.at[wid], cidx_v)

    ones = jnp.ones((16,), jnp.float32)

    def body(j, carry):
        r = j // 8
        l = j % 8
        iv = cidx_v[r, pl.ds(l * 16, 16)]
        plsc.addupdate_scatter(hist, (iv >> 7, iv & 127), ones)
        return carry

    lax.fori_loop(0, NB * 8, body, 0)
    pltpu.sync_copy(hist, stage.at[s])
    plsc.subcore_barrier()

    @pl.when(s < HR // 8)
    def _():
        base = s * 8
        for t in range(NS):
            pltpu.sync_copy(stage.at[t, pl.ds(base, 8)],
                            rbuf.at[pl.ds(t * 8, 8)])

        def red(p, carry):
            r = p // 8
            l = p % 8
            acc = rbuf[r, pl.ds(l * 16, 16)]
            for t in range(1, NS):
                acc = acc + rbuf[t * 8 + r, pl.ds(l * 16, 16)]
            obuf[r, pl.ds(l * 16, 16)] = acc
            return carry

        lax.fori_loop(0, 64, red, 0)
        pltpu.sync_copy(obuf, out_hbm.at[c, pl.ds(base, 8)])


K = 3
D2 = D // 2
DW = D2 // 2
NB2 = 162
EPAD2 = NS * NB2 * B


@functools.partial(
    pl.kernel,
    out_type=jax.ShapeDtypeStruct((2, NPAD, D2), jnp.float32),
    mesh=_mesh,
    compiler_params=pltpu.CompilerParams(use_tc_tiling_on_sc=False,
                                         needs_layout_passes=False),
    scratch_types=[
        pltpu.VMEM((NB2, B), jnp.int32),
        pltpu.VMEM((NB2, B), jnp.int32),
        pltpu.VMEM((B, DW), jnp.int32),
        pltpu.VMEM((B, DW), jnp.int32),
        pltpu.VMEM((B, DW), jnp.int32),
        pltpu.VMEM((B, D2), jnp.float32),
        pltpu.VMEM((B, D2), jnp.float32),
        pltpu.VMEM((B, D2), jnp.float32),
        pltpu.SemaphoreType.DMA((K,)),
        pltpu.SemaphoreType.DMA((K,)),
        pltpu.VMEM_SHARED((NPAD, D2), jnp.float32),
    ],
)
def _sc_agg(ybf_hbm, ridx_hbm, cidx_hbm, zeros_hbm, out_hbm,
            ridx_v, cidx_v, ib0, ib1, ib2, fb0, fb1, fb2, gsem, ssem, acc):
    ibufs = [ib0, ib1, ib2]
    fbufs = [fb0, fb1, fb2]
    gsems = [gsem.at[b] for b in range(K)]
    ssems = [ssem.at[b] for b in range(K)]
    c = lax.axis_index("c")
    s = lax.axis_index("s")
    base = s * RPT
    pltpu.sync_copy(zeros_hbm, acc.at[pl.ds(base, RPT)])
    pltpu.sync_copy(ridx_hbm.at[c, s], ridx_v)
    pltpu.sync_copy(cidx_hbm.at[s], cidx_v)
    plsc.subcore_barrier()
    himask = jnp.full((16,), -65536, jnp.int32)

    for b in range(K):
        pltpu.async_copy(ybf_hbm.at[ridx_v.at[b]], ibufs[b], gsems[b])

    def body(g, carry):
        j0 = g * K
        for b in range(K):
            j = j0 + b
            pltpu.make_async_copy(ybf_hbm.at[ridx_v.at[j]], ibufs[b],
                                  gsems[b]).wait()
            ib, fb = ibufs[b], fbufs[b]

            def widen(r, carry2):
                for g2 in range(2):
                    w = ib[r, pl.ds(16 * g2, 16)]
                    fb[r, pl.ds(32 * g2, 16)] = plsc.bitcast(
                        w << 16, jnp.float32)
                    fb[r, pl.ds(32 * g2 + 16, 16)] = plsc.bitcast(
                        w & himask, jnp.float32)
                return carry2

            lax.fori_loop(0, B, widen, 0)
            pltpu.async_copy(fbufs[b], acc.at[cidx_v.at[j]], ssems[b],
                             add=True)
        for b in range(K):
            jn = j0 + K + b

            @pl.when(jn < NB2)
            def _():
                pltpu.make_async_copy(fbufs[b], acc.at[cidx_v.at[j0 + b]],
                                      ssems[b]).wait()
                pltpu.async_copy(ybf_hbm.at[ridx_v.at[jn]], ibufs[b],
                                 gsems[b])
        return carry

    lax.fori_loop(0, NB2 // K, body, 0)
    for b in range(K):
        pltpu.make_async_copy(fbufs[b], acc.at[cidx_v.at[NB2 - K + b]],
                              ssems[b]).wait()
    plsc.subcore_barrier()
    pltpu.sync_copy(acc.at[pl.ds(base, RPT)], out_hbm.at[c, pl.ds(base, RPT)])


def _dinv(deg_ref):
    return lax.rsqrt(deg_ref[0] + deg_ref[1] + 1.0)


def _bf16_bits(a):
    u = jax.lax.bitcast_convert_type(a, jnp.uint32)
    return (u + 0x7FFF + ((u >> 16) & 1)) >> 16


def _pack_half(y, c2):
    words = []
    for g2 in range(2):
        lo = _bf16_bits(y[:, 64 * c2 + 32 * g2: 64 * c2 + 32 * g2 + 16])
        hi = _bf16_bits(y[:, 64 * c2 + 32 * g2 + 16: 64 * c2 + 32 * g2 + 32])
        words.append(jax.lax.bitcast_convert_type(lo | (hi << 16), jnp.int32))
    return jnp.concatenate(words, axis=1)


def _tc1_body(deg_ref, x_ref, w1t_ref, y_ref, ybf_ref):
    xw = jnp.dot(x_ref[...], w1t_ref[...], preferred_element_type=jnp.float32)
    y = xw * _dinv(deg_ref)
    y_ref[...] = y
    ybf_ref[:, 0, :] = _pack_half(y, 0)
    ybf_ref[:, 1, :] = _pack_half(y, 1)


def _tc2_body(deg_ref, acc_ref, y1_ref, b1_ref, w2t_ref, y2_ref, ybf_ref):
    dinv = _dinv(deg_ref)
    accf = jnp.concatenate([acc_ref[0], acc_ref[1]], axis=1)
    pre = (accf + y1_ref[...]) * dinv + b1_ref[...]
    h = jnp.maximum(pre, 0.0)
    y2 = jnp.dot(h, w2t_ref[...], preferred_element_type=jnp.float32) * dinv
    y2_ref[...] = y2
    ybf_ref[:, 0, :] = _pack_half(y2, 0)
    ybf_ref[:, 1, :] = _pack_half(y2, 1)


def _tc3_body(deg_ref, acc_ref, y2_ref, b2_ref, out_ref):
    accf = jnp.concatenate([acc_ref[0], acc_ref[1]], axis=1)
    out_ref[...] = (accf + y2_ref[...]) * _dinv(deg_ref) + b2_ref[...]


GB = 8
BR = NPAD // GB

_deg_bs = pl.BlockSpec((2, BR, 1), lambda i: (0, i, 0))
_row_bs = pl.BlockSpec((BR, D), lambda i: (i, 0))
_acc_bs = pl.BlockSpec((2, BR, D2), lambda i: (0, i, 0))
_w_bs = pl.BlockSpec((D, D), lambda i: (0, 0))
_b_bs = pl.BlockSpec((1, D), lambda i: (0, 0))

_ybf_bs = pl.BlockSpec((BR, 2, DW), lambda i: (i, 0, 0))
_y_and_bf = [jax.ShapeDtypeStruct((NPAD, D), jnp.float32),
             jax.ShapeDtypeStruct((NPAD, 2, DW), jnp.int32)]

_tc1 = pl.pallas_call(
    _tc1_body, grid=(GB,),
    in_specs=[_deg_bs, _row_bs, _w_bs],
    out_specs=[_row_bs, _ybf_bs],
    out_shape=_y_and_bf)
_tc2 = pl.pallas_call(
    _tc2_body, grid=(GB,),
    in_specs=[_deg_bs, _acc_bs, _row_bs, _b_bs, _w_bs],
    out_specs=[_row_bs, _ybf_bs],
    out_shape=_y_and_bf)
_tc3 = pl.pallas_call(
    _tc3_body, grid=(GB,),
    in_specs=[_deg_bs, _acc_bs, _row_bs, _b_bs],
    out_specs=_row_bs,
    out_shape=jax.ShapeDtypeStruct((NPAD, D), jnp.float32))


def kernel(x, edge_index, W1, b1, W2, b2):
    row = edge_index[0].astype(jnp.int32)
    col = edge_index[1].astype(jnp.int32)
    pad = EPAD2 - E
    row_p = jnp.concatenate([row, jnp.zeros((pad,), jnp.int32)])
    col_p = jnp.concatenate([col, jnp.full((pad,), N, jnp.int32)])
    r3 = row_p.reshape(NS, NB2, B)
    ridx2 = jnp.stack([2 * r3, 2 * r3 + 1])
    cidx2 = col_p.reshape(NS, NB2, B)
    cidx_deg = col_p[:EPAD].reshape(NW, NB, B)
    xp = jnp.pad(x.astype(jnp.float32), ((0, NPAD - N), (0, 0)))
    w1t = W1.astype(jnp.float32).T
    w2t = W2.astype(jnp.float32).T
    b1r = b1.astype(jnp.float32).reshape(1, D)
    b2r = b2.astype(jnp.float32).reshape(1, D)
    zerosH = jnp.zeros((RPT, D2), jnp.float32)

    deg = _sc_deg(cidx_deg).reshape(2, NPAD, 1)
    y1, y1bf = _tc1(deg, xp, w1t)
    acc1 = _sc_agg(y1bf.reshape(2 * NPAD, DW), ridx2, cidx2, zerosH)
    y2, y2bf = _tc2(deg, acc1, y1, b1r, w2t)
    acc2 = _sc_agg(y2bf.reshape(2 * NPAD, DW), ridx2, cidx2, zerosH)
    out = _tc3(deg, acc2, y2, b2r)
    return out[:N]

# --- scband reference (transcript-rebuilt; emitter-appended) ---
"""Pipeline reference for scband-gnn-15753940042144 (READ-ONLY COPY).

The authoritative reference and input builder live on the scoring server;
editing this copy changes nothing except your own understanding.
"""

import jax, jax.numpy as jnp
import numpy as np

N_NODES = 10000
N_EDGES = 320000
D_IN = 128
D_HID = 128
D_OUT = 128


def setup_inputs(seed: int = 0) -> dict:
    key = jax.random.key(seed)
    k1, k2, k3, k4, k5, k6 = jax.random.split(key, 6)
    x = jax.random.normal(k1, (N_NODES, D_IN), dtype=jnp.float32)
    edge_index = jax.random.randint(k2, (2, N_EDGES), 0, N_NODES, dtype=jnp.int64)
    # GCNConv params (glorot weight, zero bias like PyG defaults)
    s1 = (6.0 / (D_IN + D_HID)) ** 0.5
    W1 = jax.random.uniform(k3, (D_HID, D_IN), dtype=jnp.float32, minval=-s1, maxval=s1)
    b1 = jnp.zeros((D_HID,), dtype=jnp.float32)
    s2 = (6.0 / (D_HID + D_OUT)) ** 0.5
    W2 = jax.random.uniform(k4, (D_OUT, D_HID), dtype=jnp.float32, minval=-s2, maxval=s2)
    b2 = jnp.zeros((D_OUT,), dtype=jnp.float32)
    return {"x": x, "edge_index": edge_index, "W1": W1, "b1": b1, "W2": W2, "b2": b2}


def _gcn_conv(x, row, col, W, b, n_nodes):
    # symmetric normalization with self-loops already appended to row/col
    deg = jnp.zeros((n_nodes,), dtype=x.dtype).at[col].add(1.0)
    dinv = jnp.where(deg > 0, deg ** -0.5, 0.0)
    norm = dinv[row] * dinv[col]
    xw = x @ W.T
    msg = xw[row] * norm[:, None]
    out = jnp.zeros((n_nodes, xw.shape[1]), dtype=x.dtype).at[col].add(msg)
    return out + b


def reference(x, edge_index, W1, b1, W2, b2):
    n_nodes = x.shape[0]
    loop = jnp.arange(n_nodes, dtype=edge_index.dtype)
    row = jnp.concatenate([edge_index[0], loop])
    col = jnp.concatenate([edge_index[1], loop])
    h = _gcn_conv(x, row, col, W1, b1, n_nodes)
    h = jax.nn.relu(h)
    # dropout inactive in eval mode
    out = _gcn_conv(h, row, col, W2, b2, n_nodes)
    return out

if __name__ == "__main__":
    import jax
    _d = setup_inputs()
    print(jax.jit(kernel)(*tuple(_d.values())))

</pallas_src>

<mosaic_0001>
#map = affine_map<(d0, d1) -> (0, 0, 0)>
module attributes {stable_mosaic.version = 14 : i64} {
  func.func @_sc_deg(%arg0: i32, %arg1: i32, %arg2: memref<32x80x128xi32, #tpu.memory_space<hbm>>, %arg3: memref<2x80x128xf32, #tpu.memory_space<hbm>>, %arg4: memref<80x128xi32, #tpu.memory_space<vmem>>, %arg5: memref<80x128xf32, #tpu.memory_space<vmem>>, %arg6: memref<128x128xf32, #tpu.memory_space<vmem>>, %arg7: memref<8x128xf32, #tpu.memory_space<vmem>>, %arg8: memref<16x80x128xf32, #tpu.memory_space<vmem_shared>>) attributes {dimension_semantics = [#tpu.dimension_semantics<core_parallel>, #tpu.dimension_semantics<subcore_parallel>], iteration_bounds = array<i64: 2, 16>, scalar_prefetch = 0 : i64, scratch_operands = 5 : i64, tpu.core_type = #tpu.core_type<sc_vector_subcore>, window_params = [{transform_indices = #map}, {transform_indices = #map}]} {
    %mul3A = arith.constant 16 : i32
    %mul3A_0 = arith.muli %arg0, %mul3A : i32
    %add3A = arith.addi %mul3A_0, %arg1 : i32
    %scan3A = arith.constant 0 : i32
    %scan3A_1 = arith.constant 0 : i32
    %scan3A_2 = arith.constant 80 : i32
    %scan3A_3 = arith.addi %scan3A_1, %scan3A_2 : i32
    %scan3A_4 = arith.constant 1 : i32
    scf.for %scan3A_15 = %scan3A_1 to %scan3A_3 step %scan3A_4  : i32 {
      %broadcast_in_dim3A_16 = arith.constant 0.000000e+00 : f32
      %broadcast_in_dim3A_17 = vector.broadcast %broadcast_in_dim3A_16 : f32 to vector<16xf32>
      %swap3A = arith.index_cast %scan3A_15 : i32 to index
      %swap3A_18 = arith.constant 0 : index
      %swap3A_19 = tpu.vector_load %arg5[%swap3A, %swap3A_18] {strides = array<i32>} : memref<80x128xf32, #tpu.memory_space<vmem>>, vector<16xf32>,
      tpu.vector_store %arg5[%swap3A, %swap3A_18], %broadcast_in_dim3A_17 {strides = array<i32>} : memref<80x128xf32, #tpu.memory_space<vmem>>, vector<16xf32>,
      %broadcast_in_dim3A_20 = arith.constant 0.000000e+00 : f32
      %broadcast_in_dim3A_21 = vector.broadcast %broadcast_in_dim3A_20 : f32 to vector<16xf32>
      %swap3A_22 = arith.index_cast %scan3A_15 : i32 to index
      %swap3A_23 = arith.constant 16 : index
      %swap3A_24 = tpu.vector_load %arg5[%swap3A_22, %swap3A_23] {strides = array<i32>} : memref<80x128xf32, #tpu.memory_space<vmem>>, vector<16xf32>,
      tpu.vector_store %arg5[%swap3A_22, %swap3A_23], %broadcast_in_dim3A_21 {strides = array<i32>} : memref<80x128xf32, #tpu.memory_space<vmem>>, vector<16xf32>,
      %broadcast_in_dim3A_25 = arith.constant 0.000000e+00 : f32
      %broadcast_in_dim3A_26 = vector.broadcast %broadcast_in_dim3A_25 : f32 to vector<16xf32>
      %swap3A_27 = arith.index_cast %scan3A_15 : i32 to index
      %swap3A_28 = arith.constant 32 : index
      %swap3A_29 = tpu.vector_load %arg5[%swap3A_27, %swap3A_28] {strides = array<i32>} : memref<80x128xf32, #tpu.memory_space<vmem>>, vector<16xf32>,
      tpu.vector_store %arg5[%swap3A_27, %swap3A_28], %broadcast_in_dim3A_26 {strides = array<i32>} : memref<80x128xf32, #tpu.memory_space<vmem>>, vector<16xf32>,
      %broadcast_in_dim3A_30 = arith.constant 0.000000e+00 : f32
      %broadcast_in_dim3A_31 = vector.broadcast %broadcast_in_dim3A_30 : f32 to vector<16xf32>
      %swap3A_32 = arith.index_cast %scan3A_15 : i32 to index
      %swap3A_33 = arith.constant 48 : index
      %swap3A_34 = tpu.vector_load %arg5[%swap3A_32, %swap3A_33] {strides = array<i32>} : memref<80x128xf32, #tpu.memory_space<vmem>>, vector<16xf32>,
      tpu.vector_store %arg5[%swap3A_32, %swap3A_33], %broadcast_in_dim3A_31 {strides = array<i32>} : memref<80x128xf32, #tpu.memory_space<vmem>>, vector<16xf32>,
      %broadcast_in_dim3A_35 = arith.constant 0.000000e+00 : f32
      %broadcast_in_dim3A_36 = vector.broadcast %broadcast_in_dim3A_35 : f32 to vector<16xf32>
      %swap3A_37 = arith.index_cast %scan3A_15 : i32 to index
      %swap3A_38 = arith.constant 64 : index
      %swap3A_39 = tpu.vector_load %arg5[%swap3A_37, %swap3A_38] {strides = array<i32>} : memref<80x128xf32, #tpu.memory_space<vmem>>, vector<16xf32>,
      tpu.vector_store %arg5[%swap3A_37, %swap3A_38], %broadcast_in_dim3A_36 {strides = array<i32>} : memref<80x128xf32, #tpu.memory_space<vmem>>, vector<16xf32>,
      %broadcast_in_dim3A_40 = arith.constant 0.000000e+00 : f32
      %broadcast_in_dim3A_41 = vector.broadcast %broadcast_in_dim3A_40 : f32 to vector<16xf32>
      %swap3A_42 = arith.index_cast %scan3A_15 : i32 to index
      %swap3A_43 = arith.constant 80 : index
      %swap3A_44 = tpu.vector_load %arg5[%swap3A_42, %swap3A_43] {strides = array<i32>} : memref<80x128xf32, #tpu.memory_space<vmem>>, vector<16xf32>,
      tpu.vector_store %arg5[%swap3A_42, %swap3A_43], %broadcast_in_dim3A_41 {strides = array<i32>} : memref<80x128xf32, #tpu.memory_space<vmem>>, vector<16xf32>,
      %broadcast_in_dim3A_45 = arith.constant 0.000000e+00 : f32
      %broadcast_in_dim3A_46 = vector.broadcast %broadcast_in_dim3A_45 : f32 to vector<16xf32>
      %swap3A_47 = arith.index_cast %scan3A_15 : i32 to index
      %swap3A_48 = arith.constant 96 : index
      %swap3A_49 = tpu.vector_load %arg5[%swap3A_47, %swap3A_48] {strides = array<i32>} : memref<80x128xf32, #tpu.memory_space<vmem>>, vector<16xf32>,
      tpu.vector_store %arg5[%swap3A_47, %swap3A_48], %broadcast_in_dim3A_46 {strides = array<i32>} : memref<80x128xf32, #tpu.memory_space<vmem>>, vector<16xf32>,
      %broadcast_in_dim3A_50 = arith.constant 0.000000e+00 : f32
      %broadcast_in_dim3A_51 = vector.broadcast %broadcast_in_dim3A_50 : f32 to vector<16xf32>
      %swap3A_52 = arith.index_cast %scan3A_15 : i32 to index
      %swap3A_53 = arith.constant 112 : index
      %swap3A_54 = tpu.vector_load %arg5[%swap3A_52, %swap3A_53] {strides = array<i32>} : memref<80x128xf32, #tpu.memory_space<vmem>>, vector<16xf32>,
      tpu.vector_store %arg5[%swap3A_52, %swap3A_53], %broadcast_in_dim3A_51 {strides = array<i32>} : memref<80x128xf32, #tpu.memory_space<vmem>>, vector<16xf32>,
    }
    %scan3A_5 = arith.constant 80 : i32
    "tpu.region"() ({
      %run_scoped3A = tpu.sem_alloc : memref<!tpu.dma_semaphore, #tpu.memory_space<semaphore_mem>>
      %dma_start3A = arith.constant 0 : i32
      %dma_start3A_15 = arith.constant 0 : i32
      %dma_start3A_16 = tpu.memref_slice %arg2[%add3A, %dma_start3A, %dma_start3A_15] : memref<32x80x128xi32, #tpu.memory_space<hbm>> -> memref<1x80x128xi32, #tpu.memory_space<hbm>>
      %dma_start3A_17 = tpu.memref_squeeze %dma_start3A_16 : memref<1x80x128xi32, #tpu.memory_space<hbm>> -> memref<80x128xi32, #tpu.memory_space<hbm>>
      %dma_start3A_18 = arith.constant 0 : i32
      %dma_start3A_19 = arith.constant 0 : i32
      %dma_start3A_20 = tpu.memref_slice %arg2[%add3A, %dma_start3A_18, %dma_start3A_19] : memref<32x80x128xi32, #tpu.memory_space<hbm>> -> memref<1x80x128xi32, #tpu.memory_space<hbm>>
      %dma_start3A_21 = tpu.memref_squeeze %dma_start3A_20 : memref<1x80x128xi32, #tpu.memory_space<hbm>> -> memref<80x128xi32, #tpu.memory_space<hbm>>
      tpu.enqueue_dma source(%dma_start3A_21 : memref<80x128xi32, #tpu.memory_space<hbm>>) target(%arg4 : memref<80x128xi32, #tpu.memory_space<vmem>>) target_semaphore(%run_scoped3A : memref<!tpu.dma_semaphore, #tpu.memory_space<semaphore_mem>>)
      %dma_wait3A = arith.constant 0 : i32
      %dma_wait3A_22 = arith.constant 0 : i32
      %dma_wait3A_23 = tpu.memref_slice %arg2[%add3A, %dma_wait3A, %dma_wait3A_22] : memref<32x80x128xi32, #tpu.memory_space<hbm>> -> memref<1x80x128xi32, #tpu.memory_space<hbm>>
      %dma_wait3A_24 = tpu.memref_squeeze %dma_wait3A_23 : memref<1x80x128xi32, #tpu.memory_space<hbm>> -> memref<80x128xi32, #tpu.memory_space<hbm>>
      %dma_wait3A_25 = arith.constant 0 : i32
      %dma_wait3A_26 = arith.constant 0 : i32
      %dma_wait3A_27 = tpu.memref_slice %arg2[%add3A, %dma_wait3A_25, %dma_wait3A_26] : memref<32x80x128xi32, #tpu.memory_space<hbm>> -> memref<1x80x128xi32, #tpu.memory_space<hbm>>
      %dma_wait3A_28 = tpu.memref_squeeze %dma_wait3A_27 : memref<1x80x128xi32, #tpu.memory_space<hbm>> -> memref<80x128xi32, #tpu.memory_space<hbm>>
      tpu.wait_dma2 semaphore(%run_scoped3A : memref<!tpu.dma_semaphore, #tpu.memory_space<semaphore_mem>>) src(%dma_wait3A_28 : memref<80x128xi32, #tpu.memory_space<hbm>>) dst(%arg4 : memref<80x128xi32, #tpu.memory_space<vmem>>)
      tpu.yield
    }) : () -> ()
    %broadcast_in_dim3A = arith.constant 1.000000e+00 : f32
    %broadcast_in_dim3A_6 = vector.broadcast %broadcast_in_dim3A : f32 to vector<16xf32>
    %scan3A_7 = arith.constant 0 : i32
    %scan3A_8 = arith.constant 0 : i32
    %scan3A_9 = arith.constant 640 : i32
    %scan3A_10 = arith.addi %scan3A_8, %scan3A_9 : i32
    %scan3A_11 = arith.constant 1 : i32
    scf.for %scan3A_15 = %scan3A_8 to %scan3A_10 step %scan3A_11  : i32 {
      %jit3A = arith.constant 8 : i32
      %div3A = arith.divsi %scan3A_15, %jit3A : i32
      %sign3A = arith.constant 0 : i32
      %sign3A_16 = arith.cmpi sgt, %scan3A_15, %sign3A : i32
      %sign3A_17 = arith.extui %sign3A_16 : i1 to i32
      %sign3A_18 = arith.constant 0 : i32
      %sign3A_19 = arith.cmpi slt, %scan3A_15, %sign3A_18 : i32
      %sign3A_20 = arith.extui %sign3A_19 : i1 to i32
      %sign3A_21 = arith.subi %sign3A_17, %sign3A_20 : i32
      %sign3A_22 = arith.constant 0 : i32
      %sign3A_23 = arith.cmpi sgt, %jit3A, %sign3A_22 : i32
      %sign3A_24 = arith.extui %sign3A_23 : i1 to i32
      %sign3A_25 = arith.constant 0 : i32
      %sign3A_26 = arith.cmpi slt, %jit3A, %sign3A_25 : i32
      %sign3A_27 = arith.extui %sign3A_26 : i1 to i32
      %sign3A_28 = arith.subi %sign3A_24, %sign3A_27 : i32
      %ne3A = arith.cmpi ne, %sign3A_21, %sign3A_28 : i32
      %rem3A = arith.remsi %scan3A_15, %jit3A : i32
      %ne3A_29 = arith.constant 0 : i32
      %ne3A_30 = arith.cmpi ne, %rem3A, %ne3A_29 : i32
      %and3A = arith.andi %ne3A, %ne3A_30 : i1
      %sub3A = arith.constant 1 : i32
      %sub3A_31 = arith.subi %div3A, %sub3A : i32
      %select_n3A = arith.select %and3A, %sub3A_31, %div3A : i32
      %jit3A_32 = arith.constant 8 : i32
      %eq3A = arith.constant 0 : i32
      %eq3A_33 = arith.cmpi eq, %jit3A_32, %eq3A : i32
      %jit3A_34 = arith.constant 1 : i32
      %select_n3A_35 = arith.select %eq3A_33, %jit3A_34, %jit3A_32 : i32
      %rem3A_36 = arith.remsi %scan3A_15, %select_n3A_35 : i32
      %ne3A_37 = arith.constant 0 : i32
      %ne3A_38 = arith.cmpi ne, %rem3A_36, %ne3A_37 : i32
      %lt3A_39 = arith.constant 0 : i32
      %lt3A_40 = arith.cmpi slt, %rem3A_36, %lt3A_39 : i32
      %lt3A_41 = arith.constant 0 : i32
      %lt3A_42 = arith.cmpi slt, %select_n3A_35, %lt3A_41 : i32
      %ne3A_43 = arith.xori %lt3A_40, %lt3A_42 : i1
      %and3A_44 = arith.andi %ne3A_43, %ne3A_38 : i1
      %add3A_45 = arith.addi %rem3A_36, %select_n3A_35 : i32
      %select_n3A_46 = arith.select %and3A_44, %add3A_45, %rem3A_36 : i32
      %mul3A_47 = arith.constant 16 : i32
      %mul3A_48 = arith.muli %select_n3A_46, %mul3A_47 : i32
      %get3A = arith.index_cast %select_n3A : i32 to index
      %get3A_49 = arith.index_cast %mul3A_48 : i32 to index
      %get3A_50 = tpu.vector_load %arg4[%get3A, %get3A_49] {strides = array<i32>} : memref<80x128xi32, #tpu.memory_space<vmem>>, vector<16xi32>,
      %shift_right_arithmetic3A = arith.constant 7 : i32
      %shift_right_arithmetic3A_51 = vector.broadcast %shift_right_arithmetic3A : i32 to vector<16xi32>
      %shift_right_arithmetic3A_52 = arith.shrsi %get3A_50, %shift_right_arithmetic3A_51 : vector<16xi32>
      %and3A_53 = arith.constant 127 : i32
      %and3A_54 = vector.broadcast %and3A_53 : i32 to vector<16xi32>
      %and3A_55 = arith.andi %get3A_50, %and3A_54 : vector<16xi32>
      tpu.vector_store_idx %arg5[%shift_right_arithmetic3A_52, %and3A_55], %broadcast_in_dim3A_6 {add = true} : memref<80x128xf32, #tpu.memory_space<vmem>>[vector<16xi32>, vector<16xi32>], vector<16xf32>,
    }
    %scan3A_12 = arith.constant 640 : i32
    "tpu.region"() ({
      %run_scoped3A = tpu.sem_alloc : memref<!tpu.dma_semaphore, #tpu.memory_space<semaphore_mem>>
      %dma_start3A = arith.constant 0 : i32
      %dma_start3A_15 = arith.constant 0 : i32
      %dma_start3A_16 = tpu.memref_slice %arg8[%arg1, %dma_start3A, %dma_start3A_15] : memref<16x80x128xf32, #tpu.memory_space<vmem_shared>> -> memref<1x80x128xf32, #tpu.memory_space<vmem_shared>>
      %dma_start3A_17 = tpu.memref_squeeze %dma_start3A_16 : memref<1x80x128xf32, #tpu.memory_space<vmem_shared>> -> memref<80x128xf32, #tpu.memory_space<vmem_shared>>
      %dma_start3A_18 = arith.constant 0 : i32
      %dma_start3A_19 = arith.constant 0 : i32
      %dma_start3A_20 = tpu.memref_slice %arg8[%arg1, %dma_start3A_18, %dma_start3A_19] : memref<16x80x128xf32, #tpu.memory_space<vmem_shared>> -> memref<1x80x128xf32, #tpu.memory_space<vmem_shared>>
      %dma_start3A_21 = tpu.memref_squeeze %dma_start3A_20 : memref<1x80x128xf32, #tpu.memory_space<vmem_shared>> -> memref<80x128xf32, #tpu.memory_space<vmem_shared>>
      tpu.enqueue_dma source(%arg5 : memref<80x128xf32, #tpu.memory_space<vmem>>) target(%dma_start3A_21 : memref<80x128xf32, #tpu.memory_space<vmem_shared>>) target_semaphore(%run_scoped3A : memref<!tpu.dma_semaphore, #tpu.memory_space<semaphore_mem>>)
      %dma_wait3A = arith.constant 0 : i32
      %dma_wait3A_22 = arith.constant 0 : i32
      %dma_wait3A_23 = tpu.memref_slice %arg8[%arg1, %dma_wait3A, %dma_wait3A_22] : memref<16x80x128xf32, #tpu.memory_space<vmem_shared>> -> memref<1x80x128xf32, #tpu.memory_space<vmem_shared>>
      %dma_wait3A_24 = tpu.memref_squeeze %dma_wait3A_23 : memref<1x80x128xf32, #tpu.memory_space<vmem_shared>> -> memref<80x128xf32, #tpu.memory_space<vmem_shared>>
      %dma_wait3A_25 = arith.constant 0 : i32
      %dma_wait3A_26 = arith.constant 0 : i32
      %dma_wait3A_27 = tpu.memref_slice %arg8[%arg1, %dma_wait3A_25, %dma_wait3A_26] : memref<16x80x128xf32, #tpu.memory_space<vmem_shared>> -> memref<1x80x128xf32, #tpu.memory_space<vmem_shared>>
      %dma_wait3A_28 = tpu.memref_squeeze %dma_wait3A_27 : memref<1x80x128xf32, #tpu.memory_space<vmem_shared>> -> memref<80x128xf32, #tpu.memory_space<vmem_shared>>
      tpu.wait_dma2 semaphore(%run_scoped3A : memref<!tpu.dma_semaphore, #tpu.memory_space<semaphore_mem>>) src(%arg5 : memref<80x128xf32, #tpu.memory_space<vmem>>) dst(%dma_wait3A_28 : memref<80x128xf32, #tpu.memory_space<vmem_shared>>)
      tpu.yield
    }) : () -> ()
    %barrier3A = arith.constant 0 : index
    tpu.barrier barrier_id(%barrier3A)
    %lt3A = arith.constant 10 : i32
    %lt3A_13 = arith.cmpi slt, %arg1, %lt3A : i32
    %convert_element_type3A = arith.extui %lt3A_13 : i1 to i32
    %cond3A = arith.constant 0 : i32
    %cond3A_14 = arith.cmpi ne, %convert_element_type3A, %cond3A : i32
    scf.if %cond3A_14 {
      %mul3A_15 = arith.constant 8 : i32
      %mul3A_16 = arith.muli %arg1, %mul3A_15 : i32
      %run_scoped3A = arith.constant 0 : i32
      "tpu.region"() ({
        %run_scoped3A_38 = tpu.sem_alloc : memref<!tpu.dma_semaphore, #tpu.memory_space<semaphore_mem>>
        %dma_start3A = arith.constant 0 : i32
        %dma_start3A_39 = arith.constant 0 : i32
        %dma_start3A_40 = tpu.memref_slice %arg6[%dma_start3A, %dma_start3A_39] : memref<128x128xf32, #tpu.memory_space<vmem>> -> memref<8x128xf32, #tpu.memory_space<vmem>>
        %dma_start3A_41 = arith.constant 0 : i32
        %dma_start3A_42 = tpu.memref_slice %arg8[%run_scoped3A, %mul3A_16, %dma_start3A_41] : memref<16x80x128xf32, #tpu.memory_space<vmem_shared>> -> memref<1x8x128xf32, #tpu.memory_space<vmem_shared>>
        %dma_start3A_43 = tpu.memref_squeeze %dma_start3A_42 : memref<1x8x128xf32, #tpu.memory_space<vmem_shared>> -> memref<8x128xf32, #tpu.memory_space<vmem_shared>>
        %dma_start3A_44 = arith.constant 0 : i32
        %dma_start3A_45 = arith.constant 0 : i32
        %dma_start3A_46 = tpu.memref_slice %arg6[%dma_start3A_44, %dma_start3A_45] : memref<128x128xf32, #tpu.memory_space<vmem>> -> memref<8x128xf32, #tpu.memory_space<vmem>>
        %dma_start3A_47 = arith.constant 0 : i32
        %dma_start3A_48 = tpu.memref_slice %arg8[%run_scoped3A, %mul3A_16, %dma_start3A_47] : memref<16x80x128xf32, #tpu.memory_space<vmem_shared>> -> memref<1x8x128xf32, #tpu.memory_space<vmem_shared>>
        %dma_start3A_49 = tpu.memref_squeeze %dma_start3A_48 : memref<1x8x128xf32, #tpu.memory_space<vmem_shared>> -> memref<8x128xf32, #tpu.memory_space<vmem_shared>>
        tpu.enqueue_dma source(%dma_start3A_49 : memref<8x128xf32, #tpu.memory_space<vmem_shared>>) target(%dma_start3A_46 : memref<8x128xf32, #tpu.memory_space<vmem>>) target_semaphore(%run_scoped3A_38 : memref<!tpu.dma_semaphore, #tpu.memory_space<semaphore_mem>>)
        %dma_wait3A = arith.constant 0 : i32
        %dma_wait3A_50 = arith.constant 0 : i32
        %dma_wait3A_51 = tpu.memref_slice %arg6[%dma_wait3A, %dma_wait3A_50] : memref<128x128xf32, #tpu.memory_space<vmem>> -> memref<8x128xf32, #tpu.memory_space<vmem>>
        %dma_wait3A_52 = arith.constant 0 : i32
        %dma_wait3A_53 = tpu.memref_slice %arg8[%run_scoped3A, %mul3A_16, %dma_wait3A_52] : memref<16x80x128xf32, #tpu.memory_space<vmem_shared>> -> memref<1x8x128xf32, #tpu.memory_space<vmem_shared>>
        %dma_wait3A_54 = tpu.memref_squeeze %dma_wait3A_53 : memref<1x8x128xf32, #tpu.memory_space<vmem_shared>> -> memref<8x128xf32, #tpu.memory_space<vmem_shared>>
        %dma_wait3A_55 = arith.constant 0 : i32
        %dma_wait3A_56 = arith.constant 0 : i32
        %dma_wait3A_57 = tpu.memref_slice %arg6[%dma_wait3A_55, %dma_wait3A_56] : memref<128x128xf32, #tpu.memory_space<vmem>> -> memref<8x128xf32, #tpu.memory_space<vmem>>
        %dma_wait3A_58 = arith.constant 0 : i32
        %dma_wait3A_59 = tpu.memref_slice %arg8[%run_scoped3A, %mul3A_16, %dma_wait3A_58] : memref<16x80x128xf32, #tpu.memory_space<vmem_shared>> -> memref<1x8x128xf32, #tpu.memory_space<vmem_shared>>
        %dma_wait3A_60 = tpu.memref_squeeze %dma_wait3A_59 : memref<1x8x128xf32, #tpu.memory_space<vmem_shared>> -> memref<8x128xf32, #tpu.memory_space<vmem_shared>>
        tpu.wait_dma2 semaphore(%run_scoped3A_38 : memref<!tpu.dma_semaphore, #tpu.memory_space<semaphore_mem>>) src(%dma_wait3A_60 : memref<8x128xf32, #tpu.memory_space<vmem_shared>>) dst(%dma_wait3A_57 : memref<8x128xf32, #tpu.memory_space<vmem>>)
        tpu.yield
      }) : () -> ()
      %run_scoped3A_17 = arith.constant 1 : i32
      "tpu.region"() ({
        %run_scoped3A_38 = tpu.sem_alloc : memref<!tpu.dma_semaphore, #tpu.memory_space<semaphore_mem>>
        %dma_start3A = arith.constant 8 : i32
        %dma_start3A_39 = arith.constant 0 : i32
        %dma_start3A_40 = tpu.memref_slice %arg6[%dma_start3A, %dma_start3A_39] : memref<128x128xf32, #tpu.memory_space<vmem>> -> memref<8x128xf32, #tpu.memory_space<vmem>>
        %dma_start3A_41 = arith.constant 0 : i32
        %dma_start3A_42 = tpu.memref_slice %arg8[%run_scoped3A_17, %mul3A_16, %dma_start3A_41] : memref<16x80x128xf32, #tpu.memory_space<vmem_shared>> -> memref<1x8x128xf32, #tpu.memory_space<vmem_shared>>
        %dma_start3A_43 = tpu.memref_squeeze %dma_start3A_42 : memref<1x8x128xf32, #tpu.memory_space<vmem_shared>> -> memref<8x128xf32, #tpu.memory_space<vmem_shared>>
        %dma_start3A_44 = arith.constant 8 : i32
        %dma_start3A_45 = arith.constant 0 : i32
        %dma_start3A_46 = tpu.memref_slice %arg6[%dma_start3A_44, %dma_start3A_45] : memref<128x128xf32, #tpu.memory_space<vmem>> -> memref<8x128xf32, #tpu.memory_space<vmem>>
        %dma_start3A_47 = arith.constant 0 : i32
        %dma_start3A_48 = tpu.memref_slice %arg8[%run_scoped3A_17, %mul3A_16, %dma_start3A_47] : memref<16x80x128xf32, #tpu.memory_space<vmem_shared>> -> memref<1x8x128xf32, #tpu.memory_space<vmem_shared>>
        %dma_start3A_49 = tpu.memref_squeeze %dma_start3A_48 : memref<1x8x128xf32, #tpu.memory_space<vmem_shared>> -> memref<8x128xf32, #tpu.memory_space<vmem_shared>>
        tpu.enqueue_dma source(%dma_start3A_49 : memref<8x128xf32, #tpu.memory_space<vmem_shared>>) target(%dma_start3A_46 : memref<8x128xf32, #tpu.memory_space<vmem>>) target_semaphore(%run_scoped3A_38 : memref<!tpu.dma_semaphore, #tpu.memory_space<semaphore_mem>>)
        %dma_wait3A = arith.constant 8 : i32
        %dma_wait3A_50 = arith.constant 0 : i32
        %dma_wait3A_51 = tpu.memref_slice %arg6[%dma_wait3A, %dma_wait3A_50] : memref<128x128xf32, #tpu.memory_space<vmem>> -> memref<8x128xf32, #tpu.memory_space<vmem>>
        %dma_wait3A_52 = arith.constant 0 : i32
        %dma_wait3A_53 = tpu.memref_slice %arg8[%run_scoped3A_17, %mul3A_16, %dma_wait3A_52] : memref<16x80x128xf32, #tpu.memory_space<vmem_shared>> -> memref<1x8x128xf32, #tpu.memory_space<vmem_shared>>
        %dma_wait3A_54 = tpu.memref_squeeze %dma_wait3A_53 : memref<1x8x128xf32, #tpu.memory_space<vmem_shared>> -> memref<8x128xf32, #tpu.memory_space<vmem_shared>>
        %dma_wait3A_55 = arith.constant 8 : i32
        %dma_wait3A_56 = arith.constant 0 : i32
        %dma_wait3A_57 = tpu.memref_slice %arg6[%dma_wait3A_55, %dma_wait3A_56] : memref<128x128xf32, #tpu.memory_space<vmem>> -> memref<8x128xf32, #tpu.memory_space<vmem>>
        %dma_wait3A_58 = arith.constant 0 : i32
        %dma_wait3A_59 = tpu.memref_slice %arg8[%run_scoped3A_17, %mul3A_16, %dma_wait3A_58] : memref<16x80x128xf32, #tpu.memory_space<vmem_shared>> -> memref<1x8x128xf32, #tpu.memory_space<vmem_shared>>
        %dma_wait3A_60 = tpu.memref_squeeze %dma_wait3A_59 : memref<1x8x128xf32, #tpu.memory_space<vmem_shared>> -> memref<8x128xf32, #tpu.memory_space<vmem_shared>>
        tpu.wait_dma2 semaphore(%run_scoped3A_38 : memref<!tpu.dma_semaphore, #tpu.memory_space<semaphore_mem>>) src(%dma_wait3A_60 : memref<8x128xf32, #tpu.memory_space<vmem_shared>>) dst(%dma_wait3A_57 : memref<8x128xf32, #tpu.memory_space<vmem>>)
        tpu.yield
      }) : () -> ()
      %run_scoped3A_18 = arith.constant 2 : i32
      "tpu.region"() ({
        %run_scoped3A_38 = tpu.sem_alloc : memref<!tpu.dma_semaphore, #tpu.memory_space<semaphore_mem>>
        %dma_start3A = arith.constant 16 : i32
        %dma_start3A_39 = arith.constant 0 : i32
        %dma_start3A_40 = tpu.memref_slice %arg6[%dma_start3A, %dma_start3A_39] : memref<128x128xf32, #tpu.memory_space<vmem>> -> memref<8x128xf32, #tpu.memory_space<vmem>>
        %dma_start3A_41 = arith.constant 0 : i32
        %dma_start3A_42 = tpu.memref_slice %arg8[%run_scoped3A_18, %mul3A_16, %dma_start3A_41] : memref<16x80x128xf32, #tpu.memory_space<vmem_shared>> -> memref<1x8x128xf32, #tpu.memory_space<vmem_shared>>
        %dma_start3A_43 = tpu.memref_squeeze %dma_start3A_42 : memref<1x8x128xf32, #tpu.memory_space<vmem_shared>> -> memref<8x128xf32, #tpu.memory_space<vmem_shared>>
        %dma_start3A_44 = arith.constant 16 : i32
        %dma_start3A_45 = arith.constant 0 : i32
        %dma_start3A_46 = tpu.memref_slice %arg6[%dma_start3A_44, %dma_start3A_45] : memref<128x128xf32, #tpu.memory_space<vmem>> -> memref<8x128xf32, #tpu.memory_space<vmem>>
        %dma_start3A_47 = arith.constant 0 : i32
        %dma_start3A_48 = tpu.memref_slice %arg8[%run_scoped3A_18, %mul3A_16, %dma_start3A_47] : memref<16x80x128xf32, #tpu.memory_space<vmem_shared>> -> memref<1x8x128xf32, #tpu.memory_space<vmem_shared>>
        %dma_start3A_49 = tpu.memref_squeeze %dma_start3A_48 : memref<1x8x128xf32, #tpu.memory_space<vmem_shared>> -> memref<8x128xf32, #tpu.memory_space<vmem_shared>>
        tpu.enqueue_dma source(%dma_start3A_49 : memref<8x128xf32, #tpu.memory_space<vmem_shared>>) target(%dma_start3A_46 : memref<8x128xf32, #tpu.memory_space<vmem>>) target_semaphore(%run_scoped3A_38 : memref<!tpu.dma_semaphore, #tpu.memory_space<semaphore_mem>>)
        %dma_wait3A = arith.constant 16 : i32
        %dma_wait3A_50 = arith.constant 0 : i32
        %dma_wait3A_51 = tpu.memref_slice %arg6[%dma_wait3A, %dma_wait3A_50] : memref<128x128xf32, #tpu.memory_space<vmem>> -> memref<8x128xf32, #tpu.memory_space<vmem>>
        %dma_wait3A_52 = arith.constant 0 : i32
        %dma_wait3A_53 = tpu.memref_slice %arg8[%run_scoped3A_18, %mul3A_16, %dma_wait3A_52] : memref<16x80x128xf32, #tpu.memory_space<vmem_shared>> -> memref<1x8x128xf32, #tpu.memory_space<vmem_shared>>
        %dma_wait3A_54 = tpu.memref_squeeze %dma_wait3A_53 : memref<1x8x128xf32, #tpu.memory_space<vmem_shared>> -> memref<8x128xf32, #tpu.memory_space<vmem_shared>>
        %dma_wait3A_55 = arith.constant 16 : i32
        %dma_wait3A_56 = arith.constant 0 : i32
        %dma_wait3A_57 = tpu.memref_slice %arg6[%dma_wait3A_55, %dma_wait3A_56] : memref<128x128xf32, #tpu.memory_space<vmem>> -> memref<8x128xf32, #tpu.memory_space<vmem>>
        %dma_wait3A_58 = arith.constant 0 : i32
        %dma_wait3A_59 = tpu.memref_slice %arg8[%run_scoped3A_18, %mul3A_16, %dma_wait3A_58] : memref<16x80x128xf32, #tpu.memory_space<vmem_shared>> -> memref<1x8x128xf32, #tpu.memory_space<vmem_shared>>
        %dma_wait3A_60 = tpu.memref_squeeze %dma_wait3A_59 : memref<1x8x128xf32, #tpu.memory_space<vmem_shared>> -> memref<8x128xf32, #tpu.memory_space<vmem_shared>>
        tpu.wait_dma2 semaphore(%run_scoped3A_38 : memref<!tpu.dma_semaphore, #tpu.memory_space<semaphore_mem>>) src(%dma_wait3A_60 : memref<8x128xf32, #tpu.memory_space<vmem_shared>>) dst(%dma_wait3A_57 : memref<8x128xf32, #tpu.memory_space<vmem>>)
        tpu.yield
      }) : () -> ()
      %run_scoped3A_19 = arith.constant 3 : i32
      "tpu.region"() ({
        %run_scoped3A_38 = tpu.sem_alloc : memref<!tpu.dma_semaphore, #tpu.memory_space<semaphore_mem>>
        %dma_start3A = arith.constant 24 : i32
        %dma_start3A_39 = arith.constant 0 : i32
        %dma_start3A_40 = tpu.memref_slice %arg6[%dma_start3A, %dma_start3A_39] : memref<128x128xf32, #tpu.memory_space<vmem>> -> memref<8x128xf32, #tpu.memory_space<vmem>>
        %dma_start3A_41 = arith.constant 0 : i32
        %dma_start3A_42 = tpu.memref_slice %arg8[%run_scoped3A_19, %mul3A_16, %dma_start3A_41] : memref<16x80x128xf32, #tpu.memory_space<vmem_shared>> -> memref<1x8x128xf32, #tpu.memory_space<vmem_shared>>
        %dma_start3A_43 = tpu.memref_squeeze %dma_start3A_42 : memref<1x8x128xf32, #tpu.memory_space<vmem_shared>> -> memref<8x128xf32, #tpu.memory_space<vmem_shared>>
        %dma_start3A_44 = arith.constant 24 : i32
        %dma_start3A_45 = arith.constant 0 : i32
        %dma_start3A_46 = tpu.memref_slice %arg6[%dma_start3A_44, %dma_start3A_45] : memref<128x128xf32, #tpu.memory_space<vmem>> -> memref<8x128xf32, #tpu.memory_space<vmem>>
        %dma_start3A_47 = arith.constant 0 : i32
        %dma_start3A_48 = tpu.memref_slice %arg8[%run_scoped3A_19, %mul3A_16, %dma_start3A_47] : memref<16x80x128xf32, #tpu.memory_space<vmem_shared>> -> memref<1x8x128xf32, #tpu.memory_space<vmem_shared>>
        %dma_start3A_49 = tpu.memref_squeeze %dma_start3A_48 : memref<1x8x128xf32, #tpu.memory_space<vmem_shared>> -> memref<8x128xf32, #tpu.memory_space<vmem_shared>>
        tpu.enqueue_dma source(%dma_start3A_49 : memref<8x128xf32, #tpu.memory_space<vmem_shared>>) target(%dma_start3A_46 : memref<8x128xf32, #tpu.memory_space<vmem>>) target_semaphore(%run_scoped3A_38 : memref<!tpu.dma_semaphore, #tpu.memory_space<semaphore_mem>>)
        %dma_wait3A = arith.constant 24 : i32
        %dma_wait3A_50 = arith.constant 0 : i32
        %dma_wait3A_51 = tpu.memref_slice %arg6[%dma_wait3A, %dma_wait3A_50] : memref<128x128xf32, #tpu.memory_space<vmem>> -> memref<8x128xf32, #tpu.memory_space<vmem>>
        %dma_wait3A_52 = arith.constant 0 : i32
        %dma_wait3A_53 = tpu.memref_slice %arg8[%run_scoped3A_19, %mul3A_16, %dma_wait3A_52] : memref<16x80x128xf32, #tpu.memory_space<vmem_shared>> -> memref<1x8x128xf32, #tpu.memory_space<vmem_shared>>
        %dma_wait3A_54 = tpu.memref_squeeze %dma_wait3A_53 : memref<1x8x128xf32, #tpu.memory_space<vmem_shared>> -> memref<8x128xf32, #tpu.memory_space<vmem_shared>>
        %dma_wait3A_55 = arith.constant 24 : i32
        %dma_wait3A_56 = arith.constant 0 : i32
        %dma_wait3A_57 = tpu.memref_slice %arg6[%dma_wait3A_55, %dma_wait3A_56] : memref<128x128xf32, #tpu.memory_space<vmem>> -> memref<8x128xf32, #tpu.memory_space<vmem>>
        %dma_wait3A_58 = arith.constant 0 : i32
        %dma_wait3A_59 = tpu.memref_slice %arg8[%run_scoped3A_19, %mul3A_16, %dma_wait3A_58] : memref<16x80x128xf32, #tpu.memory_space<vmem_shared>> -> memref<1x8x128xf32, #tpu.memory_space<vmem_shared>>
        %dma_wait3A_60 = tpu.memref_squeeze %dma_wait3A_59 : memref<1x8x128xf32, #tpu.memory_space<vmem_shared>> -> memref<8x128xf32, #tpu.memory_space<vmem_shared>>
        tpu.wait_dma2 semaphore(%run_scoped3A_38 : memref<!tpu.dma_semaphore, #tpu.memory_space<semaphore_mem>>) src(%dma_wait3A_60 : memref<8x128xf32, #tpu.memory_space<vmem_shared>>) dst(%dma_wait3A_57 : memref<8x128xf32, #tpu.memory_space<vmem>>)
        tpu.yield
      }) : () -> ()
      %run_scoped3A_20 = arith.constant 4 : i32
      "tpu.region"() ({
        %run_scoped3A_38 = tpu.sem_alloc : memref<!tpu.dma_semaphore, #tpu.memory_space<semaphore_mem>>
        %dma_start3A = arith.constant 32 : i32
        %dma_start3A_39 = arith.constant 0 : i32
        %dma_start3A_40 = tpu.memref_slice %arg6[%dma_start3A, %dma_start3A_39] : memref<128x128xf32, #tpu.memory_space<vmem>> -> memref<8x128xf32, #tpu.memory_space<vmem>>
        %dma_start3A_41 = arith.constant 0 : i32
        %dma_start3A_42 = tpu.memref_slice %arg8[%run_scoped3A_20, %mul3A_16, %dma_start3A_41] : memref<16x80x128xf32, #tpu.memory_space<vmem_shared>> -> memref<1x8x128xf32, #tpu.memory_space<vmem_shared>>
        %dma_start3A_43 = tpu.memref_squeeze %dma_start3A_42 : memref<1x8x128xf32, #tpu.memory_space<vmem_shared>> -> memref<8x128xf32, #tpu.memory_space<vmem_shared>>
        %dma_start3A_44 = arith.constant 32 : i32
        %dma_start3A_45 = arith.constant 0 : i32
        %dma_start3A_46 = tpu.memref_slice %arg6[%dma_start3A_44, %dma_start3A_45] : memref<128x128xf32, #tpu.memory_space<vmem>> -> memref<8x128xf32, #tpu.memory_space<vmem>>
        %dma_start3A_47 = arith.constant 0 : i32
        %dma_start3A_48 = tpu.memref_slice %arg8[%run_scoped3A_20, %mul3A_16, %dma_start3A_47] : memref<16x80x128xf32, #tpu.memory_space<vmem_shared>> -> memref<1x8x128xf32, #tpu.memory_space<vmem_shared>>
        %dma_start3A_49 = tpu.memref_squeeze %dma_start3A_48 : memref<1x8x128xf32, #tpu.memory_space<vmem_shared>> -> memref<8x128xf32, #tpu.memory_space<vmem_shared>>
        tpu.enqueue_dma source(%dma_start3A_49 : memref<8x128xf32, #tpu.memory_space<vmem_shared>>) target(%dma_start3A_46 : memref<8x128xf32, #tpu.memory_space<vmem>>) target_semaphore(%run_scoped3A_38 : memref<!tpu.dma_semaphore, #tpu.memory_space<semaphore_mem>>)
        %dma_wait3A = arith.constant 32 : i32
        %dma_wait3A_50 = arith.constant 0 : i32
        %dma_wait3A_51 = tpu.memref_slice %arg6[%dma_wait3A, %dma_wait3A_50] : memref<128x128xf32, #tpu.memory_space<vmem>> -> memref<8x128xf32, #tpu.memory_space<vmem>>
        %dma_wait3A_52 = arith.constant 0 : i32
        %dma_wait3A_53 = tpu.memref_slice %arg8[%run_scoped3A_20, %mul3A_16, %dma_wait3A_52] : memref<16x80x128xf32, #tpu.memory_space<vmem_shared>> -> memref<1x8x128xf32, #tpu.memory_space<vmem_shared>>
        %dma_wait3A_54 = tpu.memref_squeeze %dma_wait3A_53 : memref<1x8x128xf32, #tpu.memory_space<vmem_shared>> -> memref<8x128xf32, #tpu.memory_space<vmem_shared>>
        %dma_wait3A_55 = arith.constant 32 : i32
        %dma_wait3A_56 = arith.constant 0 : i32
        %dma_wait3A_57 = tpu.memref_slice %arg6[%dma_wait3A_55, %dma_wait3A_56] : memref<128x128xf32, #tpu.memory_space<vmem>> -> memref<8x128xf32, #tpu.memory_space<vmem>>
        %dma_wait3A_58 = arith.constant 0 : i32
        %dma_wait3A_59 = tpu.memref_slice %arg8[%run_scoped3A_20, %mul3A_16, %dma_wait3A_58] : memref<16x80x128xf32, #tpu.memory_space<vmem_shared>> -> memref<1x8x128xf32, #tpu.memory_space<vmem_shared>>
        %dma_wait3A_60 = tpu.memref_squeeze %dma_wait3A_59 : memref<1x8x128xf32, #tpu.memory_space<vmem_shared>> -> memref<8x128xf32, #tpu.memory_space<vmem_shared>>
        tpu.wait_dma2 semaphore(%run_scoped3A_38 : memref<!tpu.dma_semaphore, #tpu.memory_space<semaphore_mem>>) src(%dma_wait3A_60 : memref<8x128xf32, #tpu.memory_space<vmem_shared>>) dst(%dma_wait3A_57 : memref<8x128xf32, #tpu.memory_space<vmem>>)
        tpu.yield
      }) : () -> ()
      %run_scoped3A_21 = arith.constant 5 : i32
      "tpu.region"() ({
        %run_scoped3A_38 = tpu.sem_alloc : memref<!tpu.dma_semaphore, #tpu.memory_space<semaphore_mem>>
        %dma_start3A = arith.constant 40 : i32
        %dma_start3A_39 = arith.constant 0 : i32
        %dma_start3A_40 = tpu.memref_slice %arg6[%dma_start3A, %dma_start3A_39] : memref<128x128xf32, #tpu.memory_space<vmem>> -> memref<8x128xf32, #tpu.memory_space<vmem>>
        %dma_start3A_41 = arith.constant 0 : i32
        %dma_start3A_42 = tpu.memref_slice %arg8[%run_scoped3A_21, %mul3A_16, %dma_start3A_41] : memref<16x80x128xf32, #tpu.memory_space<vmem_shared>> -> memref<1x8x128xf32, #tpu.memory_space<vmem_shared>>
        %dma_start3A_43 = tpu.memref_squeeze %dma_start3A_42 : memref<1x8x128xf32, #tpu.memory_space<vmem_shared>> -> memref<8x128xf32, #tpu.memory_space<vmem_shared>>
        %dma_start3A_44 = arith.constant 40 : i32
        %dma_start3A_45 = arith.constant 0 : i32
        %dma_start3A_46 = tpu.memref_slice %arg6[%dma_start3A_44, %dma_start3A_45] : memref<128x128xf32, #tpu.memory_space<vmem>> -> memref<8x128xf32, #tpu.memory_space<vmem>>
        %dma_start3A_47 = arith.constant 0 : i32
        %dma_start3A_48 = tpu.memref_slice %arg8[%run_scoped3A_21, %mul3A_16, %dma_start3A_47] : memref<16x80x128xf32, #tpu.memory_space<vmem_shared>> -> memref<1x8x128xf32, #tpu.memory_space<vmem_shared>>
        %dma_start3A_49 = tpu.memref_squeeze %dma_start3A_48 : memref<1x8x128xf32, #tpu.memory_space<vmem_shared>> -> memref<8x128xf32, #tpu.memory_space<vmem_shared>>
        tpu.enqueue_dma source(%dma_start3A_49 : memref<8x128xf32, #tpu.memory_space<vmem_shared>>) target(%dma_start3A_46 : memref<8x128xf32, #tpu.memory_space<vmem>>) target_semaphore(%run_scoped3A_38 : memref<!tpu.dma_semaphore, #tpu.memory_space<semaphore_mem>>)
        %dma_wait3A = arith.constant 40 : i32
        %dma_wait3A_50 = arith.constant 0 : i32
        %dma_wait3A_51 = tpu.memref_slice %arg6[%dma_wait3A, %dma_wait3A_50] : memref<128x128xf32, #tpu.memory_space<vmem>> -> memref<8x128xf32, #tpu.memory_space<vmem>>
        %dma_wait3A_52 = arith.constant 0 : i32
        %dma_wait3A_53 = tpu.memref_slice %arg8[%run_scoped3A_21, %mul3A_16, %dma_wait3A_52] : memref<16x80x128xf32, #tpu.memory_space<vmem_shared>> -> memref<1x8x128xf32, #tpu.memory_space<vmem_shared>>
        %dma_wait3A_54 = tpu.memref_squeeze %dma_wait3A_53 : memref<1x8x128xf32, #tpu.memory_space<vmem_shared>> -> memref<8x128xf32, #tpu.memory_space<vmem_shared>>
        %dma_wait3A_55 = arith.constant 40 : i32
        %dma_wait3A_56 = arith.constant 0 : i32
        %dma_wait3A_57 = tpu.memref_slice %arg6[%dma_wait3A_55, %dma_wait3A_56] : memref<128x128xf32, #tpu.memory_space<vmem>> -> memref<8x128xf32, #tpu.memory_space<vmem>>
        %dma_wait3A_58 = arith.constant 0 : i32
        %dma_wait3A_59 = tpu.memref_slice %arg8[%run_scoped3A_21, %mul3A_16, %dma_wait3A_58] : memref<16x80x128xf32, #tpu.memory_space<vmem_shared>> -> memref<1x8x128xf32, #tpu.memory_space<vmem_shared>>
        %dma_wait3A_60 = tpu.memref_squeeze %dma_wait3A_59 : memref<1x8x128xf32, #tpu.memory_space<vmem_shared>> -> memref<8x128xf32, #tpu.memory_space<vmem_shared>>
        tpu.wait_dma2 semaphore(%run_scoped3A_38 : memref<!tpu.dma_semaphore, #tpu.memory_space<semaphore_mem>>) src(%dma_wait3A_60 : memref<8x128xf32, #tpu.memory_space<vmem_shared>>) dst(%dma_wait3A_57 : memref<8x128xf32, #tpu.memory_space<vmem>>)
        tpu.yield
      }) : () -> ()
      %run_scoped3A_22 = arith.constant 6 : i32
      "tpu.region"() ({
        %run_scoped3A_38 = tpu.sem_alloc : memref<!tpu.dma_semaphore, #tpu.memory_space<semaphore_mem>>
        %dma_start3A = arith.constant 48 : i32
        %dma_start3A_39 = arith.constant 0 : i32
        %dma_start3A_40 = tpu.memref_slice %arg6[%dma_start3A, %dma_start3A_39] : memref<128x128xf32, #tpu.memory_space<vmem>> -> memref<8x128xf32, #tpu.memory_space<vmem>>
        %dma_start3A_41 = arith.constant 0 : i32
        %dma_start3A_42 = tpu.memref_slice %arg8[%run_scoped3A_22, %mul3A_16, %dma_start3A_41] : memref<16x80x128xf32, #tpu.memory_space<vmem_shared>> -> memref<1x8x128xf32, #tpu.memory_space<vmem_shared>>
        %dma_start3A_43 = tpu.memref_squeeze %dma_start3A_42 : memref<1x8x128xf32, #tpu.memory_space<vmem_shared>> -> memref<8x128xf32, #tpu.memory_space<vmem_shared>>
        %dma_start3A_44 = arith.constant 48 : i32
        %dma_start3A_45 = arith.constant 0 : i32
        %dma_start3A_46 = tpu.memref_slice %arg6[%dma_start3A_44, %dma_start3A_45] : memref<128x128xf32, #tpu.memory_space<vmem>> -> memref<8x128xf32, #tpu.memory_space<vmem>>
        %dma_start3A_47 = arith.constant 0 : i32
        %dma_start3A_48 = tpu.memref_slice %arg8[%run_scoped3A_22, %mul3A_16, %dma_start3A_47] : memref<16x80x128xf32, #tpu.memory_space<vmem_shared>> -> memref<1x8x128xf32, #tpu.memory_space<vmem_shared>>
        %dma_start3A_49 = tpu.memref_squeeze %dma_start3A_48 : memref<1x8x128xf32, #tpu.memory_space<vmem_shared>> -> memref<8x128xf32, #tpu.memory_space<vmem_shared>>
        tpu.enqueue_dma source(%dma_start3A_49 : memref<8x128xf32, #tpu.memory_space<vmem_shared>>) target(%dma_start3A_46 : memref<8x128xf32, #tpu.memory_space<vmem>>) target_semaphore(%run_scoped3A_38 : memref<!tpu.dma_semaphore, #tpu.memory_space<semaphore_mem>>)
        %dma_wait3A = arith.constant 48 : i32
        %dma_wait3A_50 = arith.constant 0 : i32
        %dma_wait3A_51 = tpu.memref_slice %arg6[%dma_wait3A, %dma_wait3A_50] : memref<128x128xf32, #tpu.memory_space<vmem>> -> memref<8x128xf32, #tpu.memory_space<vmem>>
        %dma_wait3A_52 = arith.constant 0 : i32
        %dma_wait3A_53 = tpu.memref_slice %arg8[%run_scoped3A_22, %mul3A_16, %dma_wait3A_52] : memref<16x80x128xf32, #tpu.memory_space<vmem_shared>> -> memref<1x8x128xf32, #tpu.memory_space<vmem_shared>>
        %dma_wait3A_54 = tpu.memref_squeeze %dma_wait3A_53 : memref<1x8x128xf32, #tpu.memory_space<vmem_shared>> -> memref<8x128xf32, #tpu.memory_space<vmem_shared>>
        %dma_wait3A_55 = arith.constant 48 : i32
        %dma_wait3A_56 = arith.constant 0 : i32
        %dma_wait3A_57 = tpu.memref_slice %arg6[%dma_wait3A_55, %dma_wait3A_56] : memref<128x128xf32, #tpu.memory_space<vmem>> -> memref<8x128xf32, #tpu.memory_space<vmem>>
        %dma_wait3A_58 = arith.constant 0 : i32
        %dma_wait3A_59 = tpu.memref_slice %arg8[%run_scoped3A_22, %mul3A_16, %dma_wait3A_58] : memref<16x80x128xf32, #tpu.memory_space<vmem_shared>> -> memref<1x8x128xf32, #tpu.memory_space<vmem_shared>>
        %dma_wait3A_60 = tpu.memref_squeeze %dma_wait3A_59 : memref<1x8x128xf32, #tpu.memory_space<vmem_shared>> -> memref<8x128xf32, #tpu.memory_space<vmem_shared>>
        tpu.wait_dma2 semaphore(%run_scoped3A_38 : memref<!tpu.dma_semaphore, #tpu.memory_space<semaphore_mem>>) src(%dma_wait3A_60 : memref<8x128xf32, #tpu.memory_space<vmem_shared>>) dst(%dma_wait3A_57 : memref<8x128xf32, #tpu.memory_space<vmem>>)
        tpu.yield
      }) : () -> ()
      %run_scoped3A_23 = arith.constant 7 : i32
      "tpu.region"() ({
        %run_scoped3A_38 = tpu.sem_alloc : memref<!tpu.dma_semaphore, #tpu.memory_space<semaphore_mem>>
        %dma_start3A = arith.constant 56 : i32
        %dma_start3A_39 = arith.constant 0 : i32
        %dma_start3A_40 = tpu.memref_slice %arg6[%dma_start3A, %dma_start3A_39] : memref<128x128xf32, #tpu.memory_space<vmem>> -> memref<8x128xf32, #tpu.memory_space<vmem>>
        %dma_start3A_41 = arith.constant 0 : i32
        %dma_start3A_42 = tpu.memref_slice %arg8[%run_scoped3A_23, %mul3A_16, %dma_start3A_41] : memref<16x80x128xf32, #tpu.memory_space<vmem_shared>> -> memref<1x8x128xf32, #tpu.memory_space<vmem_shared>>
        %dma_start3A_43 = tpu.memref_squeeze %dma_start3A_42 : memref<1x8x128xf32, #tpu.memory_space<vmem_shared>> -> memref<8x128xf32, #tpu.memory_space<vmem_shared>>
        %dma_start3A_44 = arith.constant 56 : i32
        %dma_start3A_45 = arith.constant 0 : i32
        %dma_start3A_46 = tpu.memref_slice %arg6[%dma_start3A_44, %dma_start3A_45] : memref<128x128xf32, #tpu.memory_space<vmem>> -> memref<8x128xf32, #tpu.memory_space<vmem>>
        %dma_start3A_47 = arith.constant 0 : i32
        %dma_start3A_48 = tpu.memref_slice %arg8[%run_scoped3A_23, %mul3A_16, %dma_start3A_47] : memref<16x80x128xf32, #tpu.memory_space<vmem_shared>> -> memref<1x8x128xf32, #tpu.memory_space<vmem_shared>>
        %dma_start3A_49 = tpu.memref_squeeze %dma_start3A_48 : memref<1x8x128xf32, #tpu.memory_space<vmem_shared>> -> memref<8x128xf32, #tpu.memory_space<vmem_shared>>
        tpu.enqueue_dma source(%dma_start3A_49 : memref<8x128xf32, #tpu.memory_space<vmem_shared>>) target(%dma_start3A_46 : memref<8x128xf32, #tpu.memory_space<vmem>>) target_semaphore(%run_scoped3A_38 : memref<!tpu.dma_semaphore, #tpu.memory_space<semaphore_mem>>)
        %dma_wait3A = arith.constant 56 : i32
        %dma_wait3A_50 = arith.constant 0 : i32
        %dma_wait3A_51 = tpu.memref_slice %arg6[%dma_wait3A, %dma_wait3A_50] : memref<128x128xf32, #tpu.memory_space<vmem>> -> memref<8x128xf32, #tpu.memory_space<vmem>>
        %dma_wait3A_52 = arith.constant 0 : i32
        %dma_wait3A_53 = tpu.memref_slice %arg8[%run_scoped3A_23, %mul3A_16, %dma_wait3A_52] : memref<16x80x128xf32, #tpu.memory_space<vmem_shared>> -> memref<1x8x128xf32, #tpu.memory_space<vmem_shared>>
        %dma_wait3A_54 = tpu.memref_squeeze %dma_wait3A_53 : memref<1x8x128xf32, #tpu.memory_space<vmem_shared>> -> memref<8x128xf32, #tpu.memory_space<vmem_shared>>
        %dma_wait3A_55 = arith.constant 56 : i32
        %dma_wait3A_56 = arith.constant 0 : i32
        %dma_wait3A_57 = tpu.memref_slice %arg6[%dma_wait3A_55, %dma_wait3A_56] : memref<128x128xf32, #tpu.memory_space<vmem>> -> memref<8x128xf32, #tpu.memory_space<vmem>>
        %dma_wait3A_58 = arith.constant 0 : i32
        %dma_wait3A_59 = tpu.memref_slice %arg8[%run_scoped3A_23, %mul3A_16, %dma_wait3A_58] : memref<16x80x128xf32, #tpu.memory_space<vmem_shared>> -> memref<1x8x128xf32, #tpu.memory_space<vmem_shared>>
        %dma_wait3A_60 = tpu.memref_squeeze %dma_wait3A_59 : memref<1x8x128xf32, #tpu.memory_space<vmem_shared>> -> memref<8x128xf32, #tpu.memory_space<vmem_shared>>
        tpu.wait_dma2 semaphore(%run_scoped3A_38 : memref<!tpu.dma_semaphore, #tpu.memory_space<semaphore_mem>>) src(%dma_wait3A_60 : memref<8x128xf32, #tpu.memory_space<vmem_shared>>) dst(%dma_wait3A_57 : memref<8x128xf32, #tpu.memory_space<vmem>>)
        tpu.yield
      }) : () -> ()
      %run_scoped3A_24 = arith.constant 8 : i32
      "tpu.region"() ({
        %run_scoped3A_38 = tpu.sem_alloc : memref<!tpu.dma_semaphore, #tpu.memory_space<semaphore_mem>>
        %dma_start3A = arith.constant 64 : i32
        %dma_start3A_39 = arith.constant 0 : i32
        %dma_start3A_40 = tpu.memref_slice %arg6[%dma_start3A, %dma_start3A_39] : memref<128x128xf32, #tpu.memory_space<vmem>> -> memref<8x128xf32, #tpu.memory_space<vmem>>
        %dma_start3A_41 = arith.constant 0 : i32
        %dma_start3A_42 = tpu.memref_slice %arg8[%run_scoped3A_24, %mul3A_16, %dma_start3A_41] : memref<16x80x128xf32, #tpu.memory_space<vmem_shared>> -> memref<1x8x128xf32, #tpu.memory_space<vmem_shared>>
        %dma_start3A_43 = tpu.memref_squeeze %dma_start3A_42 : memref<1x8x128xf32, #tpu.memory_space<vmem_shared>> -> memref<8x128xf32, #tpu.memory_space<vmem_shared>>
        %dma_start3A_44 = arith.constant 64 : i32
        %dma_start3A_45 = arith.constant 0 : i32
        %dma_start3A_46 = tpu.memref_slice %arg6[%dma_start3A_44, %dma_start3A_45] : memref<128x128xf32, #tpu.memory_space<vmem>> -> memref<8x128xf32, #tpu.memory_space<vmem>>
        %dma_start3A_47 = arith.constant 0 : i32
        %dma_start3A_48 = tpu.memref_slice %arg8[%run_scoped3A_24, %mul3A_16, %dma_start3A_47] : memref<16x80x128xf32, #tpu.memory_space<vmem_shared>> -> memref<1x8x128xf32, #tpu.memory_space<vmem_shared>>
        %dma_start3A_49 = tpu.memref_squeeze %dma_start3A_48 : memref<1x8x128xf32, #tpu.memory_space<vmem_shared>> -> memref<8x128xf32, #tpu.memory_space<vmem_shared>>
        tpu.enqueue_dma source(%dma_start3A_49 : memref<8x128xf32, #tpu.memory_space<vmem_shared>>) target(%dma_start3A_46 : memref<8x128xf32, #tpu.memory_space<vmem>>) target_semaphore(%run_scoped3A_38 : memref<!tpu.dma_semaphore, #tpu.memory_space<semaphore_mem>>)
        %dma_wait3A = arith.constant 64 : i32
        %dma_wait3A_50 = arith.constant 0 : i32
        %dma_wait3A_51 = tpu.memref_slice %arg6[%dma_wait3A, %dma_wait3A_50] : memref<128x128xf32, #tpu.memory_space<vmem>> -> memref<8x128xf32, #tpu.memory_space<vmem>>
        %dma_wait3A_52 = arith.constant 0 : i32
        %dma_wait3A_53 = tpu.memref_slice %arg8[%run_scoped3A_24, %mul3A_16, %dma_wait3A_52] : memref<16x80x128xf32, #tpu.memory_space<vmem_shared>> -> memref<1x8x128xf32, #tpu.memory_space<vmem_shared>>
        %dma_wait3A_54 = tpu.memref_squeeze %dma_wait3A_53 : memref<1x8x128xf32, #tpu.memory_space<vmem_shared>> -> memref<8x128xf32, #tpu.memory_space<vmem_shared>>
        %dma_wait3A_55 = arith.constant 64 : i32
        %dma_wait3A_56 = arith.constant 0 : i32
        %dma_wait3A_57 = tpu.memref_slice %arg6[%dma_wait3A_55, %dma_wait3A_56] : memref<128x128xf32, #tpu.memory_space<vmem>> -> memref<8x128xf32, #tpu.memory_space<vmem>>
        %dma_wait3A_58 = arith.constant 0 : i32
        %dma_wait3A_59 = tpu.memref_slice %arg8[%run_scoped3A_24, %mul3A_16, %dma_wait3A_58] : memref<16x80x128xf32, #tpu.memory_space<vmem_shared>> -> memref<1x8x128xf32, #tpu.memory_space<vmem_shared>>
        %dma_wait3A_60 = tpu.memref_squeeze %dma_wait3A_59 : memref<1x8x128xf32, #tpu.memory_space<vmem_shared>> -> memref<8x128xf32, #tpu.memory_space<vmem_shared>>
        tpu.wait_dma2 semaphore(%run_scoped3A_38 : memref<!tpu.dma_semaphore, #tpu.memory_space<semaphore_mem>>) src(%dma_wait3A_60 : memref<8x128xf32, #tpu.memory_space<vmem_shared>>) dst(%dma_wait3A_57 : memref<8x128xf32, #tpu.memory_space<vmem>>)
        tpu.yield
      }) : () -> ()
      %run_scoped3A_25 = arith.constant 9 : i32
      "tpu.region"() ({
        %run_scoped3A_38 = tpu.sem_alloc : memref<!tpu.dma_semaphore, #tpu.memory_space<semaphore_mem>>
        %dma_start3A = arith.constant 72 : i32
        %dma_start3A_39 = arith.constant 0 : i32
        %dma_start3A_40 = tpu.memref_slice %arg6[%dma_start3A, %dma_start3A_39] : memref<128x128xf32, #tpu.memory_space<vmem>> -> memref<8x128xf32, #tpu.memory_space<vmem>>
        %dma_start3A_41 = arith.constant 0 : i32
        %dma_start3A_42 = tpu.memref_slice %arg8[%run_scoped3A_25, %mul3A_16, %dma_start3A_41] : memref<16x80x128xf32, #tpu.memory_space<vmem_shared>> -> memref<1x8x128xf32, #tpu.memory_space<vmem_shared>>
        %dma_start3A_43 = tpu.memref_squeeze %dma_start3A_42 : memref<1x8x128xf32, #tpu.memory_space<vmem_shared>> -> memref<8x128xf32, #tpu.memory_space<vmem_shared>>
        %dma_start3A_44 = arith.constant 72 : i32
        %dma_start3A_45 = arith.constant 0 : i32
        %dma_start3A_46 = tpu.memref_slice %arg6[%dma_start3A_44, %dma_start3A_45] : memref<128x128xf32, #tpu.memory_space<vmem>> -> memref<8x128xf32, #tpu.memory_space<vmem>>
        %dma_start3A_47 = arith.constant 0 : i32
        %dma_start3A_48 = tpu.memref_slice %arg8[%run_scoped3A_25, %mul3A_16, %dma_start3A_47] : memref<16x80x128xf32, #tpu.memory_space<vmem_shared>> -> memref<1x8x128xf32, #tpu.memory_space<vmem_shared>>
        %dma_start3A_49 = tpu.memref_squeeze %dma_start3A_48 : memref<1x8x128xf32, #tpu.memory_space<vmem_shared>> -> memref<8x128xf32, #tpu.memory_space<vmem_shared>>
        tpu.enqueue_dma source(%dma_start3A_49 : memref<8x128xf32, #tpu.memory_space<vmem_shared>>) target(%dma_start3A_46 : memref<8x128xf32, #tpu.memory_space<vmem>>) target_semaphore(%run_scoped3A_38 : memref<!tpu.dma_semaphore, #tpu.memory_space<semaphore_mem>>)
        %dma_wait3A = arith.constant 72 : i32
        %dma_wait3A_50 = arith.constant 0 : i32
        %dma_wait3A_51 = tpu.memref_slice %arg6[%dma_wait3A, %dma_wait3A_50] : memref<128x128xf32, #tpu.memory_space<vmem>> -> memref<8x128xf32, #tpu.memory_space<vmem>>
        %dma_wait3A_52 = arith.constant 0 : i32
        %dma_wait3A_53 = tpu.memref_slice %arg8[%run_scoped3A_25, %mul3A_16, %dma_wait3A_52] : memref<16x80x128xf32, #tpu.memory_space<vmem_shared>> -> memref<1x8x128xf32, #tpu.memory_space<vmem_shared>>
        %dma_wait3A_54 = tpu.memref_squeeze %dma_wait3A_53 : memref<1x8x128xf32, #tpu.memory_space<vmem_shared>> -> memref<8x128xf32, #tpu.memory_space<vmem_shared>>
        %dma_wait3A_55 = arith.constant 72 : i32
        %dma_wait3A_56 = arith.constant 0 : i32
        %dma_wait3A_57 = tpu.memref_slice %arg6[%dma_wait3A_55, %dma_wait3A_56] : memref<128x128xf32, #tpu.memory_space<vmem>> -> memref<8x128xf32, #tpu.memory_space<vmem>>
        %dma_wait3A_58 = arith.constant 0 : i32
        %dma_wait3A_59 = tpu.memref_slice %arg8[%run_scoped3A_25, %mul3A_16, %dma_wait3A_58] : memref<16x80x128xf32, #tpu.memory_space<vmem_shared>> -> memref<1x8x128xf32, #tpu.memory_space<vmem_shared>>
        %dma_wait3A_60 = tpu.memref_squeeze %dma_wait3A_59 : memref<1x8x128xf32, #tpu.memory_space<vmem_shared>> -> memref<8x128xf32, #tpu.memory_space<vmem_shared>>
        tpu.wait_dma2 semaphore(%run_scoped3A_38 : memref<!tpu.dma_semaphore, #tpu.memory_space<semaphore_mem>>) src(%dma_wait3A_60 : memref<8x128xf32, #tpu.memory_space<vmem_shared>>) dst(%dma_wait3A_57 : memref<8x128xf32, #tpu.memory_space<vmem>>)
        tpu.yield
      }) : () -> ()
      %run_scoped3A_26 = arith.constant 10 : i32
      "tpu.region"() ({
        %run_scoped3A_38 = tpu.sem_alloc : memref<!tpu.dma_semaphore, #tpu.memory_space<semaphore_mem>>
        %dma_start3A = arith.constant 80 : i32
        %dma_start3A_39 = arith.constant 0 : i32
        %dma_start3A_40 = tpu.memref_slice %arg6[%dma_start3A, %dma_start3A_39] : memref<128x128xf32, #tpu.memory_space<vmem>> -> memref<8x128xf32, #tpu.memory_space<vmem>>
        %dma_start3A_41 = arith.constant 0 : i32
        %dma_start3A_42 = tpu.memref_slice %arg8[%run_scoped3A_26, %mul3A_16, %dma_start3A_41] : memref<16x80x128xf32, #tpu.memory_space<vmem_shared>> -> memref<1x8x128xf32, #tpu.memory_space<vmem_shared>>
        %dma_start3A_43 = tpu.memref_squeeze %dma_start3A_42 : memref<1x8x128xf32, #tpu.memory_space<vmem_shared>> -> memref<8x128xf32, #tpu.memory_space<vmem_shared>>
        %dma_start3A_44 = arith.constant 80 : i32
        %dma_start3A_45 = arith.constant 0 : i32
        %dma_start3A_46 = tpu.memref_slice %arg6[%dma_start3A_44, %dma_start3A_45] : memref<128x128xf32, #tpu.memory_space<vmem>> -> memref<8x128xf32, #tpu.memory_space<vmem>>
        %dma_start3A_47 = arith.constant 0 : i32
        %dma_start3A_48 = tpu.memref_slice %arg8[%run_scoped3A_26, %mul3A_16, %dma_start3A_47] : memref<16x80x128xf32, #tpu.memory_space<vmem_shared>> -> memref<1x8x128xf32, #tpu.memory_space<vmem_shared>>
        %dma_start3A_49 = tpu.memref_squeeze %dma_start3A_48 : memref<1x8x128xf32, #tpu.memory_space<vmem_shared>> -> memref<8x128xf32, #tpu.memory_space<vmem_shared>>
        tpu.enqueue_dma source(%dma_start3A_49 : memref<8x128xf32, #tpu.memory_space<vmem_shared>>) target(%dma_start3A_46 : memref<8x128xf32, #tpu.memory_space<vmem>>) target_semaphore(%run_scoped3A_38 : memref<!tpu.dma_semaphore, #tpu.memory_space<semaphore_mem>>)
        %dma_wait3A = arith.constant 80 : i32
        %dma_wait3A_50 = arith.constant 0 : i32
        %dma_wait3A_51 = tpu.memref_slice %arg6[%dma_wait3A, %dma_wait3A_50] : memref<128x128xf32, #tpu.memory_space<vmem>> -> memref<8x128xf32, #tpu.memory_space<vmem>>
        %dma_wait3A_52 = arith.constant 0 : i32
        %dma_wait3A_53 = tpu.memref_slice %arg8[%run_scoped3A_26, %mul3A_16, %dma_wait3A_52] : memref<16x80x128xf32, #tpu.memory_space<vmem_shared>> -> memref<1x8x128xf32, #tpu.memory_space<vmem_shared>>
        %dma_wait3A_54 = tpu.memref_squeeze %dma_wait3A_53 : memref<1x8x128xf32, #tpu.memory_space<vmem_shared>> -> memref<8x128xf32, #tpu.memory_space<vmem_shared>>
        %dma_wait3A_55 = arith.constant 80 : i32
        %dma_wait3A_56 = arith.constant 0 : i32
        %dma_wait3A_57 = tpu.memref_slice %arg6[%dma_wait3A_55, %dma_wait3A_56] : memref<128x128xf32, #tpu.memory_space<vmem>> -> memref<8x128xf32, #tpu.memory_space<vmem>>
        %dma_wait3A_58 = arith.constant 0 : i32
        %dma_wait3A_59 = tpu.memref_slice %arg8[%run_scoped3A_26, %mul3A_16, %dma_wait3A_58] : memref<16x80x128xf32, #tpu.memory_space<vmem_shared>> -> memref<1x8x128xf32, #tpu.memory_space<vmem_shared>>
        %dma_wait3A_60 = tpu.memref_squeeze %dma_wait3A_59 : memref<1x8x128xf32, #tpu.memory_space<vmem_shared>> -> memref<8x128xf32, #tpu.memory_space<vmem_shared>>
        tpu.wait_dma2 semaphore(%run_scoped3A_38 : memref<!tpu.dma_semaphore, #tpu.memory_space<semaphore_mem>>) src(%dma_wait3A_60 : memref<8x128xf32, #tpu.memory_space<vmem_shared>>) dst(%dma_wait3A_57 : memref<8x128xf32, #tpu.memory_space<vmem>>)
        tpu.yield
      }) : () -> ()
      %run_scoped3A_27 = arith.constant 11 : i32
      "tpu.region"() ({
        %run_scoped3A_38 = tpu.sem_alloc : memref<!tpu.dma_semaphore, #tpu.memory_space<semaphore_mem>>
        %dma_start3A = arith.constant 88 : i32
        %dma_start3A_39 = arith.constant 0 : i32
        %dma_start3A_40 = tpu.memref_slice %arg6[%dma_start3A, %dma_start3A_39] : memref<128x128xf32, #tpu.memory_space<vmem>> -> memref<8x128xf32, #tpu.memory_space<vmem>>
        %dma_start3A_41 = arith.constant 0 : i32
        %dma_start3A_42 = tpu.memref_slice %arg8[%run_scoped3A_27, %mul3A_16, %dma_start3A_41] : memref<16x80x128xf32, #tpu.memory_space<vmem_shared>> -> memref<1x8x128xf32, #tpu.memory_space<vmem_shared>>
        %dma_start3A_43 = tpu.memref_squeeze %dma_start3A_42 : memref<1x8x128xf32, #tpu.memory_space<vmem_shared>> -> memref<8x128xf32, #tpu.memory_space<vmem_shared>>
        %dma_start3A_44 = arith.constant 88 : i32
        %dma_start3A_45 = arith.constant 0 : i32
        %dma_start3A_46 = tpu.memref_slice %arg6[%dma_start3A_44, %dma_start3A_45] : memref<128x128xf32, #tpu.memory_space<vmem>> -> memref<8x128xf32, #tpu.memory_space<vmem>>
        %dma_start3A_47 = arith.constant 0 : i32
        %dma_start3A_48 = tpu.memref_slice %arg8[%run_scoped3A_27, %mul3A_16, %dma_start3A_47] : memref<16x80x128xf32, #tpu.memory_space<vmem_shared>> -> memref<1x8x128xf32, #tpu.memory_space<vmem_shared>>
        %dma_start3A_49 = tpu.memref_squeeze %dma_start3A_48 : memref<1x8x128xf32, #tpu.memory_space<vmem_shared>> -> memref<8x128xf32, #tpu.memory_space<vmem_shared>>
        tpu.enqueue_dma source(%dma_start3A_49 : memref<8x128xf32, #tpu.memory_space<vmem_shared>>) target(%dma_start3A_46 : memref<8x128xf32, #tpu.memory_space<vmem>>) target_semaphore(%run_scoped3A_38 : memref<!tpu.dma_semaphore, #tpu.memory_space<semaphore_mem>>)
        %dma_wait3A = arith.constant 88 : i32
        %dma_wait3A_50 = arith.constant 0 : i32
        %dma_wait3A_51 = tpu.memref_slice %arg6[%dma_wait3A, %dma_wait3A_50] : memref<128x128xf32, #tpu.memory_space<vmem>> -> memref<8x128xf32, #tpu.memory_space<vmem>>
        %dma_wait3A_52 = arith.constant 0 : i32
        %dma_wait3A_53 = tpu.memref_slice %arg8[%run_scoped3A_27, %mul3A_16, %dma_wait3A_52] : memref<16x80x128xf32, #tpu.memory_space<vmem_shared>> -> memref<1x8x128xf32, #tpu.memory_space<vmem_shared>>
        %dma_wait3A_54 = tpu.memref_squeeze %dma_wait3A_53 : memref<1x8x128xf32, #tpu.memory_space<vmem_shared>> -> memref<8x128xf32, #tpu.memory_space<vmem_shared>>
        %dma_wait3A_55 = arith.constant 88 : i32
        %dma_wait3A_56 = arith.constant 0 : i32
        %dma_wait3A_57 = tpu.memref_slice %arg6[%dma_wait3A_55, %dma_wait3A_56] : memref<128x128xf32, #tpu.memory_space<vmem>> -> memref<8x128xf32, #tpu.memory_space<vmem>>
        %dma_wait3A_58 = arith.constant 0 : i32
        %dma_wait3A_59 = tpu.memref_slice %arg8[%run_scoped3A_27, %mul3A_16, %dma_wait3A_58] : memref<16x80x128xf32, #tpu.memory_space<vmem_shared>> -> memref<1x8x128xf32, #tpu.memory_space<vmem_shared>>
        %dma_wait3A_60 = tpu.memref_squeeze %dma_wait3A_59 : memref<1x8x128xf32, #tpu.memory_space<vmem_shared>> -> memref<8x128xf32, #tpu.memory_space<vmem_shared>>
        tpu.wait_dma2 semaphore(%run_scoped3A_38 : memref<!tpu.dma_semaphore, #tpu.memory_space<semaphore_mem>>) src(%dma_wait3A_60 : memref<8x128xf32, #tpu.memory_space<vmem_shared>>) dst(%dma_wait3A_57 : memref<8x128xf32, #tpu.memory_space<vmem>>)
        tpu.yield
      }) : () -> ()
      %run_scoped3A_28 = arith.constant 12 : i32
      "tpu.region"() ({
        %run_scoped3A_38 = tpu.sem_alloc : memref<!tpu.dma_semaphore, #tpu.memory_space<semaphore_mem>>
        %dma_start3A = arith.constant 96 : i32
        %dma_start3A_39 = arith.constant 0 : i32
        %dma_start3A_40 = tpu.memref_slice %arg6[%dma_start3A, %dma_start3A_39] : memref<128x128xf32, #tpu.memory_space<vmem>> -> memref<8x128xf32, #tpu.memory_space<vmem>>
        %dma_start3A_41 = arith.constant 0 : i32
        %dma_start3A_42 = tpu.memref_slice %arg8[%run_scoped3A_28, %mul3A_16, %dma_start3A_41] : memref<16x80x128xf32, #tpu.memory_space<vmem_shared>> -> memref<1x8x128xf32, #tpu.memory_space<vmem_shared>>
        %dma_start3A_43 = tpu.memref_squeeze %dma_start3A_42 : memref<1x8x128xf32, #tpu.memory_space<vmem_shared>> -> memref<8x128xf32, #tpu.memory_space<vmem_shared>>
        %dma_start3A_44 = arith.constant 96 : i32
        %dma_start3A_45 = arith.constant 0 : i32
        %dma_start3A_46 = tpu.memref_slice %arg6[%dma_start3A_44, %dma_start3A_45] : memref<128x128xf32, #tpu.memory_space<vmem>> -> memref<8x128xf32, #tpu.memory_space<vmem>>
        %dma_start3A_47 = arith.constant 0 : i32
        %dma_start3A_48 = tpu.memref_slice %arg8[%run_scoped3A_28, %mul3A_16, %dma_start3A_47] : memref<16x80x128xf32, #tpu.memory_space<vmem_shared>> -> memref<1x8x128xf32, #tpu.memory_space<vmem_shared>>
        %dma_start3A_49 = tpu.memref_squeeze %dma_start3A_48 : memref<1x8x128xf32, #tpu.memory_space<vmem_shared>> -> memref<8x128xf32, #tpu.memory_space<vmem_shared>>
        tpu.enqueue_dma source(%dma_start3A_49 : memref<8x128xf32, #tpu.memory_space<vmem_shared>>) target(%dma_start3A_46 : memref<8x128xf32, #tpu.memory_space<vmem>>) target_semaphore(%run_scoped3A_38 : memref<!tpu.dma_semaphore, #tpu.memory_space<semaphore_mem>>)
        %dma_wait3A = arith.constant 96 : i32
        %dma_wait3A_50 = arith.constant 0 : i32
        %dma_wait3A_51 = tpu.memref_slice %arg6[%dma_wait3A, %dma_wait3A_50] : memref<128x128xf32, #tpu.memory_space<vmem>> -> memref<8x128xf32, #tpu.memory_space<vmem>>
        %dma_wait3A_52 = arith.constant 0 : i32
        %dma_wait3A_53 = tpu.memref_slice %arg8[%run_scoped3A_28, %mul3A_16, %dma_wait3A_52] : memref<16x80x128xf32, #tpu.memory_space<vmem_shared>> -> memref<1x8x128xf32, #tpu.memory_space<vmem_shared>>
        %dma_wait3A_54 = tpu.memref_squeeze %dma_wait3A_53 : memref<1x8x128xf32, #tpu.memory_space<vmem_shared>> -> memref<8x128xf32, #tpu.memory_space<vmem_shared>>
        %dma_wait3A_55 = arith.constant 96 : i32
        %dma_wait3A_56 = arith.constant 0 : i32
        %dma_wait3A_57 = tpu.memref_slice %arg6[%dma_wait3A_55, %dma_wait3A_56] : memref<128x128xf32, #tpu.memory_space<vmem>> -> memref<8x128xf32, #tpu.memory_space<vmem>>
        %dma_wait3A_58 = arith.constant 0 : i32
        %dma_wait3A_59 = tpu.memref_slice %arg8[%run_scoped3A_28, %mul3A_16, %dma_wait3A_58] : memref<16x80x128xf32, #tpu.memory_space<vmem_shared>> -> memref<1x8x128xf32, #tpu.memory_space<vmem_shared>>
        %dma_wait3A_60 = tpu.memref_squeeze %dma_wait3A_59 : memref<1x8x128xf32, #tpu.memory_space<vmem_shared>> -> memref<8x128xf32, #tpu.memory_space<vmem_shared>>
        tpu.wait_dma2 semaphore(%run_scoped3A_38 : memref<!tpu.dma_semaphore, #tpu.memory_space<semaphore_mem>>) src(%dma_wait3A_60 : memref<8x128xf32, #tpu.memory_space<vmem_shared>>) dst(%dma_wait3A_57 : memref<8x128xf32, #tpu.memory_space<vmem>>)
        tpu.yield
      }) : () -> ()
      %run_scoped3A_29 = arith.constant 13 : i32
      "tpu.region"() ({
        %run_scoped3A_38 = tpu.sem_alloc : memref<!tpu.dma_semaphore, #tpu.memory_space<semaphore_mem>>
        %dma_start3A = arith.constant 104 : i32
        %dma_start3A_39 = arith.constant 0 : i32
        %dma_start3A_40 = tpu.memref_slice %arg6[%dma_start3A, %dma_start3A_39] : memref<128x128xf32, #tpu.memory_space<vmem>> -> memref<8x128xf32, #tpu.memory_space<vmem>>
        %dma_start3A_41 = arith.constant 0 : i32
        %dma_start3A_42 = tpu.memref_slice %arg8[%run_scoped3A_29, %mul3A_16, %dma_start3A_41] : memref<16x80x128xf32, #tpu.memory_space<vmem_shared>> -> memref<1x8x128xf32, #tpu.memory_space<vmem_shared>>
        %dma_start3A_43 = tpu.memref_squeeze %dma_start3A_42 : memref<1x8x128xf32, #tpu.memory_space<vmem_shared>> -> memref<8x128xf32, #tpu.memory_space<vmem_shared>>
        %dma_start3A_44 = arith.constant 104 : i32
        %dma_start3A_45 = arith.constant 0 : i32
        %dma_start3A_46 = tpu.memref_slice %arg6[%dma_start3A_44, %dma_start3A_45] : memref<128x128xf32, #tpu.memory_space<vmem>> -> memref<8x128xf32, #tpu.memory_space<vmem>>
        %dma_start3A_47 = arith.constant 0 : i32
        %dma_start3A_48 = tpu.memref_slice %arg8[%run_scoped3A_29, %mul3A_16, %dma_start3A_47] : memref<16x80x128xf32, #tpu.memory_space<vmem_shared>> -> memref<1x8x128xf32, #tpu.memory_space<vmem_shared>>
        %dma_start3A_49 = tpu.memref_squeeze %dma_start3A_48 : memref<1x8x128xf32, #tpu.memory_space<vmem_shared>> -> memref<8x128xf32, #tpu.memory_space<vmem_shared>>
        tpu.enqueue_dma source(%dma_start3A_49 : memref<8x128xf32, #tpu.memory_space<vmem_shared>>) target(%dma_start3A_46 : memref<8x128xf32, #tpu.memory_space<vmem>>) target_semaphore(%run_scoped3A_38 : memref<!tpu.dma_semaphore, #tpu.memory_space<semaphore_mem>>)
        %dma_wait3A = arith.constant 104 : i32
        %dma_wait3A_50 = arith.constant 0 : i32
        %dma_wait3A_51 = tpu.memref_slice %arg6[%dma_wait3A, %dma_wait3A_50] : memref<128x128xf32, #tpu.memory_space<vmem>> -> memref<8x128xf32, #tpu.memory_space<vmem>>
        %dma_wait3A_52 = arith.constant 0 : i32
        %dma_wait3A_53 = tpu.memref_slice %arg8[%run_scoped3A_29, %mul3A_16, %dma_wait3A_52] : memref<16x80x128xf32, #tpu.memory_space<vmem_shared>> -> memref<1x8x128xf32, #tpu.memory_space<vmem_shared>>
        %dma_wait3A_54 = tpu.memref_squeeze %dma_wait3A_53 : memref<1x8x128xf32, #tpu.memory_space<vmem_shared>> -> memref<8x128xf32, #tpu.memory_space<vmem_shared>>
        %dma_wait3A_55 = arith.constant 104 : i32
        %dma_wait3A_56 = arith.constant 0 : i32
        %dma_wait3A_57 = tpu.memref_slice %arg6[%dma_wait3A_55, %dma_wait3A_56] : memref<128x128xf32, #tpu.memory_space<vmem>> -> memref<8x128xf32, #tpu.memory_space<vmem>>
        %dma_wait3A_58 = arith.constant 0 : i32
        %dma_wait3A_59 = tpu.memref_slice %arg8[%run_scoped3A_29, %mul3A_16, %dma_wait3A_58] : memref<16x80x128xf32, #tpu.memory_space<vmem_shared>> -> memref<1x8x128xf32, #tpu.memory_space<vmem_shared>>
        %dma_wait3A_60 = tpu.memref_squeeze %dma_wait3A_59 : memref<1x8x128xf32, #tpu.memory_space<vmem_shared>> -> memref<8x128xf32, #tpu.memory_space<vmem_shared>>
        tpu.wait_dma2 semaphore(%run_scoped3A_38 : memref<!tpu.dma_semaphore, #tpu.memory_space<semaphore_mem>>) src(%dma_wait3A_60 : memref<8x128xf32, #tpu.memory_space<vmem_shared>>) dst(%dma_wait3A_57 : memref<8x128xf32, #tpu.memory_space<vmem>>)
        tpu.yield
      }) : () -> ()
      %run_scoped3A_30 = arith.constant 14 : i32
      "tpu.region"() ({
        %run_scoped3A_38 = tpu.sem_alloc : memref<!tpu.dma_semaphore, #tpu.memory_space<semaphore_mem>>
        %dma_start3A = arith.constant 112 : i32
        %dma_start3A_39 = arith.constant 0 : i32
        %dma_start3A_40 = tpu.memref_slice %arg6[%dma_start3A, %dma_start3A_39] : memref<128x128xf32, #tpu.memory_space<vmem>> -> memref<8x128xf32, #tpu.memory_space<vmem>>
        %dma_start3A_41 = arith.constant 0 : i32
        %dma_start3A_42 = tpu.memref_slice %arg8[%run_scoped3A_30, %mul3A_16, %dma_start3A_41] : memref<16x80x128xf32, #tpu.memory_space<vmem_shared>> -> memref<1x8x128xf32, #tpu.memory_space<vmem_shared>>
        %dma_start3A_43 = tpu.memref_squeeze %dma_start3A_42 : memref<1x8x128xf32, #tpu.memory_space<vmem_shared>> -> memref<8x128xf32, #tpu.memory_space<vmem_shared>>
        %dma_start3A_44 = arith.constant 112 : i32
        %dma_start3A_45 = arith.constant 0 : i32
        %dma_start3A_46 = tpu.memref_slice %arg6[%dma_start3A_44, %dma_start3A_45] : memref<128x128xf32, #tpu.memory_space<vmem>> -> memref<8x128xf32, #tpu.memory_space<vmem>>
        %dma_start3A_47 = arith.constant 0 : i32
        %dma_start3A_48 = tpu.memref_slice %arg8[%run_scoped3A_30, %mul3A_16, %dma_start3A_47] : memref<16x80x128xf32, #tpu.memory_space<vmem_shared>> -> memref<1x8x128xf32, #tpu.memory_space<vmem_shared>>
        %dma_start3A_49 = tpu.memref_squeeze %dma_start3A_48 : memref<1x8x128xf32, #tpu.memory_space<vmem_shared>> -> memref<8x128xf32, #tpu.memory_space<vmem_shared>>
        tpu.enqueue_dma source(%dma_start3A_49 : memref<8x128xf32, #tpu.memory_space<vmem_shared>>) target(%dma_start3A_46 : memref<8x128xf32, #tpu.memory_space<vmem>>) target_semaphore(%run_scoped3A_38 : memref<!tpu.dma_semaphore, #tpu.memory_space<semaphore_mem>>)
        %dma_wait3A = arith.constant 112 : i32
        %dma_wait3A_50 = arith.constant 0 : i32
        %dma_wait3A_51 = tpu.memref_slice %arg6[%dma_wait3A, %dma_wait3A_50] : memref<128x128xf32, #tpu.memory_space<vmem>> -> memref<8x128xf32, #tpu.memory_space<vmem>>
        %dma_wait3A_52 = arith.constant 0 : i32
        %dma_wait3A_53 = tpu.memref_slice %arg8[%run_scoped3A_30, %mul3A_16, %dma_wait3A_52] : memref<16x80x128xf32, #tpu.memory_space<vmem_shared>> -> memref<1x8x128xf32, #tpu.memory_space<vmem_shared>>
        %dma_wait3A_54 = tpu.memref_squeeze %dma_wait3A_53 : memref<1x8x128xf32, #tpu.memory_space<vmem_shared>> -> memref<8x128xf32, #tpu.memory_space<vmem_shared>>
        %dma_wait3A_55 = arith.constant 112 : i32
        %dma_wait3A_56 = arith.constant 0 : i32
        %dma_wait3A_57 = tpu.memref_slice %arg6[%dma_wait3A_55, %dma_wait3A_56] : memref<128x128xf32, #tpu.memory_space<vmem>> -> memref<8x128xf32, #tpu.memory_space<vmem>>
        %dma_wait3A_58 = arith.constant 0 : i32
        %dma_wait3A_59 = tpu.memref_slice %arg8[%run_scoped3A_30, %mul3A_16, %dma_wait3A_58] : memref<16x80x128xf32, #tpu.memory_space<vmem_shared>> -> memref<1x8x128xf32, #tpu.memory_space<vmem_shared>>
        %dma_wait3A_60 = tpu.memref_squeeze %dma_wait3A_59 : memref<1x8x128xf32, #tpu.memory_space<vmem_shared>> -> memref<8x128xf32, #tpu.memory_space<vmem_shared>>
        tpu.wait_dma2 semaphore(%run_scoped3A_38 : memref<!tpu.dma_semaphore, #tpu.memory_space<semaphore_mem>>) src(%dma_wait3A_60 : memref<8x128xf32, #tpu.memory_space<vmem_shared>>) dst(%dma_wait3A_57 : memref<8x128xf32, #tpu.memory_space<vmem>>)
        tpu.yield
      }) : () -> ()
      %run_scoped3A_31 = arith.constant 15 : i32
      "tpu.region"() ({
        %run_scoped3A_38 = tpu.sem_alloc : memref<!tpu.dma_semaphore, #tpu.memory_space<semaphore_mem>>
        %dma_start3A = arith.constant 120 : i32
        %dma_start3A_39 = arith.constant 0 : i32
        %dma_start3A_40 = tpu.memref_slice %arg6[%dma_start3A, %dma_start3A_39] : memref<128x128xf32, #tpu.memory_space<vmem>> -> memref<8x128xf32, #tpu.memory_space<vmem>>
        %dma_start3A_41 = arith.constant 0 : i32
        %dma_start3A_42 = tpu.memref_slice %arg8[%run_scoped3A_31, %mul3A_16, %dma_start3A_41] : memref<16x80x128xf32, #tpu.memory_space<vmem_shared>> -> memref<1x8x128xf32, #tpu.memory_space<vmem_shared>>
        %dma_start3A_43 = tpu.memref_squeeze %dma_start3A_42 : memref<1x8x128xf32, #tpu.memory_space<vmem_shared>> -> memref<8x128xf32, #tpu.memory_space<vmem_shared>>
        %dma_start3A_44 = arith.constant 120 : i32
        %dma_start3A_45 = arith.constant 0 : i32
        %dma_start3A_46 = tpu.memref_slice %arg6[%dma_start3A_44, %dma_start3A_45] : memref<128x128xf32, #tpu.memory_space<vmem>> -> memref<8x128xf32, #tpu.memory_space<vmem>>
        %dma_start3A_47 = arith.constant 0 : i32
        %dma_start3A_48 = tpu.memref_slice %arg8[%run_scoped3A_31, %mul3A_16, %dma_start3A_47] : memref<16x80x128xf32, #tpu.memory_space<vmem_shared>> -> memref<1x8x128xf32, #tpu.memory_space<vmem_shared>>
        %dma_start3A_49 = tpu.memref_squeeze %dma_start3A_48 : memref<1x8x128xf32, #tpu.memory_space<vmem_shared>> -> memref<8x128xf32, #tpu.memory_space<vmem_shared>>
        tpu.enqueue_dma source(%dma_start3A_49 : memref<8x128xf32, #tpu.memory_space<vmem_shared>>) target(%dma_start3A_46 : memref<8x128xf32, #tpu.memory_space<vmem>>) target_semaphore(%run_scoped3A_38 : memref<!tpu.dma_semaphore, #tpu.memory_space<semaphore_mem>>)
        %dma_wait3A = arith.constant 120 : i32
        %dma_wait3A_50 = arith.constant 0 : i32
        %dma_wait3A_51 = tpu.memref_slice %arg6[%dma_wait3A, %dma_wait3A_50] : memref<128x128xf32, #tpu.memory_space<vmem>> -> memref<8x128xf32, #tpu.memory_space<vmem>>
        %dma_wait3A_52 = arith.constant 0 : i32
        %dma_wait3A_53 = tpu.memref_slice %arg8[%run_scoped3A_31, %mul3A_16, %dma_wait3A_52] : memref<16x80x128xf32, #tpu.memory_space<vmem_shared>> -> memref<1x8x128xf32, #tpu.memory_space<vmem_shared>>
        %dma_wait3A_54 = tpu.memref_squeeze %dma_wait3A_53 : memref<1x8x128xf32, #tpu.memory_space<vmem_shared>> -> memref<8x128xf32, #tpu.memory_space<vmem_shared>>
        %dma_wait3A_55 = arith.constant 120 : i32
        %dma_wait3A_56 = arith.constant 0 : i32
        %dma_wait3A_57 = tpu.memref_slice %arg6[%dma_wait3A_55, %dma_wait3A_56] : memref<128x128xf32, #tpu.memory_space<vmem>> -> memref<8x128xf32, #tpu.memory_space<vmem>>
        %dma_wait3A_58 = arith.constant 0 : i32
        %dma_wait3A_59 = tpu.memref_slice %arg8[%run_scoped3A_31, %mul3A_16, %dma_wait3A_58] : memref<16x80x128xf32, #tpu.memory_space<vmem_shared>> -> memref<1x8x128xf32, #tpu.memory_space<vmem_shared>>
        %dma_wait3A_60 = tpu.memref_squeeze %dma_wait3A_59 : memref<1x8x128xf32, #tpu.memory_space<vmem_shared>> -> memref<8x128xf32, #tpu.memory_space<vmem_shared>>
        tpu.wait_dma2 semaphore(%run_scoped3A_38 : memref<!tpu.dma_semaphore, #tpu.memory_space<semaphore_mem>>) src(%dma_wait3A_60 : memref<8x128xf32, #tpu.memory_space<vmem_shared>>) dst(%dma_wait3A_57 : memref<8x128xf32, #tpu.memory_space<vmem>>)
        tpu.yield
      }) : () -> ()
      %scan3A_32 = arith.constant 0 : i32
      %scan3A_33 = arith.constant 0 : i32
      %scan3A_34 = arith.constant 64 : i32
      %scan3A_35 = arith.addi %scan3A_33, %scan3A_34 : i32
      %scan3A_36 = arith.constant 1 : i32
      scf.for %scan3A_38 = %scan3A_33 to %scan3A_35 step %scan3A_36  : i32 {
        %jit3A = arith.constant 8 : i32
        %div3A = arith.divsi %scan3A_38, %jit3A : i32
        %sign3A = arith.constant 0 : i32
        %sign3A_39 = arith.cmpi sgt, %scan3A_38, %sign3A : i32
        %sign3A_40 = arith.extui %sign3A_39 : i1 to i32
        %sign3A_41 = arith.constant 0 : i32
        %sign3A_42 = arith.cmpi slt, %scan3A_38, %sign3A_41 : i32
        %sign3A_43 = arith.extui %sign3A_42 : i1 to i32
        %sign3A_44 = arith.subi %sign3A_40, %sign3A_43 : i32
        %sign3A_45 = arith.constant 0 : i32
        %sign3A_46 = arith.cmpi sgt, %jit3A, %sign3A_45 : i32
        %sign3A_47 = arith.extui %sign3A_46 : i1 to i32
        %sign3A_48 = arith.constant 0 : i32
        %sign3A_49 = arith.cmpi slt, %jit3A, %sign3A_48 : i32
        %sign3A_50 = arith.extui %sign3A_49 : i1 to i32
        %sign3A_51 = arith.subi %sign3A_47, %sign3A_50 : i32
        %ne3A = arith.cmpi ne, %sign3A_44, %sign3A_51 : i32
        %rem3A = arith.remsi %scan3A_38, %jit3A : i32
        %ne3A_52 = arith.constant 0 : i32
        %ne3A_53 = arith.cmpi ne, %rem3A, %ne3A_52 : i32
        %and3A = arith.andi %ne3A, %ne3A_53 : i1
        %sub3A = arith.constant 1 : i32
        %sub3A_54 = arith.subi %div3A, %sub3A : i32
        %select_n3A = arith.select %and3A, %sub3A_54, %div3A : i32
        %jit3A_55 = arith.constant 8 : i32
        %eq3A = arith.constant 0 : i32
        %eq3A_56 = arith.cmpi eq, %jit3A_55, %eq3A : i32
        %jit3A_57 = arith.constant 1 : i32
        %select_n3A_58 = arith.select %eq3A_56, %jit3A_57, %jit3A_55 : i32
        %rem3A_59 = arith.remsi %scan3A_38, %select_n3A_58 : i32
        %ne3A_60 = arith.constant 0 : i32
        %ne3A_61 = arith.cmpi ne, %rem3A_59, %ne3A_60 : i32
        %lt3A_62 = arith.constant 0 : i32
        %lt3A_63 = arith.cmpi slt, %rem3A_59, %lt3A_62 : i32
        %lt3A_64 = arith.constant 0 : i32
        %lt3A_65 = arith.cmpi slt, %select_n3A_58, %lt3A_64 : i32
        %ne3A_66 = arith.xori %lt3A_63, %lt3A_65 : i1
        %and3A_67 = arith.andi %ne3A_66, %ne3A_61 : i1
        %add3A_68 = arith.addi %rem3A_59, %select_n3A_58 : i32
        %select_n3A_69 = arith.select %and3A_67, %add3A_68, %rem3A_59 : i32
        %mul3A_70 = arith.constant 16 : i32
        %mul3A_71 = arith.muli %select_n3A_69, %mul3A_70 : i32
        %get3A = arith.index_cast %select_n3A : i32 to index
        %get3A_72 = arith.index_cast %mul3A_71 : i32 to index
        %get3A_73 = tpu.vector_load %arg6[%get3A, %get3A_72] {strides = array<i32>} : memref<128x128xf32, #tpu.memory_space<vmem>>, vector<16xf32>,
        %add3A_74 = arith.constant 8 : i32
        %add3A_75 = arith.addi %add3A_74, %select_n3A : i32
        %mul3A_76 = arith.constant 16 : i32
        %mul3A_77 = arith.muli %select_n3A_69, %mul3A_76 : i32
        %get3A_78 = arith.index_cast %add3A_75 : i32 to index
        %get3A_79 = arith.index_cast %mul3A_77 : i32 to index
        %get3A_80 = tpu.vector_load %arg6[%get3A_78, %get3A_79] {strides = array<i32>} : memref<128x128xf32, #tpu.memory_space<vmem>>, vector<16xf32>,
        %add3A_81 = arith.addf %get3A_73, %get3A_80 : vector<16xf32>
        %add3A_82 = arith.constant 16 : i32
        %add3A_83 = arith.addi %add3A_82, %select_n3A : i32
        %mul3A_84 = arith.constant 16 : i32
        %mul3A_85 = arith.muli %select_n3A_69, %mul3A_84 : i32
        %get3A_86 = arith.index_cast %add3A_83 : i32 to index
        %get3A_87 = arith.index_cast %mul3A_85 : i32 to index
        %get3A_88 = tpu.vector_load %arg6[%get3A_86, %get3A_87] {strides = array<i32>} : memref<128x128xf32, #tpu.memory_space<vmem>>, vector<16xf32>,
        %add3A_89 = arith.addf %add3A_81, %get3A_88 : vector<16xf32>
        %add3A_90 = arith.constant 24 : i32
        %add3A_91 = arith.addi %add3A_90, %select_n3A : i32
        %mul3A_92 = arith.constant 16 : i32
        %mul3A_93 = arith.muli %select_n3A_69, %mul3A_92 : i32
        %get3A_94 = arith.index_cast %add3A_91 : i32 to index
        %get3A_95 = arith.index_cast %mul3A_93 : i32 to index
        %get3A_96 = tpu.vector_load %arg6[%get3A_94, %get3A_95] {strides = array<i32>} : memref<128x128xf32, #tpu.memory_space<vmem>>, vector<16xf32>,
        %add3A_97 = arith.addf %add3A_89, %get3A_96 : vector<16xf32>
        %add3A_98 = arith.constant 32 : i32
        %add3A_99 = arith.addi %add3A_98, %select_n3A : i32
        %mul3A_100 = arith.constant 16 : i32
        %mul3A_101 = arith.muli %select_n3A_69, %mul3A_100 : i32
        %get3A_102 = arith.index_cast %add3A_99 : i32 to index
        %get3A_103 = arith.index_cast %mul3A_101 : i32 to index
        %get3A_104 = tpu.vector_load %arg6[%get3A_102, %get3A_103] {strides = array<i32>} : memref<128x128xf32, #tpu.memory_space<vmem>>, vector<16xf32>,
        %add3A_105 = arith.addf %add3A_97, %get3A_104 : vector<16xf32>
        %add3A_106 = arith.constant 40 : i32
        %add3A_107 = arith.addi %add3A_106, %select_n3A : i32
        %mul3A_108 = arith.constant 16 : i32
        %mul3A_109 = arith.muli %select_n3A_69, %mul3A_108 : i32
        %get3A_110 = arith.index_cast %add3A_107 : i32 to index
        %get3A_111 = arith.index_cast %mul3A_109 : i32 to index
        %get3A_112 = tpu.vector_load %arg6[%get3A_110, %get3A_111] {strides = array<i32>} : memref<128x128xf32, #tpu.memory_space<vmem>>, vector<16xf32>,
        %add3A_113 = arith.addf %add3A_105, %get3A_112 : vector<16xf32>
        %add3A_114 = arith.constant 48 : i32
        %add3A_115 = arith.addi %add3A_114, %select_n3A : i32
        %mul3A_116 = arith.constant 16 : i32
        %mul3A_117 = arith.muli %select_n3A_69, %mul3A_116 : i32
        %get3A_118 = arith.index_cast %add3A_115 : i32 to index
        %get3A_119 = arith.index_cast %mul3A_117 : i32 to index
        %get3A_120 = tpu.vector_load %arg6[%get3A_118, %get3A_119] {strides = array<i32>} : memref<128x128xf32, #tpu.memory_space<vmem>>, vector<16xf32>,
        %add3A_121 = arith.addf %add3A_113, %get3A_120 : vector<16xf32>
        %add3A_122 = arith.constant 56 : i32
        %add3A_123 = arith.addi %add3A_122, %select_n3A : i32
        %mul3A_124 = arith.constant 16 : i32
        %mul3A_125 = arith.muli %select_n3A_69, %mul3A_124 : i32
        %get3A_126 = arith.index_cast %add3A_123 : i32 to index
        %get3A_127 = arith.index_cast %mul3A_125 : i32 to index
        %get3A_128 = tpu.vector_load %arg6[%get3A_126, %get3A_127] {strides = array<i32>} : memref<128x128xf32, #tpu.memory_space<vmem>>, vector<16xf32>,
        %add3A_129 = arith.addf %add3A_121, %get3A_128 : vector<16xf32>
        %add3A_130 = arith.constant 64 : i32
        %add3A_131 = arith.addi %add3A_130, %select_n3A : i32
        %mul3A_132 = arith.constant 16 : i32
        %mul3A_133 = arith.muli %select_n3A_69, %mul3A_132 : i32
        %get3A_134 = arith.index_cast %add3A_131 : i32 to index
        %get3A_135 = arith.index_cast %mul3A_133 : i32 to index
        %get3A_136 = tpu.vector_load %arg6[%get3A_134, %get3A_135] {strides = array<i32>} : memref<128x128xf32, #tpu.memory_space<vmem>>, vector<16xf32>,
        %add3A_137 = arith.addf %add3A_129, %get3A_136 : vector<16xf32>
        %add3A_138 = arith.constant 72 : i32
        %add3A_139 = arith.addi %add3A_138, %select_n3A : i32
        %mul3A_140 = arith.constant 16 : i32
        %mul3A_141 = arith.muli %select_n3A_69, %mul3A_140 : i32
        %get3A_142 = arith.index_cast %add3A_139 : i32 to index
        %get3A_143 = arith.index_cast %mul3A_141 : i32 to index
        %get3A_144 = tpu.vector_load %arg6[%get3A_142, %get3A_143] {strides = array<i32>} : memref<128x128xf32, #tpu.memory_space<vmem>>, vector<16xf32>,
        %add3A_145 = arith.addf %add3A_137, %get3A_144 : vector<16xf32>
        %add3A_146 = arith.constant 80 : i32
        %add3A_147 = arith.addi %add3A_146, %select_n3A : i32
        %mul3A_148 = arith.constant 16 : i32
        %mul3A_149 = arith.muli %select_n3A_69, %mul3A_148 : i32
        %get3A_150 = arith.index_cast %add3A_147 : i32 to index
        %get3A_151 = arith.index_cast %mul3A_149 : i32 to index
        %get3A_152 = tpu.vector_load %arg6[%get3A_150, %get3A_151] {strides = array<i32>} : memref<128x128xf32, #tpu.memory_space<vmem>>, vector<16xf32>,
        %add3A_153 = arith.addf %add3A_145, %get3A_152 : vector<16xf32>
        %add3A_154 = arith.constant 88 : i32
        %add3A_155 = arith.addi %add3A_154, %select_n3A : i32
        %mul3A_156 = arith.constant 16 : i32
        %mul3A_157 = arith.muli %select_n3A_69, %mul3A_156 : i32
        %get3A_158 = arith.index_cast %add3A_155 : i32 to index
        %get3A_159 = arith.index_cast %mul3A_157 : i32 to index
        %get3A_160 = tpu.vector_load %arg6[%get3A_158, %get3A_159] {strides = array<i32>} : memref<128x128xf32, #tpu.memory_space<vmem>>, vector<16xf32>,
        %add3A_161 = arith.addf %add3A_153, %get3A_160 : vector<16xf32>
        %add3A_162 = arith.constant 96 : i32
        %add3A_163 = arith.addi %add3A_162, %select_n3A : i32
        %mul3A_164 = arith.constant 16 : i32
        %mul3A_165 = arith.muli %select_n3A_69, %mul3A_164 : i32
        %get3A_166 = arith.index_cast %add3A_163 : i32 to index
        %get3A_167 = arith.index_cast %mul3A_165 : i32 to index
        %get3A_168 = tpu.vector_load %arg6[%get3A_166, %get3A_167] {strides = array<i32>} : memref<128x128xf32, #tpu.memory_space<vmem>>, vector<16xf32>,
        %add3A_169 = arith.addf %add3A_161, %get3A_168 : vector<16xf32>
        %add3A_170 = arith.constant 104 : i32
        %add3A_171 = arith.addi %add3A_170, %select_n3A : i32
        %mul3A_172 = arith.constant 16 : i32
        %mul3A_173 = arith.muli %select_n3A_69, %mul3A_172 : i32
        %get3A_174 = arith.index_cast %add3A_171 : i32 to index
        %get3A_175 = arith.index_cast %mul3A_173 : i32 to index
        %get3A_176 = tpu.vector_load %arg6[%get3A_174, %get3A_175] {strides = array<i32>} : memref<128x128xf32, #tpu.memory_space<vmem>>, vector<16xf32>,
        %add3A_177 = arith.addf %add3A_169, %get3A_176 : vector<16xf32>
        %add3A_178 = arith.constant 112 : i32
        %add3A_179 = arith.addi %add3A_178, %select_n3A : i32
        %mul3A_180 = arith.constant 16 : i32
        %mul3A_181 = arith.muli %select_n3A_69, %mul3A_180 : i32
        %get3A_182 = arith.index_cast %add3A_179 : i32 to index
        %get3A_183 = arith.index_cast %mul3A_181 : i32 to index
        %get3A_184 = tpu.vector_load %arg6[%get3A_182, %get3A_183] {strides = array<i32>} : memref<128x128xf32, #tpu.memory_space<vmem>>, vector<16xf32>,
        %add3A_185 = arith.addf %add3A_177, %get3A_184 : vector<16xf32>
        %add3A_186 = arith.constant 120 : i32
        %add3A_187 = arith.addi %add3A_186, %select_n3A : i32
        %mul3A_188 = arith.constant 16 : i32
        %mul3A_189 = arith.muli %select_n3A_69, %mul3A_188 : i32
        %get3A_190 = arith.index_cast %add3A_187 : i32 to index
        %get3A_191 = arith.index_cast %mul3A_189 : i32 to index
        %get3A_192 = tpu.vector_load %arg6[%get3A_190, %get3A_191] {strides = array<i32>} : memref<128x128xf32, #tpu.memory_space<vmem>>, vector<16xf32>,
        %add3A_193 = arith.addf %add3A_185, %get3A_192 : vector<16xf32>
        %mul3A_194 = arith.constant 16 : i32
        %mul3A_195 = arith.muli %select_n3A_69, %mul3A_194 : i32
        %swap3A = arith.index_cast %select_n3A : i32 to index
        %swap3A_196 = arith.index_cast %mul3A_195 : i32 to index
        %swap3A_197 = tpu.vector_load %arg7[%swap3A, %swap3A_196] {strides = array<i32>} : memref<8x128xf32, #tpu.memory_space<vmem>>, vector<16xf32>,
        tpu.vector_store %arg7[%swap3A, %swap3A_196], %add3A_193 {strides = array<i32>} : memref<8x128xf32, #tpu.memory_space<vmem>>, vector<16xf32>,
      }
      %scan3A_37 = arith.constant 64 : i32
      "tpu.region"() ({
        %run_scoped3A_38 = tpu.sem_alloc : memref<!tpu.dma_semaphore, #tpu.memory_space<semaphore_mem>>
        %dma_start3A = arith.constant 0 : i32
        %dma_start3A_39 = tpu.memref_slice %arg3[%arg0, %mul3A_16, %dma_start3A] : memref<2x80x128xf32, #tpu.memory_space<hbm>> -> memref<1x8x128xf32, #tpu.memory_space<hbm>>
        %dma_start3A_40 = tpu.memref_squeeze %dma_start3A_39 : memref<1x8x128xf32, #tpu.memory_space<hbm>> -> memref<8x128xf32, #tpu.memory_space<hbm>>
        %dma_start3A_41 = arith.constant 0 : i32
        %dma_start3A_42 = tpu.memref_slice %arg3[%arg0, %mul3A_16, %dma_start3A_41] : memref<2x80x128xf32, #tpu.memory_space<hbm>> -> memref<1x8x128xf32, #tpu.memory_space<hbm>>
        %dma_start3A_43 = tpu.memref_squeeze %dma_start3A_42 : memref<1x8x128xf32, #tpu.memory_space<hbm>> -> memref<8x128xf32, #tpu.memory_space<hbm>>
        tpu.enqueue_dma source(%arg7 : memref<8x128xf32, #tpu.memory_space<vmem>>) target(%dma_start3A_43 : memref<8x128xf32, #tpu.memory_space<hbm>>) target_semaphore(%run_scoped3A_38 : memref<!tpu.dma_semaphore, #tpu.memory_space<semaphore_mem>>)
        %dma_wait3A = arith.constant 0 : i32
        %dma_wait3A_44 = tpu.memref_slice %arg3[%arg0, %mul3A_16, %dma_wait3A] : memref<2x80x128xf32, #tpu.memory_space<hbm>> -> memref<1x8x128xf32, #tpu.memory_space<hbm>>
        %dma_wait3A_45 = tpu.memref_squeeze %dma_wait3A_44 : memref<1x8x128xf32, #tpu.memory_space<hbm>> -> memref<8x128xf32, #tpu.memory_space<hbm>>
        %dma_wait3A_46 = arith.constant 0 : i32
        %dma_wait3A_47 = tpu.memref_slice %arg3[%arg0, %mul3A_16, %dma_wait3A_46] : memref<2x80x128xf32, #tpu.memory_space<hbm>> -> memref<1x8x128xf32, #tpu.memory_space<hbm>>
        %dma_wait3A_48 = tpu.memref_squeeze %dma_wait3A_47 : memref<1x8x128xf32, #tpu.memory_space<hbm>> -> memref<8x128xf32, #tpu.memory_space<hbm>>
        tpu.wait_dma2 semaphore(%run_scoped3A_38 : memref<!tpu.dma_semaphore, #tpu.memory_space<semaphore_mem>>) src(%arg7 : memref<8x128xf32, #tpu.memory_space<vmem>>) dst(%dma_wait3A_48 : memref<8x128xf32, #tpu.memory_space<hbm>>)
        tpu.yield
      }) : () -> ()
    } else {
    }
    return
  }
}

#map = affine_map<(d0, d1) -> (0, 0)>
#map1 = affine_map<(d0, d1) -> (0, 0, 0, 0)>
#map2 = affine_map<(d0, d1) -> (0, 0, 0)>
module attributes {stable_mosaic.version = 14 : i64} {
  func.func @_sc_agg(%arg0: i32, %arg1: i32, %arg2: memref<20480x32xi32, #tpu.memory_space<hbm>>, %arg3: memref<2x16x162x128xi32, #tpu.memory_space<hbm>>, %arg4: memref<16x162x128xi32, #tpu.memory_space<hbm>>, %arg5: memref<640x64xf32, #tpu.memory_space<hbm>>, %arg6: memref<2x10240x64xf32, #tpu.memory_space<hbm>>, %arg7: memref<162x128xi32, #tpu.memory_space<vmem>>, %arg8: memref<162x128xi32, #tpu.memory_space<vmem>>, %arg9: memref<128x32xi32, #tpu.memory_space<vmem>>, %arg10: memref<128x32xi32, #tpu.memory_space<vmem>>, %arg11: memref<128x32xi32, #tpu.memory_space<vmem>>, %arg12: memref<128x64xf32, #tpu.memory_space<vmem>>, %arg13: memref<128x64xf32, #tpu.memory_space<vmem>>, %arg14: memref<128x64xf32, #tpu.memory_space<vmem>>, %arg15: memref<3x!tpu.dma_semaphore, #tpu.memory_space<semaphore_mem>>, %arg16: memref<3x!tpu.dma_semaphore, #tpu.memory_space<semaphore_mem>>, %arg17: memref<10240x64xf32, #tpu.memory_space<vmem_shared>>) attributes {dimension_semantics = [#tpu.dimension_semantics<core_parallel>, #tpu.dimension_semantics<subcore_parallel>], iteration_bounds = array<i64: 2, 16>, scalar_prefetch = 0 : i64, scratch_operands = 11 : i64, tpu.core_type = #tpu.core_type<sc_vector_subcore>, window_params = [{transform_indices = #map}, {transform_indices = #map1}, {transform_indices = #map2}, {transform_indices = #map}, {transform_indices = #map2}]} {
    %mul3A = arith.constant 640 : i32
    %mul3A_0 = arith.muli %arg1, %mul3A : i32
    "tpu.region"() ({
      %run_scoped3A = tpu.sem_alloc : memref<!tpu.dma_semaphore, #tpu.memory_space<semaphore_mem>>
      %dma_start3A_72 = arith.constant 0 : i32
      %dma_start3A_73 = tpu.memref_slice %arg17[%mul3A_0, %dma_start3A_72] : memref<10240x64xf32, #tpu.memory_space<vmem_shared>> -> memref<640x64xf32, #tpu.memory_space<vmem_shared>>
      tpu.enqueue_dma source(%arg5 : memref<640x64xf32, #tpu.memory_space<hbm>>) target(%dma_start3A_73 : memref<640x64xf32, #tpu.memory_space<vmem_shared>>) target_semaphore(%run_scoped3A : memref<!tpu.dma_semaphore, #tpu.memory_space<semaphore_mem>>)
      %dma_wait3A_74 = arith.constant 0 : i32
      %dma_wait3A_75 = tpu.memref_slice %arg17[%mul3A_0, %dma_wait3A_74] : memref<10240x64xf32, #tpu.memory_space<vmem_shared>> -> memref<640x64xf32, #tpu.memory_space<vmem_shared>>
      tpu.wait_dma2 semaphore(%run_scoped3A : memref<!tpu.dma_semaphore, #tpu.memory_space<semaphore_mem>>) src(%arg5 : memref<640x64xf32, #tpu.memory_space<hbm>>) dst(%dma_wait3A_75 : memref<640x64xf32, #tpu.memory_space<vmem_shared>>)
      tpu.yield
    }) : () -> ()
    "tpu.region"() ({
      %run_scoped3A = tpu.sem_alloc : memref<!tpu.dma_semaphore, #tpu.memory_space<semaphore_mem>>
      %dma_start3A_72 = arith.constant 0 : i32
      %dma_start3A_73 = arith.constant 0 : i32
      %dma_start3A_74 = tpu.memref_slice %arg3[%arg0, %arg1, %dma_start3A_72, %dma_start3A_73] : memref<2x16x162x128xi32, #tpu.memory_space<hbm>> -> memref<1x1x162x128xi32, #tpu.memory_space<hbm>>
      %dma_start3A_75 = tpu.memref_squeeze %dma_start3A_74 : memref<1x1x162x128xi32, #tpu.memory_space<hbm>> -> memref<162x128xi32, #tpu.memory_space<hbm>>
      %dma_start3A_76 = arith.constant 0 : i32
      %dma_start3A_77 = arith.constant 0 : i32
      %dma_start3A_78 = tpu.memref_slice %arg3[%arg0, %arg1, %dma_start3A_76, %dma_start3A_77] : memref<2x16x162x128xi32, #tpu.memory_space<hbm>> -> memref<1x1x162x128xi32, #tpu.memory_space<hbm>>
      %dma_start3A_79 = tpu.memref_squeeze %dma_start3A_78 : memref<1x1x162x128xi32, #tpu.memory_space<hbm>> -> memref<162x128xi32, #tpu.memory_space<hbm>>
      tpu.enqueue_dma source(%dma_start3A_79 : memref<162x128xi32, #tpu.memory_space<hbm>>) target(%arg7 : memref<162x128xi32, #tpu.memory_space<vmem>>) target_semaphore(%run_scoped3A : memref<!tpu.dma_semaphore, #tpu.memory_space<semaphore_mem>>)
      %dma_wait3A_80 = arith.constant 0 : i32
      %dma_wait3A_81 = arith.constant 0 : i32
      %dma_wait3A_82 = tpu.memref_slice %arg3[%arg0, %arg1, %dma_wait3A_80, %dma_wait3A_81] : memref<2x16x162x128xi32, #tpu.memory_space<hbm>> -> memref<1x1x162x128xi32, #tpu.memory_space<hbm>>
      %dma_wait3A_83 = tpu.memref_squeeze %dma_wait3A_82 : memref<1x1x162x128xi32, #tpu.memory_space<hbm>> -> memref<162x128xi32, #tpu.memory_space<hbm>>
      %dma_wait3A_84 = arith.constant 0 : i32
      %dma_wait3A_85 = arith.constant 0 : i32
      %dma_wait3A_86 = tpu.memref_slice %arg3[%arg0, %arg1, %dma_wait3A_84, %dma_wait3A_85] : memref<2x16x162x128xi32, #tpu.memory_space<hbm>> -> memref<1x1x162x128xi32, #tpu.memory_space<hbm>>
      %dma_wait3A_87 = tpu.memref_squeeze %dma_wait3A_86 : memref<1x1x162x128xi32, #tpu.memory_space<hbm>> -> memref<162x128xi32, #tpu.memory_space<hbm>>
      tpu.wait_dma2 semaphore(%run_scoped3A : memref<!tpu.dma_semaphore, #tpu.memory_space<semaphore_mem>>) src(%dma_wait3A_87 : memref<162x128xi32, #tpu.memory_space<hbm>>) dst(%arg7 : memref<162x128xi32, #tpu.memory_space<vmem>>)
      tpu.yield
    }) : () -> ()
    "tpu.region"() ({
      %run_scoped3A = tpu.sem_alloc : memref<!tpu.dma_semaphore, #tpu.memory_space<semaphore_mem>>
      %dma_start3A_72 = arith.constant 0 : i32
      %dma_start3A_73 = arith.constant 0 : i32
      %dma_start3A_74 = tpu.memref_slice %arg4[%arg1, %dma_start3A_72, %dma_start3A_73] : memref<16x162x128xi32, #tpu.memory_space<hbm>> -> memref<1x162x128xi32, #tpu.memory_space<hbm>>
      %dma_start3A_75 = tpu.memref_squeeze %dma_start3A_74 : memref<1x162x128xi32, #tpu.memory_space<hbm>> -> memref<162x128xi32, #tpu.memory_space<hbm>>
      %dma_start3A_76 = arith.constant 0 : i32
      %dma_start3A_77 = arith.constant 0 : i32
      %dma_start3A_78 = tpu.memref_slice %arg4[%arg1, %dma_start3A_76, %dma_start3A_77] : memref<16x162x128xi32, #tpu.memory_space<hbm>> -> memref<1x162x128xi32, #tpu.memory_space<hbm>>
      %dma_start3A_79 = tpu.memref_squeeze %dma_start3A_78 : memref<1x162x128xi32, #tpu.memory_space<hbm>> -> memref<162x128xi32, #tpu.memory_space<hbm>>
      tpu.enqueue_dma source(%dma_start3A_79 : memref<162x128xi32, #tpu.memory_space<hbm>>) target(%arg8 : memref<162x128xi32, #tpu.memory_space<vmem>>) target_semaphore(%run_scoped3A : memref<!tpu.dma_semaphore, #tpu.memory_space<semaphore_mem>>)
      %dma_wait3A_80 = arith.constant 0 : i32
      %dma_wait3A_81 = arith.constant 0 : i32
      %dma_wait3A_82 = tpu.memref_slice %arg4[%arg1, %dma_wait3A_80, %dma_wait3A_81] : memref<16x162x128xi32, #tpu.memory_space<hbm>> -> memref<1x162x128xi32, #tpu.memory_space<hbm>>
      %dma_wait3A_83 = tpu.memref_squeeze %dma_wait3A_82 : memref<1x162x128xi32, #tpu.memory_space<hbm>> -> memref<162x128xi32, #tpu.memory_space<hbm>>
      %dma_wait3A_84 = arith.constant 0 : i32
      %dma_wait3A_85 = arith.constant 0 : i32
      %dma_wait3A_86 = tpu.memref_slice %arg4[%arg1, %dma_wait3A_84, %dma_wait3A_85] : memref<16x162x128xi32, #tpu.memory_space<hbm>> -> memref<1x162x128xi32, #tpu.memory_space<hbm>>
      %dma_wait3A_87 = tpu.memref_squeeze %dma_wait3A_86 : memref<1x162x128xi32, #tpu.memory_space<hbm>> -> memref<162x128xi32, #tpu.memory_space<hbm>>
      tpu.wait_dma2 semaphore(%run_scoped3A : memref<!tpu.dma_semaphore, #tpu.memory_space<semaphore_mem>>) src(%dma_wait3A_87 : memref<162x128xi32, #tpu.memory_space<hbm>>) dst(%arg8 : memref<162x128xi32, #tpu.memory_space<vmem>>)
      tpu.yield
    }) : () -> ()
    %barrier3A = arith.constant 0 : index
    tpu.barrier barrier_id(%barrier3A)
    %broadcast_in_dim3A = arith.constant -65536 : i32
    %broadcast_in_dim3A_1 = vector.broadcast %broadcast_in_dim3A : i32 to vector<16xi32>
    %dma_start3A = arith.constant 0 : i32
    %dma_start3A_2 = arith.constant 0 : i32
    %dma_start3A_3 = arith.constant 0 : i32
    %dma_start3A_4 = tpu.memref_slice %arg7[%dma_start3A, %dma_start3A_3] : memref<162x128xi32, #tpu.memory_space<vmem>> -> memref<1x128xi32, #tpu.memory_space<vmem>>
    %dma_start3A_5 = tpu.memref_squeeze %dma_start3A_4 : memref<1x128xi32, #tpu.memory_space<vmem>> -> memref<128xi32, #tpu.memory_space<vmem>>
    %dma_start3A_6 = arith.constant 0 : i32
    %dma_start3A_7 = arith.constant 0 : i32
    %dma_start3A_8 = tpu.memref_slice %arg2[%dma_start3A_6, %dma_start3A_7] : memref<20480x32xi32, #tpu.memory_space<hbm>> -> memref<20480x32xi32, #tpu.memory_space<hbm>>
    %dma_start3A_9 = tpu.memref_slice %arg15[%dma_start3A_2] : memref<3x!tpu.dma_semaphore, #tpu.memory_space<semaphore_mem>> -> memref<1x!tpu.dma_semaphore, #tpu.memory_space<semaphore_mem>>
    %dma_start3A_10 = tpu.memref_squeeze %dma_start3A_9 : memref<1x!tpu.dma_semaphore, #tpu.memory_space<semaphore_mem>> -> memref<!tpu.dma_semaphore, #tpu.memory_space<semaphore_mem>>
    tpu.enqueue_indirect_dma source(%dma_start3A_8 : memref<20480x32xi32, #tpu.memory_space<hbm>>) target(%arg9 : memref<128x32xi32, #tpu.memory_space<vmem>>) offsets(%dma_start3A_5 : memref<128xi32, #tpu.memory_space<vmem>>) semaphore(%dma_start3A_10 : memref<!tpu.dma_semaphore, #tpu.memory_space<semaphore_mem>>)
    %dma_start3A_11 = arith.constant 1 : i32
    %dma_start3A_12 = arith.constant 1 : i32
    %dma_start3A_13 = arith.constant 0 : i32
    %dma_start3A_14 = tpu.memref_slice %arg7[%dma_start3A_11, %dma_start3A_13] : memref<162x128xi32, #tpu.memory_space<vmem>> -> memref<1x128xi32, #tpu.memory_space<vmem>>
    %dma_start3A_15 = tpu.memref_squeeze %dma_start3A_14 : memref<1x128xi32, #tpu.memory_space<vmem>> -> memref<128xi32, #tpu.memory_space<vmem>>
    %dma_start3A_16 = arith.constant 0 : i32
    %dma_start3A_17 = arith.constant 0 : i32
    %dma_start3A_18 = tpu.memref_slice %arg2[%dma_start3A_16, %dma_start3A_17] : memref<20480x32xi32, #tpu.memory_space<hbm>> -> memref<20480x32xi32, #tpu.memory_space<hbm>>
    %dma_start3A_19 = tpu.memref_slice %arg15[%dma_start3A_12] : memref<3x!tpu.dma_semaphore, #tpu.memory_space<semaphore_mem>> -> memref<1x!tpu.dma_semaphore, #tpu.memory_space<semaphore_mem>>
    %dma_start3A_20 = tpu.memref_squeeze %dma_start3A_19 : memref<1x!tpu.dma_semaphore, #tpu.memory_space<semaphore_mem>> -> memref<!tpu.dma_semaphore, #tpu.memory_space<semaphore_mem>>
    tpu.enqueue_indirect_dma source(%dma_start3A_18 : memref<20480x32xi32, #tpu.memory_space<hbm>>) target(%arg10 : memref<128x32xi32, #tpu.memory_space<vmem>>) offsets(%dma_start3A_15 : memref<128xi32, #tpu.memory_space<vmem>>) semaphore(%dma_start3A_20 : memref<!tpu.dma_semaphore, #tpu.memory_space<semaphore_mem>>)
    %dma_start3A_21 = arith.constant 2 : i32
    %dma_start3A_22 = arith.constant 2 : i32
    %dma_start3A_23 = arith.constant 0 : i32
    %dma_start3A_24 = tpu.memref_slice %arg7[%dma_start3A_21, %dma_start3A_23] : memref<162x128xi32, #tpu.memory_space<vmem>> -> memref<1x128xi32, #tpu.memory_space<vmem>>
    %dma_start3A_25 = tpu.memref_squeeze %dma_start3A_24 : memref<1x128xi32, #tpu.memory_space<vmem>> -> memref<128xi32, #tpu.memory_space<vmem>>
    %dma_start3A_26 = arith.constant 0 : i32
    %dma_start3A_27 = arith.constant 0 : i32
    %dma_start3A_28 = tpu.memref_slice %arg2[%dma_start3A_26, %dma_start3A_27] : memref<20480x32xi32, #tpu.memory_space<hbm>> -> memref<20480x32xi32, #tpu.memory_space<hbm>>
    %dma_start3A_29 = tpu.memref_slice %arg15[%dma_start3A_22] : memref<3x!tpu.dma_semaphore, #tpu.memory_space<semaphore_mem>> -> memref<1x!tpu.dma_semaphore, #tpu.memory_space<semaphore_mem>>
    %dma_start3A_30 = tpu.memref_squeeze %dma_start3A_29 : memref<1x!tpu.dma_semaphore, #tpu.memory_space<semaphore_mem>> -> memref<!tpu.dma_semaphore, #tpu.memory_space<semaphore_mem>>
    tpu.enqueue_indirect_dma source(%dma_start3A_28 : memref<20480x32xi32, #tpu.memory_space<hbm>>) target(%arg11 : memref<128x32xi32, #tpu.memory_space<vmem>>) offsets(%dma_start3A_25 : memref<128xi32, #tpu.memory_space<vmem>>) semaphore(%dma_start3A_30 : memref<!tpu.dma_semaphore, #tpu.memory_space<semaphore_mem>>)
    %scan3A = arith.constant 0 : i32
    %scan3A_31 = arith.constant 0 : i32
    %scan3A_32 = arith.constant 0 : i32
    %scan3A_33 = arith.constant 1 : i32
    %scan3A_34 = arith.constant 1 : i32
    %scan3A_35 = arith.constant 2 : i32
    %scan3A_36 = arith.constant 2 : i32
    %scan3A_37 = arith.constant 0 : i32
    %scan3A_38 = arith.constant 54 : i32
    %scan3A_39 = arith.addi %scan3A_37, %scan3A_38 : i32
    %scan3A_40 = arith.constant 1 : i32
    scf.for %scan3A_72 = %scan3A_37 to %scan3A_39 step %scan3A_40  : i32 {
      %mul3A_73 = arith.constant 3 : i32
      %mul3A_74 = arith.muli %scan3A_72, %mul3A_73 : i32
      %add3A = arith.constant 0 : i32
      %add3A_75 = arith.addi %mul3A_74, %add3A : i32
      %dma_wait3A_76 = arith.constant 0 : i32
      %dma_wait3A_77 = tpu.memref_slice %arg7[%add3A_75, %dma_wait3A_76] : memref<162x128xi32, #tpu.memory_space<vmem>> -> memref<1x128xi32, #tpu.memory_space<vmem>>
      %dma_wait3A_78 = tpu.memref_squeeze %dma_wait3A_77 : memref<1x128xi32, #tpu.memory_space<vmem>> -> memref<128xi32, #tpu.memory_space<vmem>>
      %dma_wait3A_79 = arith.constant 0 : i32
      %dma_wait3A_80 = arith.constant 0 : i32
      %dma_wait3A_81 = tpu.memref_slice %arg2[%dma_wait3A_79, %dma_wait3A_80] : memref<20480x32xi32, #tpu.memory_space<hbm>> -> memref<20480x32xi32, #tpu.memory_space<hbm>>
      %dma_wait3A_82 = tpu.memref_slice %arg15[%scan3A_31] : memref<3x!tpu.dma_semaphore, #tpu.memory_space<semaphore_mem>> -> memref<1x!tpu.dma_semaphore, #tpu.memory_space<semaphore_mem>>
      %dma_wait3A_83 = tpu.memref_squeeze %dma_wait3A_82 : memref<1x!tpu.dma_semaphore, #tpu.memory_space<semaphore_mem>> -> memref<!tpu.dma_semaphore, #tpu.memory_space<semaphore_mem>>
      tpu.wait_indirect_dma semaphore(%dma_wait3A_83 : memref<!tpu.dma_semaphore, #tpu.memory_space<semaphore_mem>>) src(%dma_wait3A_81 : memref<20480x32xi32, #tpu.memory_space<hbm>>) dst(%arg9 : memref<128x32xi32, #tpu.memory_space<vmem>>)
      %scan3A_84 = arith.constant 0 : i32
      %scan3A_85 = arith.constant 0 : i32
      %scan3A_86 = arith.constant 128 : i32
      %scan3A_87 = arith.addi %scan3A_85, %scan3A_86 : i32
      %scan3A_88 = arith.constant 1 : i32
      scf.for %scan3A_170 = %scan3A_85 to %scan3A_87 step %scan3A_88  : i32 {
        %get3A = arith.index_cast %scan3A_170 : i32 to index
        %get3A_171 = arith.constant 0 : index
        %get3A_172 = tpu.vector_load %arg9[%get3A, %get3A_171] {strides = array<i32>} : memref<128x32xi32, #tpu.memory_space<vmem>>, vector<16xi32>,
        %shift_left3A = arith.constant 16 : i32
        %shift_left3A_173 = vector.broadcast %shift_left3A : i32 to vector<16xi32>
        %shift_left3A_174 = arith.shli %get3A_172, %shift_left3A_173 : vector<16xi32>
        %bitcast3A = vector.bitcast %shift_left3A_174 : vector<16xi32> to vector<16xf32>
        %swap3A = arith.index_cast %scan3A_170 : i32 to index
        %swap3A_175 = arith.constant 0 : index
        %swap3A_176 = tpu.vector_load %arg12[%swap3A, %swap3A_175] {strides = array<i32>} : memref<128x64xf32, #tpu.memory_space<vmem>>, vector<16xf32>,
        tpu.vector_store %arg12[%swap3A, %swap3A_175], %bitcast3A {strides = array<i32>} : memref<128x64xf32, #tpu.memory_space<vmem>>, vector<16xf32>,
        %and3A = arith.andi %get3A_172, %broadcast_in_dim3A_1 : vector<16xi32>
        %bitcast3A_177 = vector.bitcast %and3A : vector<16xi32> to vector<16xf32>
        %swap3A_178 = arith.index_cast %scan3A_170 : i32 to index
        %swap3A_179 = arith.constant 16 : index
        %swap3A_180 = tpu.vector_load %arg12[%swap3A_178, %swap3A_179] {strides = array<i32>} : memref<128x64xf32, #tpu.memory_space<vmem>>, vector<16xf32>,
        tpu.vector_store %arg12[%swap3A_178, %swap3A_179], %bitcast3A_177 {strides = array<i32>} : memref<128x64xf32, #tpu.memory_space<vmem>>, vector<16xf32>,
        %get3A_181 = arith.index_cast %scan3A_170 : i32 to index
        %get3A_182 = arith.constant 16 : index
        %get3A_183 = tpu.vector_load %arg9[%get3A_181, %get3A_182] {strides = array<i32>} : memref<128x32xi32, #tpu.memory_space<vmem>>, vector<16xi32>,
        %shift_left3A_184 = arith.constant 16 : i32
        %shift_left3A_185 = vector.broadcast %shift_left3A_184 : i32 to vector<16xi32>
        %shift_left3A_186 = arith.shli %get3A_183, %shift_left3A_185 : vector<16xi32>
        %bitcast3A_187 = vector.bitcast %shift_left3A_186 : vector<16xi32> to vector<16xf32>
        %swap3A_188 = arith.index_cast %scan3A_170 : i32 to index
        %swap3A_189 = arith.constant 32 : index
        %swap3A_190 = tpu.vector_load %arg12[%swap3A_188, %swap3A_189] {strides = array<i32>} : memref<128x64xf32, #tpu.memory_space<vmem>>, vector<16xf32>,
        tpu.vector_store %arg12[%swap3A_188, %swap3A_189], %bitcast3A_187 {strides = array<i32>} : memref<128x64xf32, #tpu.memory_space<vmem>>, vector<16xf32>,
        %and3A_191 = arith.andi %get3A_183, %broadcast_in_dim3A_1 : vector<16xi32>
        %bitcast3A_192 = vector.bitcast %and3A_191 : vector<16xi32> to vector<16xf32>
        %swap3A_193 = arith.index_cast %scan3A_170 : i32 to index
        %swap3A_194 = arith.constant 48 : index
        %swap3A_195 = tpu.vector_load %arg12[%swap3A_193, %swap3A_194] {strides = array<i32>} : memref<128x64xf32, #tpu.memory_space<vmem>>, vector<16xf32>,
        tpu.vector_store %arg12[%swap3A_193, %swap3A_194], %bitcast3A_192 {strides = array<i32>} : memref<128x64xf32, #tpu.memory_space<vmem>>, vector<16xf32>,
      }
      %scan3A_89 = arith.constant 128 : i32
      %dma_start3A_90 = arith.constant 0 : i32
      %dma_start3A_91 = tpu.memref_slice %arg8[%add3A_75, %dma_start3A_90] : memref<162x128xi32, #tpu.memory_space<vmem>> -> memref<1x128xi32, #tpu.memory_space<vmem>>
      %dma_start3A_92 = tpu.memref_squeeze %dma_start3A_91 : memref<1x128xi32, #tpu.memory_space<vmem>> -> memref<128xi32, #tpu.memory_space<vmem>>
      %dma_start3A_93 = arith.constant 0 : i32
      %dma_start3A_94 = arith.constant 0 : i32
      %dma_start3A_95 = tpu.memref_slice %arg17[%dma_start3A_93, %dma_start3A_94] : memref<10240x64xf32, #tpu.memory_space<vmem_shared>> -> memref<10240x64xf32, #tpu.memory_space<vmem_shared>>
      %dma_start3A_96 = tpu.memref_slice %arg16[%scan3A_32] : memref<3x!tpu.dma_semaphore, #tpu.memory_space<semaphore_mem>> -> memref<1x!tpu.dma_semaphore, #tpu.memory_space<semaphore_mem>>
      %dma_start3A_97 = tpu.memref_squeeze %dma_start3A_96 : memref<1x!tpu.dma_semaphore, #tpu.memory_space<semaphore_mem>> -> memref<!tpu.dma_semaphore, #tpu.memory_space<semaphore_mem>>
      tpu.enqueue_indirect_dma source(%arg12 : memref<128x64xf32, #tpu.memory_space<vmem>>) target(%dma_start3A_95 : memref<10240x64xf32, #tpu.memory_space<vmem_shared>>) offsets(%dma_start3A_92 : memref<128xi32, #tpu.memory_space<vmem>>) semaphore(%dma_start3A_97 : memref<!tpu.dma_semaphore, #tpu.memory_space<semaphore_mem>>) {add = true}
      %add3A_98 = arith.constant 1 : i32
      %add3A_99 = arith.addi %mul3A_74, %add3A_98 : i32
      %dma_wait3A_100 = arith.constant 0 : i32
      %dma_wait3A_101 = tpu.memref_slice %arg7[%add3A_99, %dma_wait3A_100] : memref<162x128xi32, #tpu.memory_space<vmem>> -> memref<1x128xi32, #tpu.memory_space<vmem>>
      %dma_wait3A_102 = tpu.memref_squeeze %dma_wait3A_101 : memref<1x128xi32, #tpu.memory_space<vmem>> -> memref<128xi32, #tpu.memory_space<vmem>>
      %dma_wait3A_103 = arith.constant 0 : i32
      %dma_wait3A_104 = arith.constant 0 : i32
      %dma_wait3A_105 = tpu.memref_slice %arg2[%dma_wait3A_103, %dma_wait3A_104] : memref<20480x32xi32, #tpu.memory_space<hbm>> -> memref<20480x32xi32, #tpu.memory_space<hbm>>
      %dma_wait3A_106 = tpu.memref_slice %arg15[%scan3A_33] : memref<3x!tpu.dma_semaphore, #tpu.memory_space<semaphore_mem>> -> memref<1x!tpu.dma_semaphore, #tpu.memory_space<semaphore_mem>>
      %dma_wait3A_107 = tpu.memref_squeeze %dma_wait3A_106 : memref<1x!tpu.dma_semaphore, #tpu.memory_space<semaphore_mem>> -> memref<!tpu.dma_semaphore, #tpu.memory_space<semaphore_mem>>
      tpu.wait_indirect_dma semaphore(%dma_wait3A_107 : memref<!tpu.dma_semaphore, #tpu.memory_space<semaphore_mem>>) src(%dma_wait3A_105 : memref<20480x32xi32, #tpu.memory_space<hbm>>) dst(%arg10 : memref<128x32xi32, #tpu.memory_space<vmem>>)
      %scan3A_108 = arith.constant 0 : i32
      %scan3A_109 = arith.constant 0 : i32
      %scan3A_110 = arith.constant 128 : i32
      %scan3A_111 = arith.addi %scan3A_109, %scan3A_110 : i32
      %scan3A_112 = arith.constant 1 : i32
      scf.for %scan3A_170 = %scan3A_109 to %scan3A_111 step %scan3A_112  : i32 {
        %get3A = arith.index_cast %scan3A_170 : i32 to index
        %get3A_171 = arith.constant 0 : index
        %get3A_172 = tpu.vector_load %arg10[%get3A, %get3A_171] {strides = array<i32>} : memref<128x32xi32, #tpu.memory_space<vmem>>, vector<16xi32>,
        %shift_left3A = arith.constant 16 : i32
        %shift_left3A_173 = vector.broadcast %shift_left3A : i32 to vector<16xi32>
        %shift_left3A_174 = arith.shli %get3A_172, %shift_left3A_173 : vector<16xi32>
        %bitcast3A = vector.bitcast %shift_left3A_174 : vector<16xi32> to vector<16xf32>
        %swap3A = arith.index_cast %scan3A_170 : i32 to index
        %swap3A_175 = arith.constant 0 : index
        %swap3A_176 = tpu.vector_load %arg13[%swap3A, %swap3A_175] {strides = array<i32>} : memref<128x64xf32, #tpu.memory_space<vmem>>, vector<16xf32>,
        tpu.vector_store %arg13[%swap3A, %swap3A_175], %bitcast3A {strides = array<i32>} : memref<128x64xf32, #tpu.memory_space<vmem>>, vector<16xf32>,
        %and3A = arith.andi %get3A_172, %broadcast_in_dim3A_1 : vector<16xi32>
        %bitcast3A_177 = vector.bitcast %and3A : vector<16xi32> to vector<16xf32>
        %swap3A_178 = arith.index_cast %scan3A_170 : i32 to index
        %swap3A_179 = arith.constant 16 : index
        %swap3A_180 = tpu.vector_load %arg13[%swap3A_178, %swap3A_179] {strides = array<i32>} : memref<128x64xf32, #tpu.memory_space<vmem>>, vector<16xf32>,
        tpu.vector_store %arg13[%swap3A_178, %swap3A_179], %bitcast3A_177 {strides = array<i32>} : memref<128x64xf32, #tpu.memory_space<vmem>>, vector<16xf32>,
        %get3A_181 = arith.index_cast %scan3A_170 : i32 to index
        %get3A_182 = arith.constant 16 : index
        %get3A_183 = tpu.vector_load %arg10[%get3A_181, %get3A_182] {strides = array<i32>} : memref<128x32xi32, #tpu.memory_space<vmem>>, vector<16xi32>,
        %shift_left3A_184 = arith.constant 16 : i32
        %shift_left3A_185 = vector.broadcast %shift_left3A_184 : i32 to vector<16xi32>
        %shift_left3A_186 = arith.shli %get3A_183, %shift_left3A_185 : vector<16xi32>
        %bitcast3A_187 = vector.bitcast %shift_left3A_186 : vector<16xi32> to vector<16xf32>
        %swap3A_188 = arith.index_cast %scan3A_170 : i32 to index
        %swap3A_189 = arith.constant 32 : index
        %swap3A_190 = tpu.vector_load %arg13[%swap3A_188, %swap3A_189] {strides = array<i32>} : memref<128x64xf32, #tpu.memory_space<vmem>>, vector<16xf32>,
        tpu.vector_store %arg13[%swap3A_188, %swap3A_189], %bitcast3A_187 {strides = array<i32>} : memref<128x64xf32, #tpu.memory_space<vmem>>, vector<16xf32>,
        %and3A_191 = arith.andi %get3A_183, %broadcast_in_dim3A_1 : vector<16xi32>
        %bitcast3A_192 = vector.bitcast %and3A_191 : vector<16xi32> to vector<16xf32>
        %swap3A_193 = arith.index_cast %scan3A_170 : i32 to index
        %swap3A_194 = arith.constant 48 : index
        %swap3A_195 = tpu.vector_load %arg13[%swap3A_193, %swap3A_194] {strides = array<i32>} : memref<128x64xf32, #tpu.memory_space<vmem>>, vector<16xf32>,
        tpu.vector_store %arg13[%swap3A_193, %swap3A_194], %bitcast3A_192 {strides = array<i32>} : memref<128x64xf32, #tpu.memory_space<vmem>>, vector<16xf32>,
      }
      %scan3A_113 = arith.constant 128 : i32
      %dma_start3A_114 = arith.constant 0 : i32
      %dma_start3A_115 = tpu.memref_slice %arg8[%add3A_99, %dma_start3A_114] : memref<162x128xi32, #tpu.memory_space<vmem>> -> memref<1x128xi32, #tpu.memory_space<vmem>>
      %dma_start3A_116 = tpu.memref_squeeze %dma_start3A_115 : memref<1x128xi32, #tpu.memory_space<vmem>> -> memref<128xi32, #tpu.memory_space<vmem>>
      %dma_start3A_117 = arith.constant 0 : i32
      %dma_start3A_118 = arith.constant 0 : i32
      %dma_start3A_119 = tpu.memref_slice %arg17[%dma_start3A_117, %dma_start3A_118] : memref<10240x64xf32, #tpu.memory_space<vmem_shared>> -> memref<10240x64xf32, #tpu.memory_space<vmem_shared>>
      %dma_start3A_120 = tpu.memref_slice %arg16[%scan3A_34] : memref<3x!tpu.dma_semaphore, #tpu.memory_space<semaphore_mem>> -> memref<1x!tpu.dma_semaphore, #tpu.memory_space<semaphore_mem>>
      %dma_start3A_121 = tpu.memref_squeeze %dma_start3A_120 : memref<1x!tpu.dma_semaphore, #tpu.memory_space<semaphore_mem>> -> memref<!tpu.dma_semaphore, #tpu.memory_space<semaphore_mem>>
      tpu.enqueue_indirect_dma source(%arg13 : memref<128x64xf32, #tpu.memory_space<vmem>>) target(%dma_start3A_119 : memref<10240x64xf32, #tpu.memory_space<vmem_shared>>) offsets(%dma_start3A_116 : memref<128xi32, #tpu.memory_space<vmem>>) semaphore(%dma_start3A_121 : memref<!tpu.dma_semaphore, #tpu.memory_space<semaphore_mem>>) {add = true}
      %add3A_122 = arith.constant 2 : i32
      %add3A_123 = arith.addi %mul3A_74, %add3A_122 : i32
      %dma_wait3A_124 = arith.constant 0 : i32
      %dma_wait3A_125 = tpu.memref_slice %arg7[%add3A_123, %dma_wait3A_124] : memref<162x128xi32, #tpu.memory_space<vmem>> -> memref<1x128xi32, #tpu.memory_space<vmem>>
      %dma_wait3A_126 = tpu.memref_squeeze %dma_wait3A_125 : memref<1x128xi32, #tpu.memory_space<vmem>> -> memref<128xi32, #tpu.memory_space<vmem>>
      %dma_wait3A_127 = arith.constant 0 : i32
      %dma_wait3A_128 = arith.constant 0 : i32
      %dma_wait3A_129 = tpu.memref_slice %arg2[%dma_wait3A_127, %dma_wait3A_128] : memref<20480x32xi32, #tpu.memory_space<hbm>> -> memref<20480x32xi32, #tpu.memory_space<hbm>>
      %dma_wait3A_130 = tpu.memref_slice %arg15[%scan3A_35] : memref<3x!tpu.dma_semaphore, #tpu.memory_space<semaphore_mem>> -> memref<1x!tpu.dma_semaphore, #tpu.memory_space<semaphore_mem>>
      %dma_wait3A_131 = tpu.memref_squeeze %dma_wait3A_130 : memref<1x!tpu.dma_semaphore, #tpu.memory_space<semaphore_mem>> -> memref<!tpu.dma_semaphore, #tpu.memory_space<semaphore_mem>>
      tpu.wait_indirect_dma semaphore(%dma_wait3A_131 : memref<!tpu.dma_semaphore, #tpu.memory_space<semaphore_mem>>) src(%dma_wait3A_129 : memref<20480x32xi32, #tpu.memory_space<hbm>>) dst(%arg11 : memref<128x32xi32, #tpu.memory_space<vmem>>)
      %scan3A_132 = arith.constant 0 : i32
      %scan3A_133 = arith.constant 0 : i32
      %scan3A_134 = arith.constant 128 : i32
      %scan3A_135 = arith.addi %scan3A_133, %scan3A_134 : i32
      %scan3A_136 = arith.constant 1 : i32
      scf.for %scan3A_170 = %scan3A_133 to %scan3A_135 step %scan3A_136  : i32 {
        %get3A = arith.index_cast %scan3A_170 : i32 to index
        %get3A_171 = arith.constant 0 : index
        %get3A_172 = tpu.vector_load %arg11[%get3A, %get3A_171] {strides = array<i32>} : memref<128x32xi32, #tpu.memory_space<vmem>>, vector<16xi32>,
        %shift_left3A = arith.constant 16 : i32
        %shift_left3A_173 = vector.broadcast %shift_left3A : i32 to vector<16xi32>
        %shift_left3A_174 = arith.shli %get3A_172, %shift_left3A_173 : vector<16xi32>
        %bitcast3A = vector.bitcast %shift_left3A_174 : vector<16xi32> to vector<16xf32>
        %swap3A = arith.index_cast %scan3A_170 : i32 to index
        %swap3A_175 = arith.constant 0 : index
        %swap3A_176 = tpu.vector_load %arg14[%swap3A, %swap3A_175] {strides = array<i32>} : memref<128x64xf32, #tpu.memory_space<vmem>>, vector<16xf32>,
        tpu.vector_store %arg14[%swap3A, %swap3A_175], %bitcast3A {strides = array<i32>} : memref<128x64xf32, #tpu.memory_space<vmem>>, vector<16xf32>,
        %and3A = arith.andi %get3A_172, %broadcast_in_dim3A_1 : vector<16xi32>
        %bitcast3A_177 = vector.bitcast %and3A : vector<16xi32> to vector<16xf32>
        %swap3A_178 = arith.index_cast %scan3A_170 : i32 to index
        %swap3A_179 = arith.constant 16 : index
        %swap3A_180 = tpu.vector_load %arg14[%swap3A_178, %swap3A_179] {strides = array<i32>} : memref<128x64xf32, #tpu.memory_space<vmem>>, vector<16xf32>,
        tpu.vector_store %arg14[%swap3A_178, %swap3A_179], %bitcast3A_177 {strides = array<i32>} : memref<128x64xf32, #tpu.memory_space<vmem>>, vector<16xf32>,
        %get3A_181 = arith.index_cast %scan3A_170 : i32 to index
        %get3A_182 = arith.constant 16 : index
        %get3A_183 = tpu.vector_load %arg11[%get3A_181, %get3A_182] {strides = array<i32>} : memref<128x32xi32, #tpu.memory_space<vmem>>, vector<16xi32>,
        %shift_left3A_184 = arith.constant 16 : i32
        %shift_left3A_185 = vector.broadcast %shift_left3A_184 : i32 to vector<16xi32>
        %shift_left3A_186 = arith.shli %get3A_183, %shift_left3A_185 : vector<16xi32>
        %bitcast3A_187 = vector.bitcast %shift_left3A_186 : vector<16xi32> to vector<16xf32>
        %swap3A_188 = arith.index_cast %scan3A_170 : i32 to index
        %swap3A_189 = arith.constant 32 : index
        %swap3A_190 = tpu.vector_load %arg14[%swap3A_188, %swap3A_189] {strides = array<i32>} : memref<128x64xf32, #tpu.memory_space<vmem>>, vector<16xf32>,
        tpu.vector_store %arg14[%swap3A_188, %swap3A_189], %bitcast3A_187 {strides = array<i32>} : memref<128x64xf32, #tpu.memory_space<vmem>>, vector<16xf32>,
        %and3A_191 = arith.andi %get3A_183, %broadcast_in_dim3A_1 : vector<16xi32>
        %bitcast3A_192 = vector.bitcast %and3A_191 : vector<16xi32> to vector<16xf32>
        %swap3A_193 = arith.index_cast %scan3A_170 : i32 to index
        %swap3A_194 = arith.constant 48 : index
        %swap3A_195 = tpu.vector_load %arg14[%swap3A_193, %swap3A_194] {strides = array<i32>} : memref<128x64xf32, #tpu.memory_space<vmem>>, vector<16xf32>,
        tpu.vector_store %arg14[%swap3A_193, %swap3A_194], %bitcast3A_192 {strides = array<i32>} : memref<128x64xf32, #tpu.memory_space<vmem>>, vector<16xf32>,
      }
      %scan3A_137 = arith.constant 128 : i32
      %dma_start3A_138 = arith.constant 0 : i32
      %dma_start3A_139 = tpu.memref_slice %arg8[%add3A_123, %dma_start3A_138] : memref<162x128xi32, #tpu.memory_space<vmem>> -> memref<1x128xi32, #tpu.memory_space<vmem>>
      %dma_start3A_140 = tpu.memref_squeeze %dma_start3A_139 : memref<1x128xi32, #tpu.memory_space<vmem>> -> memref<128xi32, #tpu.memory_space<vmem>>
      %dma_start3A_141 = arith.constant 0 : i32
      %dma_start3A_142 = arith.constant 0 : i32
      %dma_start3A_143 = tpu.memref_slice %arg17[%dma_start3A_141, %dma_start3A_142] : memref<10240x64xf32, #tpu.memory_space<vmem_shared>> -> memref<10240x64xf32, #tpu.memory_space<vmem_shared>>
      %dma_start3A_144 = tpu.memref_slice %arg16[%scan3A_36] : memref<3x!tpu.dma_semaphore, #tpu.memory_space<semaphore_mem>> -> memref<1x!tpu.dma_semaphore, #tpu.memory_space<semaphore_mem>>
      %dma_start3A_145 = tpu.memref_squeeze %dma_start3A_144 : memref<1x!tpu.dma_semaphore, #tpu.memory_space<semaphore_mem>> -> memref<!tpu.dma_semaphore, #tpu.memory_space<semaphore_mem>>
      tpu.enqueue_indirect_dma source(%arg14 : memref<128x64xf32, #tpu.memory_space<vmem>>) target(%dma_start3A_143 : memref<10240x64xf32, #tpu.memory_space<vmem_shared>>) offsets(%dma_start3A_140 : memref<128xi32, #tpu.memory_space<vmem>>) semaphore(%dma_start3A_145 : memref<!tpu.dma_semaphore, #tpu.memory_space<semaphore_mem>>) {add = true}
      %add3A_146 = arith.constant 3 : i32
      %add3A_147 = arith.addi %mul3A_74, %add3A_146 : i32
      %add3A_148 = arith.constant 0 : i32
      %add3A_149 = arith.addi %add3A_147, %add3A_148 : i32
      %lt3A = arith.constant 162 : i32
      %lt3A_150 = arith.cmpi slt, %add3A_149, %lt3A : i32
      %convert_element_type3A = arith.extui %lt3A_150 : i1 to i32
      %cond3A = arith.constant 0 : i32
      %cond3A_151 = arith.cmpi ne, %convert_element_type3A, %cond3A : i32
      scf.if %cond3A_151 {
        %add3A_170 = arith.constant 0 : i32
        %add3A_171 = arith.addi %mul3A_74, %add3A_170 : i32
        %dma_wait3A_172 = arith.constant 0 : i32
        %dma_wait3A_173 = tpu.memref_slice %arg8[%add3A_171, %dma_wait3A_172] : memref<162x128xi32, #tpu.memory_space<vmem>> -> memref<1x128xi32, #tpu.memory_space<vmem>>
        %dma_wait3A_174 = tpu.memref_squeeze %dma_wait3A_173 : memref<1x128xi32, #tpu.memory_space<vmem>> -> memref<128xi32, #tpu.memory_space<vmem>>
        %dma_wait3A_175 = arith.constant 0 : i32
        %dma_wait3A_176 = arith.constant 0 : i32
        %dma_wait3A_177 = tpu.memref_slice %arg17[%dma_wait3A_175, %dma_wait3A_176] : memref<10240x64xf32, #tpu.memory_space<vmem_shared>> -> memref<10240x64xf32, #tpu.memory_space<vmem_shared>>
        %dma_wait3A_178 = tpu.memref_slice %arg16[%scan3A_32] : memref<3x!tpu.dma_semaphore, #tpu.memory_space<semaphore_mem>> -> memref<1x!tpu.dma_semaphore, #tpu.memory_space<semaphore_mem>>
        %dma_wait3A_179 = tpu.memref_squeeze %dma_wait3A_178 : memref<1x!tpu.dma_semaphore, #tpu.memory_space<semaphore_mem>> -> memref<!tpu.dma_semaphore, #tpu.memory_space<semaphore_mem>>
        tpu.wait_indirect_dma semaphore(%dma_wait3A_179 : memref<!tpu.dma_semaphore, #tpu.memory_space<semaphore_mem>>) src(%arg12 : memref<128x64xf32, #tpu.memory_space<vmem>>) dst(%dma_wait3A_177 : memref<10240x64xf32, #tpu.memory_space<vmem_shared>>)
        %dma_start3A_180 = arith.constant 0 : i32
        %dma_start3A_181 = tpu.memref_slice %arg7[%add3A_149, %dma_start3A_180] : memref<162x128xi32, #tpu.memory_space<vmem>> -> memref<1x128xi32, #tpu.memory_space<vmem>>
        %dma_start3A_182 = tpu.memref_squeeze %dma_start3A_181 : memref<1x128xi32, #tpu.memory_space<vmem>> -> memref<128xi32, #tpu.memory_space<vmem>>
        %dma_start3A_183 = arith.constant 0 : i32
        %dma_start3A_184 = arith.constant 0 : i32
        %dma_start3A_185 = tpu.memref_slice %arg2[%dma_start3A_183, %dma_start3A_184] : memref<20480x32xi32, #tpu.memory_space<hbm>> -> memref<20480x32xi32, #tpu.memory_space<hbm>>
        %dma_start3A_186 = tpu.memref_slice %arg15[%scan3A_31] : memref<3x!tpu.dma_semaphore, #tpu.memory_space<semaphore_mem>> -> memref<1x!tpu.dma_semaphore, #tpu.memory_space<semaphore_mem>>
        %dma_start3A_187 = tpu.memref_squeeze %dma_start3A_186 : memref<1x!tpu.dma_semaphore, #tpu.memory_space<semaphore_mem>> -> memref<!tpu.dma_semaphore, #tpu.memory_space<semaphore_mem>>
        tpu.enqueue_indirect_dma source(%dma_start3A_185 : memref<20480x32xi32, #tpu.memory_space<hbm>>) target(%arg9 : memref<128x32xi32, #tpu.memory_space<vmem>>) offsets(%dma_start3A_182 : memref<128xi32, #tpu.memory_space<vmem>>) semaphore(%dma_start3A_187 : memref<!tpu.dma_semaphore, #tpu.memory_space<semaphore_mem>>)
      } else {
      }
      %add3A_152 = arith.constant 3 : i32
      %add3A_153 = arith.addi %mul3A_74, %add3A_152 : i32
      %add3A_154 = arith.constant 1 : i32
      %add3A_155 = arith.addi %add3A_153, %add3A_154 : i32
      %lt3A_156 = arith.constant 162 : i32
      %lt3A_157 = arith.cmpi slt, %add3A_155, %lt3A_156 : i32
      %convert_element_type3A_158 = arith.extui %lt3A_157 : i1 to i32
      %cond3A_159 = arith.constant 0 : i32
      %cond3A_160 = arith.cmpi ne, %convert_element_type3A_158, %cond3A_159 : i32
      scf.if %cond3A_160 {
        %add3A_170 = arith.constant 1 : i32
        %add3A_171 = arith.addi %mul3A_74, %add3A_170 : i32
        %dma_wait3A_172 = arith.constant 0 : i32
        %dma_wait3A_173 = tpu.memref_slice %arg8[%add3A_171, %dma_wait3A_172] : memref<162x128xi32, #tpu.memory_space<vmem>> -> memref<1x128xi32, #tpu.memory_space<vmem>>
        %dma_wait3A_174 = tpu.memref_squeeze %dma_wait3A_173 : memref<1x128xi32, #tpu.memory_space<vmem>> -> memref<128xi32, #tpu.memory_space<vmem>>
        %dma_wait3A_175 = arith.constant 0 : i32
        %dma_wait3A_176 = arith.constant 0 : i32
        %dma_wait3A_177 = tpu.memref_slice %arg17[%dma_wait3A_175, %dma_wait3A_176] : memref<10240x64xf32, #tpu.memory_space<vmem_shared>> -> memref<10240x64xf32, #tpu.memory_space<vmem_shared>>
        %dma_wait3A_178 = tpu.memref_slice %arg16[%scan3A_34] : memref<3x!tpu.dma_semaphore, #tpu.memory_space<semaphore_mem>> -> memref<1x!tpu.dma_semaphore, #tpu.memory_space<semaphore_mem>>
        %dma_wait3A_179 = tpu.memref_squeeze %dma_wait3A_178 : memref<1x!tpu.dma_semaphore, #tpu.memory_space<semaphore_mem>> -> memref<!tpu.dma_semaphore, #tpu.memory_space<semaphore_mem>>
        tpu.wait_indirect_dma semaphore(%dma_wait3A_179 : memref<!tpu.dma_semaphore, #tpu.memory_space<semaphore_mem>>) src(%arg13 : memref<128x64xf32, #tpu.memory_space<vmem>>) dst(%dma_wait3A_177 : memref<10240x64xf32, #tpu.memory_space<vmem_shared>>)
        %dma_start3A_180 = arith.constant 0 : i32
        %dma_start3A_181 = tpu.memref_slice %arg7[%add3A_155, %dma_start3A_180] : memref<162x128xi32, #tpu.memory_space<vmem>> -> memref<1x128xi32, #tpu.memory_space<vmem>>
        %dma_start3A_182 = tpu.memref_squeeze %dma_start3A_181 : memref<1x128xi32, #tpu.memory_space<vmem>> -> memref<128xi32, #tpu.memory_space<vmem>>
        %dma_start3A_183 = arith.constant 0 : i32
        %dma_start3A_184 = arith.constant 0 : i32
        %dma_start3A_185 = tpu.memref_slice %arg2[%dma_start3A_183, %dma_start3A_184] : memref<20480x32xi32, #tpu.memory_space<hbm>> -> memref<20480x32xi32, #tpu.memory_space<hbm>>
        %dma_start3A_186 = tpu.memref_slice %arg15[%scan3A_33] : memref<3x!tpu.dma_semaphore, #tpu.memory_space<semaphore_mem>> -> memref<1x!tpu.dma_semaphore, #tpu.memory_space<semaphore_mem>>
        %dma_start3A_187 = tpu.memref_squeeze %dma_start3A_186 : memref<1x!tpu.dma_semaphore, #tpu.memory_space<semaphore_mem>> -> memref<!tpu.dma_semaphore, #tpu.memory_space<semaphore_mem>>
        tpu.enqueue_indirect_dma source(%dma_start3A_185 : memref<20480x32xi32, #tpu.memory_space<hbm>>) target(%arg10 : memref<128x32xi32, #tpu.memory_space<vmem>>) offsets(%dma_start3A_182 : memref<128xi32, #tpu.memory_space<vmem>>) semaphore(%dma_start3A_187 : memref<!tpu.dma_semaphore, #tpu.memory_space<semaphore_mem>>)
      } else {
      }
      %add3A_161 = arith.constant 3 : i32
      %add3A_162 = arith.addi %mul3A_74, %add3A_161 : i32
      %add3A_163 = arith.constant 2 : i32
      %add3A_164 = arith.addi %add3A_162, %add3A_163 : i32
      %lt3A_165 = arith.constant 162 : i32
      %lt3A_166 = arith.cmpi slt, %add3A_164, %lt3A_165 : i32
      %convert_element_type3A_167 = arith.extui %lt3A_166 : i1 to i32
      %cond3A_168 = arith.constant 0 : i32
      %cond3A_169 = arith.cmpi ne, %convert_element_type3A_167, %cond3A_168 : i32
      scf.if %cond3A_169 {
        %add3A_170 = arith.constant 2 : i32
        %add3A_171 = arith.addi %mul3A_74, %add3A_170 : i32
        %dma_wait3A_172 = arith.constant 0 : i32
        %dma_wait3A_173 = tpu.memref_slice %arg8[%add3A_171, %dma_wait3A_172] : memref<162x128xi32, #tpu.memory_space<vmem>> -> memref<1x128xi32, #tpu.memory_space<vmem>>
        %dma_wait3A_174 = tpu.memref_squeeze %dma_wait3A_173 : memref<1x128xi32, #tpu.memory_space<vmem>> -> memref<128xi32, #tpu.memory_space<vmem>>
        %dma_wait3A_175 = arith.constant 0 : i32
        %dma_wait3A_176 = arith.constant 0 : i32
        %dma_wait3A_177 = tpu.memref_slice %arg17[%dma_wait3A_175, %dma_wait3A_176] : memref<10240x64xf32, #tpu.memory_space<vmem_shared>> -> memref<10240x64xf32, #tpu.memory_space<vmem_shared>>
        %dma_wait3A_178 = tpu.memref_slice %arg16[%scan3A_36] : memref<3x!tpu.dma_semaphore, #tpu.memory_space<semaphore_mem>> -> memref<1x!tpu.dma_semaphore, #tpu.memory_space<semaphore_mem>>
        %dma_wait3A_179 = tpu.memref_squeeze %dma_wait3A_178 : memref<1x!tpu.dma_semaphore, #tpu.memory_space<semaphore_mem>> -> memref<!tpu.dma_semaphore, #tpu.memory_space<semaphore_mem>>
        tpu.wait_indirect_dma semaphore(%dma_wait3A_179 : memref<!tpu.dma_semaphore, #tpu.memory_space<semaphore_mem>>) src(%arg14 : memref<128x64xf32, #tpu.memory_space<vmem>>) dst(%dma_wait3A_177 : memref<10240x64xf32, #tpu.memory_space<vmem_shared>>)
        %dma_start3A_180 = arith.constant 0 : i32
        %dma_start3A_181 = tpu.memref_slice %arg7[%add3A_164, %dma_start3A_180] : memref<162x128xi32, #tpu.memory_space<vmem>> -> memref<1x128xi32, #tpu.memory_space<vmem>>
        %dma_start3A_182 = tpu.memref_squeeze %dma_start3A_181 : memref<1x128xi32, #tpu.memory_space<vmem>> -> memref<128xi32, #tpu.memory_space<vmem>>
        %dma_start3A_183 = arith.constant 0 : i32
        %dma_start3A_184 = arith.constant 0 : i32
        %dma_start3A_185 = tpu.memref_slice %arg2[%dma_start3A_183, %dma_start3A_184] : memref<20480x32xi32, #tpu.memory_space<hbm>> -> memref<20480x32xi32, #tpu.memory_space<hbm>>
        %dma_start3A_186 = tpu.memref_slice %arg15[%scan3A_35] : memref<3x!tpu.dma_semaphore, #tpu.memory_space<semaphore_mem>> -> memref<1x!tpu.dma_semaphore, #tpu.memory_space<semaphore_mem>>
        %dma_start3A_187 = tpu.memref_squeeze %dma_start3A_186 : memref<1x!tpu.dma_semaphore, #tpu.memory_space<semaphore_mem>> -> memref<!tpu.dma_semaphore, #tpu.memory_space<semaphore_mem>>
        tpu.enqueue_indirect_dma source(%dma_start3A_185 : memref<20480x32xi32, #tpu.memory_space<hbm>>) target(%arg11 : memref<128x32xi32, #tpu.memory_space<vmem>>) offsets(%dma_start3A_182 : memref<128xi32, #tpu.memory_space<vmem>>) semaphore(%dma_start3A_187 : memref<!tpu.dma_semaphore, #tpu.memory_space<semaphore_mem>>)
      } else {
      }
    }
    %scan3A_41 = arith.constant 54 : i32
    %dma_wait3A = arith.constant 159 : i32
    %dma_wait3A_42 = arith.constant 0 : i32
    %dma_wait3A_43 = arith.constant 0 : i32
    %dma_wait3A_44 = tpu.memref_slice %arg8[%dma_wait3A, %dma_wait3A_43] : memref<162x128xi32, #tpu.memory_space<vmem>> -> memref<1x128xi32, #tpu.memory_space<vmem>>
    %dma_wait3A_45 = tpu.memref_squeeze %dma_wait3A_44 : memref<1x128xi32, #tpu.memory_space<vmem>> -> memref<128xi32, #tpu.memory_space<vmem>>
    %dma_wait3A_46 = arith.constant 0 : i32
    %dma_wait3A_47 = arith.constant 0 : i32
    %dma_wait3A_48 = tpu.memref_slice %arg17[%dma_wait3A_46, %dma_wait3A_47] : memref<10240x64xf32, #tpu.memory_space<vmem_shared>> -> memref<10240x64xf32, #tpu.memory_space<vmem_shared>>
    %dma_wait3A_49 = tpu.memref_slice %arg16[%dma_wait3A_42] : memref<3x!tpu.dma_semaphore, #tpu.memory_space<semaphore_mem>> -> memref<1x!tpu.dma_semaphore, #tpu.memory_space<semaphore_mem>>
    %dma_wait3A_50 = tpu.memref_squeeze %dma_wait3A_49 : memref<1x!tpu.dma_semaphore, #tpu.memory_space<semaphore_mem>> -> memref<!tpu.dma_semaphore, #tpu.memory_space<semaphore_mem>>
    tpu.wait_indirect_dma semaphore(%dma_wait3A_50 : memref<!tpu.dma_semaphore, #tpu.memory_space<semaphore_mem>>) src(%arg12 : memref<128x64xf32, #tpu.memory_space<vmem>>) dst(%dma_wait3A_48 : memref<10240x64xf32, #tpu.memory_space<vmem_shared>>)
    %dma_wait3A_51 = arith.constant 160 : i32
    %dma_wait3A_52 = arith.constant 1 : i32
    %dma_wait3A_53 = arith.constant 0 : i32
    %dma_wait3A_54 = tpu.memref_slice %arg8[%dma_wait3A_51, %dma_wait3A_53] : memref<162x128xi32, #tpu.memory_space<vmem>> -> memref<1x128xi32, #tpu.memory_space<vmem>>
    %dma_wait3A_55 = tpu.memref_squeeze %dma_wait3A_54 : memref<1x128xi32, #tpu.memory_space<vmem>> -> memref<128xi32, #tpu.memory_space<vmem>>
    %dma_wait3A_56 = arith.constant 0 : i32
    %dma_wait3A_57 = arith.constant 0 : i32
    %dma_wait3A_58 = tpu.memref_slice %arg17[%dma_wait3A_56, %dma_wait3A_57] : memref<10240x64xf32, #tpu.memory_space<vmem_shared>> -> memref<10240x64xf32, #tpu.memory_space<vmem_shared>>
    %dma_wait3A_59 = tpu.memref_slice %arg16[%dma_wait3A_52] : memref<3x!tpu.dma_semaphore, #tpu.memory_space<semaphore_mem>> -> memref<1x!tpu.dma_semaphore, #tpu.memory_space<semaphore_mem>>
    %dma_wait3A_60 = tpu.memref_squeeze %dma_wait3A_59 : memref<1x!tpu.dma_semaphore, #tpu.memory_space<semaphore_mem>> -> memref<!tpu.dma_semaphore, #tpu.memory_space<semaphore_mem>>
    tpu.wait_indirect_dma semaphore(%dma_wait3A_60 : memref<!tpu.dma_semaphore, #tpu.memory_space<semaphore_mem>>) src(%arg13 : memref<128x64xf32, #tpu.memory_space<vmem>>) dst(%dma_wait3A_58 : memref<10240x64xf32, #tpu.memory_space<vmem_shared>>)
    %dma_wait3A_61 = arith.constant 161 : i32
    %dma_wait3A_62 = arith.constant 2 : i32
    %dma_wait3A_63 = arith.constant 0 : i32
    %dma_wait3A_64 = tpu.memref_slice %arg8[%dma_wait3A_61, %dma_wait3A_63] : memref<162x128xi32, #tpu.memory_space<vmem>> -> memref<1x128xi32, #tpu.memory_space<vmem>>
    %dma_wait3A_65 = tpu.memref_squeeze %dma_wait3A_64 : memref<1x128xi32, #tpu.memory_space<vmem>> -> memref<128xi32, #tpu.memory_space<vmem>>
    %dma_wait3A_66 = arith.constant 0 : i32
    %dma_wait3A_67 = arith.constant 0 : i32
    %dma_wait3A_68 = tpu.memref_slice %arg17[%dma_wait3A_66, %dma_wait3A_67] : memref<10240x64xf32, #tpu.memory_space<vmem_shared>> -> memref<10240x64xf32, #tpu.memory_space<vmem_shared>>
    %dma_wait3A_69 = tpu.memref_slice %arg16[%dma_wait3A_62] : memref<3x!tpu.dma_semaphore, #tpu.memory_space<semaphore_mem>> -> memref<1x!tpu.dma_semaphore, #tpu.memory_space<semaphore_mem>>
    %dma_wait3A_70 = tpu.memref_squeeze %dma_wait3A_69 : memref<1x!tpu.dma_semaphore, #tpu.memory_space<semaphore_mem>> -> memref<!tpu.dma_semaphore, #tpu.memory_space<semaphore_mem>>
    tpu.wait_indirect_dma semaphore(%dma_wait3A_70 : memref<!tpu.dma_semaphore, #tpu.memory_space<semaphore_mem>>) src(%arg14 : memref<128x64xf32, #tpu.memory_space<vmem>>) dst(%dma_wait3A_68 : memref<10240x64xf32, #tpu.memory_space<vmem_shared>>)
    %barrier3A_71 = arith.constant 0 : index
    tpu.barrier barrier_id(%barrier3A_71)
    "tpu.region"() ({
      %run_scoped3A = tpu.sem_alloc : memref<!tpu.dma_semaphore, #tpu.memory_space<semaphore_mem>>
      %dma_start3A_72 = arith.constant 0 : i32
      %dma_start3A_73 = tpu.memref_slice %arg6[%arg0, %mul3A_0, %dma_start3A_72] : memref<2x10240x64xf32, #tpu.memory_space<hbm>> -> memref<1x640x64xf32, #tpu.memory_space<hbm>>
      %dma_start3A_74 = tpu.memref_squeeze %dma_start3A_73 : memref<1x640x64xf32, #tpu.memory_space<hbm>> -> memref<640x64xf32, #tpu.memory_space<hbm>>
      %dma_start3A_75 = arith.constant 0 : i32
      %dma_start3A_76 = tpu.memref_slice %arg17[%mul3A_0, %dma_start3A_75] : memref<10240x64xf32, #tpu.memory_space<vmem_shared>> -> memref<640x64xf32, #tpu.memory_space<vmem_shared>>
      tpu.enqueue_dma source(%dma_start3A_76 : memref<640x64xf32, #tpu.memory_space<vmem_shared>>) target(%dma_start3A_74 : memref<640x64xf32, #tpu.memory_space<hbm>>) target_semaphore(%run_scoped3A : memref<!tpu.dma_semaphore, #tpu.memory_space<semaphore_mem>>)
      %dma_wait3A_77 = arith.constant 0 : i32
      %dma_wait3A_78 = tpu.memref_slice %arg6[%arg0, %mul3A_0, %dma_wait3A_77] : memref<2x10240x64xf32, #tpu.memory_space<hbm>> -> memref<1x640x64xf32, #tpu.memory_space<hbm>>
      %dma_wait3A_79 = tpu.memref_squeeze %dma_wait3A_78 : memref<1x640x64xf32, #tpu.memory_space<hbm>> -> memref<640x64xf32, #tpu.memory_space<hbm>>
      %dma_wait3A_80 = arith.constant 0 : i32
      %dma_wait3A_81 = tpu.memref_slice %arg17[%mul3A_0, %dma_wait3A_80] : memref<10240x64xf32, #tpu.memory_space<vmem_shared>> -> memref<640x64xf32, #tpu.memory_space<vmem_shared>>
      tpu.wait_dma2 semaphore(%run_scoped3A : memref<!tpu.dma_semaphore, #tpu.memory_space<semaphore_mem>>) src(%dma_wait3A_81 : memref<640x64xf32, #tpu.memory_space<vmem_shared>>) dst(%dma_wait3A_79 : memref<640x64xf32, #tpu.memory_space<hbm>>)
      tpu.yield
    }) : () -> ()
    return
  }
}

#map = affine_map<(d0, d1) -> (0, 0)>
#map1 = affine_map<(d0, d1) -> (0, 0, 0, 0)>
#map2 = affine_map<(d0, d1) -> (0, 0, 0)>
module attributes {stable_mosaic.version = 14 : i64} {
  func.func @_sc_agg(%arg0: i32, %arg1: i32, %arg2: memref<20480x32xi32, #tpu.memory_space<hbm>>, %arg3: memref<2x16x162x128xi32, #tpu.memory_space<hbm>>, %arg4: memref<16x162x128xi32, #tpu.memory_space<hbm>>, %arg5: memref<640x64xf32, #tpu.memory_space<hbm>>, %arg6: memref<2x10240x64xf32, #tpu.memory_space<hbm>>, %arg7: memref<162x128xi32, #tpu.memory_space<vmem>>, %arg8: memref<162x128xi32, #tpu.memory_space<vmem>>, %arg9: memref<128x32xi32, #tpu.memory_space<vmem>>, %arg10: memref<128x32xi32, #tpu.memory_space<vmem>>, %arg11: memref<128x32xi32, #tpu.memory_space<vmem>>, %arg12: memref<128x64xf32, #tpu.memory_space<vmem>>, %arg13: memref<128x64xf32, #tpu.memory_space<vmem>>, %arg14: memref<128x64xf32, #tpu.memory_space<vmem>>, %arg15: memref<3x!tpu.dma_semaphore, #tpu.memory_space<semaphore_mem>>, %arg16: memref<3x!tpu.dma_semaphore, #tpu.memory_space<semaphore_mem>>, %arg17: memref<10240x64xf32, #tpu.memory_space<vmem_shared>>) attributes {dimension_semantics = [#tpu.dimension_semantics<core_parallel>, #tpu.dimension_semantics<subcore_parallel>], iteration_bounds = array<i64: 2, 16>, scalar_prefetch = 0 : i64, scratch_operands = 11 : i64, tpu.core_type = #tpu.core_type<sc_vector_subcore>, window_params = [{transform_indices = #map}, {transform_indices = #map1}, {transform_indices = #map2}, {transform_indices = #map}, {transform_indices = #map2}]} {
    %mul3A = arith.constant 640 : i32
    %mul3A_0 = arith.muli %arg1, %mul3A : i32
    "tpu.region"() ({
      %run_scoped3A = tpu.sem_alloc : memref<!tpu.dma_semaphore, #tpu.memory_space<semaphore_mem>>
      %dma_start3A_72 = arith.constant 0 : i32
      %dma_start3A_73 = tpu.memref_slice %arg17[%mul3A_0, %dma_start3A_72] : memref<10240x64xf32, #tpu.memory_space<vmem_shared>> -> memref<640x64xf32, #tpu.memory_space<vmem_shared>>
      tpu.enqueue_dma source(%arg5 : memref<640x64xf32, #tpu.memory_space<hbm>>) target(%dma_start3A_73 : memref<640x64xf32, #tpu.memory_space<vmem_shared>>) target_semaphore(%run_scoped3A : memref<!tpu.dma_semaphore, #tpu.memory_space<semaphore_mem>>)
      %dma_wait3A_74 = arith.constant 0 : i32
      %dma_wait3A_75 = tpu.memref_slice %arg17[%mul3A_0, %dma_wait3A_74] : memref<10240x64xf32, #tpu.memory_space<vmem_shared>> -> memref<640x64xf32, #tpu.memory_space<vmem_shared>>
      tpu.wait_dma2 semaphore(%run_scoped3A : memref<!tpu.dma_semaphore, #tpu.memory_space<semaphore_mem>>) src(%arg5 : memref<640x64xf32, #tpu.memory_space<hbm>>) dst(%dma_wait3A_75 : memref<640x64xf32, #tpu.memory_space<vmem_shared>>)
      tpu.yield
    }) : () -> ()
    "tpu.region"() ({
      %run_scoped3A = tpu.sem_alloc : memref<!tpu.dma_semaphore, #tpu.memory_space<semaphore_mem>>
      %dma_start3A_72 = arith.constant 0 : i32
      %dma_start3A_73 = arith.constant 0 : i32
      %dma_start3A_74 = tpu.memref_slice %arg3[%arg0, %arg1, %dma_start3A_72, %dma_start3A_73] : memref<2x16x162x128xi32, #tpu.memory_space<hbm>> -> memref<1x1x162x128xi32, #tpu.memory_space<hbm>>
      %dma_start3A_75 = tpu.memref_squeeze %dma_start3A_74 : memref<1x1x162x128xi32, #tpu.memory_space<hbm>> -> memref<162x128xi32, #tpu.memory_space<hbm>>
      %dma_start3A_76 = arith.constant 0 : i32
      %dma_start3A_77 = arith.constant 0 : i32
      %dma_start3A_78 = tpu.memref_slice %arg3[%arg0, %arg1, %dma_start3A_76, %dma_start3A_77] : memref<2x16x162x128xi32, #tpu.memory_space<hbm>> -> memref<1x1x162x128xi32, #tpu.memory_space<hbm>>
      %dma_start3A_79 = tpu.memref_squeeze %dma_start3A_78 : memref<1x1x162x128xi32, #tpu.memory_space<hbm>> -> memref<162x128xi32, #tpu.memory_space<hbm>>
      tpu.enqueue_dma source(%dma_start3A_79 : memref<162x128xi32, #tpu.memory_space<hbm>>) target(%arg7 : memref<162x128xi32, #tpu.memory_space<vmem>>) target_semaphore(%run_scoped3A : memref<!tpu.dma_semaphore, #tpu.memory_space<semaphore_mem>>)
      %dma_wait3A_80 = arith.constant 0 : i32
      %dma_wait3A_81 = arith.constant 0 : i32
      %dma_wait3A_82 = tpu.memref_slice %arg3[%arg0, %arg1, %dma_wait3A_80, %dma_wait3A_81] : memref<2x16x162x128xi32, #tpu.memory_space<hbm>> -> memref<1x1x162x128xi32, #tpu.memory_space<hbm>>
      %dma_wait3A_83 = tpu.memref_squeeze %dma_wait3A_82 : memref<1x1x162x128xi32, #tpu.memory_space<hbm>> -> memref<162x128xi32, #tpu.memory_space<hbm>>
      %dma_wait3A_84 = arith.constant 0 : i32
      %dma_wait3A_85 = arith.constant 0 : i32
      %dma_wait3A_86 = tpu.memref_slice %arg3[%arg0, %arg1, %dma_wait3A_84, %dma_wait3A_85] : memref<2x16x162x128xi32, #tpu.memory_space<hbm>> -> memref<1x1x162x128xi32, #tpu.memory_space<hbm>>
      %dma_wait3A_87 = tpu.memref_squeeze %dma_wait3A_86 : memref<1x1x162x128xi32, #tpu.memory_space<hbm>> -> memref<162x128xi32, #tpu.memory_space<hbm>>
      tpu.wait_dma2 semaphore(%run_scoped3A : memref<!tpu.dma_semaphore, #tpu.memory_space<semaphore_mem>>) src(%dma_wait3A_87 : memref<162x128xi32, #tpu.memory_space<hbm>>) dst(%arg7 : memref<162x128xi32, #tpu.memory_space<vmem>>)
      tpu.yield
    }) : () -> ()
    "tpu.region"() ({
      %run_scoped3A = tpu.sem_alloc : memref<!tpu.dma_semaphore, #tpu.memory_space<semaphore_mem>>
      %dma_start3A_72 = arith.constant 0 : i32
      %dma_start3A_73 = arith.constant 0 : i32
      %dma_start3A_74 = tpu.memref_slice %arg4[%arg1, %dma_start3A_72, %dma_start3A_73] : memref<16x162x128xi32, #tpu.memory_space<hbm>> -> memref<1x162x128xi32, #tpu.memory_space<hbm>>
      %dma_start3A_75 = tpu.memref_squeeze %dma_start3A_74 : memref<1x162x128xi32, #tpu.memory_space<hbm>> -> memref<162x128xi32, #tpu.memory_space<hbm>>
      %dma_start3A_76 = arith.constant 0 : i32
      %dma_start3A_77 = arith.constant 0 : i32
      %dma_start3A_78 = tpu.memref_slice %arg4[%arg1, %dma_start3A_76, %dma_start3A_77] : memref<16x162x128xi32, #tpu.memory_space<hbm>> -> memref<1x162x128xi32, #tpu.memory_space<hbm>>
      %dma_start3A_79 = tpu.memref_squeeze %dma_start3A_78 : memref<1x162x128xi32, #tpu.memory_space<hbm>> -> memref<162x128xi32, #tpu.memory_space<hbm>>
      tpu.enqueue_dma source(%dma_start3A_79 : memref<162x128xi32, #tpu.memory_space<hbm>>) target(%arg8 : memref<162x128xi32, #tpu.memory_space<vmem>>) target_semaphore(%run_scoped3A : memref<!tpu.dma_semaphore, #tpu.memory_space<semaphore_mem>>)
      %dma_wait3A_80 = arith.constant 0 : i32
      %dma_wait3A_81 = arith.constant 0 : i32
      %dma_wait3A_82 = tpu.memref_slice %arg4[%arg1, %dma_wait3A_80, %dma_wait3A_81] : memref<16x162x128xi32, #tpu.memory_space<hbm>> -> memref<1x162x128xi32, #tpu.memory_space<hbm>>
      %dma_wait3A_83 = tpu.memref_squeeze %dma_wait3A_82 : memref<1x162x128xi32, #tpu.memory_space<hbm>> -> memref<162x128xi32, #tpu.memory_space<hbm>>
      %dma_wait3A_84 = arith.constant 0 : i32
      %dma_wait3A_85 = arith.constant 0 : i32
      %dma_wait3A_86 = tpu.memref_slice %arg4[%arg1, %dma_wait3A_84, %dma_wait3A_85] : memref<16x162x128xi32, #tpu.memory_space<hbm>> -> memref<1x162x128xi32, #tpu.memory_space<hbm>>
      %dma_wait3A_87 = tpu.memref_squeeze %dma_wait3A_86 : memref<1x162x128xi32, #tpu.memory_space<hbm>> -> memref<162x128xi32, #tpu.memory_space<hbm>>
      tpu.wait_dma2 semaphore(%run_scoped3A : memref<!tpu.dma_semaphore, #tpu.memory_space<semaphore_mem>>) src(%dma_wait3A_87 : memref<162x128xi32, #tpu.memory_space<hbm>>) dst(%arg8 : memref<162x128xi32, #tpu.memory_space<vmem>>)
      tpu.yield
    }) : () -> ()
    %barrier3A = arith.constant 0 : index
    tpu.barrier barrier_id(%barrier3A)
    %broadcast_in_dim3A = arith.constant -65536 : i32
    %broadcast_in_dim3A_1 = vector.broadcast %broadcast_in_dim3A : i32 to vector<16xi32>
    %dma_start3A = arith.constant 0 : i32
    %dma_start3A_2 = arith.constant 0 : i32
    %dma_start3A_3 = arith.constant 0 : i32
    %dma_start3A_4 = tpu.memref_slice %arg7[%dma_start3A, %dma_start3A_3] : memref<162x128xi32, #tpu.memory_space<vmem>> -> memref<1x128xi32, #tpu.memory_space<vmem>>
    %dma_start3A_5 = tpu.memref_squeeze %dma_start3A_4 : memref<1x128xi32, #tpu.memory_space<vmem>> -> memref<128xi32, #tpu.memory_space<vmem>>
    %dma_start3A_6 = arith.constant 0 : i32
    %dma_start3A_7 = arith.constant 0 : i32
    %dma_start3A_8 = tpu.memref_slice %arg2[%dma_start3A_6, %dma_start3A_7] : memref<20480x32xi32, #tpu.memory_space<hbm>> -> memref<20480x32xi32, #tpu.memory_space<hbm>>
    %dma_start3A_9 = tpu.memref_slice %arg15[%dma_start3A_2] : memref<3x!tpu.dma_semaphore, #tpu.memory_space<semaphore_mem>> -> memref<1x!tpu.dma_semaphore, #tpu.memory_space<semaphore_mem>>
    %dma_start3A_10 = tpu.memref_squeeze %dma_start3A_9 : memref<1x!tpu.dma_semaphore, #tpu.memory_space<semaphore_mem>> -> memref<!tpu.dma_semaphore, #tpu.memory_space<semaphore_mem>>
    tpu.enqueue_indirect_dma source(%dma_start3A_8 : memref<20480x32xi32, #tpu.memory_space<hbm>>) target(%arg9 : memref<128x32xi32, #tpu.memory_space<vmem>>) offsets(%dma_start3A_5 : memref<128xi32, #tpu.memory_space<vmem>>) semaphore(%dma_start3A_10 : memref<!tpu.dma_semaphore, #tpu.memory_space<semaphore_mem>>)
    %dma_start3A_11 = arith.constant 1 : i32
    %dma_start3A_12 = arith.constant 1 : i32
    %dma_start3A_13 = arith.constant 0 : i32
    %dma_start3A_14 = tpu.memref_slice %arg7[%dma_start3A_11, %dma_start3A_13] : memref<162x128xi32, #tpu.memory_space<vmem>> -> memref<1x128xi32, #tpu.memory_space<vmem>>
    %dma_start3A_15 = tpu.memref_squeeze %dma_start3A_14 : memref<1x128xi32, #tpu.memory_space<vmem>> -> memref<128xi32, #tpu.memory_space<vmem>>
    %dma_start3A_16 = arith.constant 0 : i32
    %dma_start3A_17 = arith.constant 0 : i32
    %dma_start3A_18 = tpu.memref_slice %arg2[%dma_start3A_16, %dma_start3A_17] : memref<20480x32xi32, #tpu.memory_space<hbm>> -> memref<20480x32xi32, #tpu.memory_space<hbm>>
    %dma_start3A_19 = tpu.memref_slice %arg15[%dma_start3A_12] : memref<3x!tpu.dma_semaphore, #tpu.memory_space<semaphore_mem>> -> memref<1x!tpu.dma_semaphore, #tpu.memory_space<semaphore_mem>>
    %dma_start3A_20 = tpu.memref_squeeze %dma_start3A_19 : memref<1x!tpu.dma_semaphore, #tpu.memory_space<semaphore_mem>> -> memref<!tpu.dma_semaphore, #tpu.memory_space<semaphore_mem>>
    tpu.enqueue_indirect_dma source(%dma_start3A_18 : memref<20480x32xi32, #tpu.memory_space<hbm>>) target(%arg10 : memref<128x32xi32, #tpu.memory_space<vmem>>) offsets(%dma_start3A_15 : memref<128xi32, #tpu.memory_space<vmem>>) semaphore(%dma_start3A_20 : memref<!tpu.dma_semaphore, #tpu.memory_space<semaphore_mem>>)
    %dma_start3A_21 = arith.constant 2 : i32
    %dma_start3A_22 = arith.constant 2 : i32
    %dma_start3A_23 = arith.constant 0 : i32
    %dma_start3A_24 = tpu.memref_slice %arg7[%dma_start3A_21, %dma_start3A_23] : memref<162x128xi32, #tpu.memory_space<vmem>> -> memref<1x128xi32, #tpu.memory_space<vmem>>
    %dma_start3A_25 = tpu.memref_squeeze %dma_start3A_24 : memref<1x128xi32, #tpu.memory_space<vmem>> -> memref<128xi32, #tpu.memory_space<vmem>>
    %dma_start3A_26 = arith.constant 0 : i32
    %dma_start3A_27 = arith.constant 0 : i32
    %dma_start3A_28 = tpu.memref_slice %arg2[%dma_start3A_26, %dma_start3A_27] : memref<20480x32xi32, #tpu.memory_space<hbm>> -> memref<20480x32xi32, #tpu.memory_space<hbm>>
    %dma_start3A_29 = tpu.memref_slice %arg15[%dma_start3A_22] : memref<3x!tpu.dma_semaphore, #tpu.memory_space<semaphore_mem>> -> memref<1x!tpu.dma_semaphore, #tpu.memory_space<semaphore_mem>>
    %dma_start3A_30 = tpu.memref_squeeze %dma_start3A_29 : memref<1x!tpu.dma_semaphore, #tpu.memory_space<semaphore_mem>> -> memref<!tpu.dma_semaphore, #tpu.memory_space<semaphore_mem>>
    tpu.enqueue_indirect_dma source(%dma_start3A_28 : memref<20480x32xi32, #tpu.memory_space<hbm>>) target(%arg11 : memref<128x32xi32, #tpu.memory_space<vmem>>) offsets(%dma_start3A_25 : memref<128xi32, #tpu.memory_space<vmem>>) semaphore(%dma_start3A_30 : memref<!tpu.dma_semaphore, #tpu.memory_space<semaphore_mem>>)
    %scan3A = arith.constant 0 : i32
    %scan3A_31 = arith.constant 0 : i32
    %scan3A_32 = arith.constant 0 : i32
    %scan3A_33 = arith.constant 1 : i32
    %scan3A_34 = arith.constant 1 : i32
    %scan3A_35 = arith.constant 2 : i32
    %scan3A_36 = arith.constant 2 : i32
    %scan3A_37 = arith.constant 0 : i32
    %scan3A_38 = arith.constant 54 : i32
    %scan3A_39 = arith.addi %scan3A_37, %scan3A_38 : i32
    %scan3A_40 = arith.constant 1 : i32
    scf.for %scan3A_72 = %scan3A_37 to %scan3A_39 step %scan3A_40  : i32 {
      %mul3A_73 = arith.constant 3 : i32
      %mul3A_74 = arith.muli %scan3A_72, %mul3A_73 : i32
      %add3A = arith.constant 0 : i32
      %add3A_75 = arith.addi %mul3A_74, %add3A : i32
      %dma_wait3A_76 = arith.constant 0 : i32
      %dma_wait3A_77 = tpu.memref_slice %arg7[%add3A_75, %dma_wait3A_76] : memref<162x128xi32, #tpu.memory_space<vmem>> -> memref<1x128xi32, #tpu.memory_space<vmem>>
      %dma_wait3A_78 = tpu.memref_squeeze %dma_wait3A_77 : memref<1x128xi32, #tpu.memory_space<vmem>> -> memref<128xi32, #tpu.memory_space<vmem>>
      %dma_wait3A_79 = arith.constant 0 : i32
      %dma_wait3A_80 = arith.constant 0 : i32
      %dma_wait3A_81 = tpu.memref_slice %arg2[%dma_wait3A_79, %dma_wait3A_80] : memref<20480x32xi32, #tpu.memory_space<hbm>> -> memref<20480x32xi32, #tpu.memory_space<hbm>>
      %dma_wait3A_82 = tpu.memref_slice %arg15[%scan3A_31] : memref<3x!tpu.dma_semaphore, #tpu.memory_space<semaphore_mem>> -> memref<1x!tpu.dma_semaphore, #tpu.memory_space<semaphore_mem>>
      %dma_wait3A_83 = tpu.memref_squeeze %dma_wait3A_82 : memref<1x!tpu.dma_semaphore, #tpu.memory_space<semaphore_mem>> -> memref<!tpu.dma_semaphore, #tpu.memory_space<semaphore_mem>>
      tpu.wait_indirect_dma semaphore(%dma_wait3A_83 : memref<!tpu.dma_semaphore, #tpu.memory_space<semaphore_mem>>) src(%dma_wait3A_81 : memref<20480x32xi32, #tpu.memory_space<hbm>>) dst(%arg9 : memref<128x32xi32, #tpu.memory_space<vmem>>)
      %scan3A_84 = arith.constant 0 : i32
      %scan3A_85 = arith.constant 0 : i32
      %scan3A_86 = arith.constant 128 : i32
      %scan3A_87 = arith.addi %scan3A_85, %scan3A_86 : i32
      %scan3A_88 = arith.constant 1 : i32
      scf.for %scan3A_170 = %scan3A_85 to %scan3A_87 step %scan3A_88  : i32 {
        %get3A = arith.index_cast %scan3A_170 : i32 to index
        %get3A_171 = arith.constant 0 : index
        %get3A_172 = tpu.vector_load %arg9[%get3A, %get3A_171] {strides = array<i32>} : memref<128x32xi32, #tpu.memory_space<vmem>>, vector<16xi32>,
        %shift_left3A = arith.constant 16 : i32
        %shift_left3A_173 = vector.broadcast %shift_left3A : i32 to vector<16xi32>
        %shift_left3A_174 = arith.shli %get3A_172, %shift_left3A_173 : vector<16xi32>
        %bitcast3A = vector.bitcast %shift_left3A_174 : vector<16xi32> to vector<16xf32>
        %swap3A = arith.index_cast %scan3A_170 : i32 to index
        %swap3A_175 = arith.constant 0 : index
        %swap3A_176 = tpu.vector_load %arg12[%swap3A, %swap3A_175] {strides = array<i32>} : memref<128x64xf32, #tpu.memory_space<vmem>>, vector<16xf32>,
        tpu.vector_store %arg12[%swap3A, %swap3A_175], %bitcast3A {strides = array<i32>} : memref<128x64xf32, #tpu.memory_space<vmem>>, vector<16xf32>,
        %and3A = arith.andi %get3A_172, %broadcast_in_dim3A_1 : vector<16xi32>
        %bitcast3A_177 = vector.bitcast %and3A : vector<16xi32> to vector<16xf32>
        %swap3A_178 = arith.index_cast %scan3A_170 : i32 to index
        %swap3A_179 = arith.constant 16 : index
        %swap3A_180 = tpu.vector_load %arg12[%swap3A_178, %swap3A_179] {strides = array<i32>} : memref<128x64xf32, #tpu.memory_space<vmem>>, vector<16xf32>,
        tpu.vector_store %arg12[%swap3A_178, %swap3A_179], %bitcast3A_177 {strides = array<i32>} : memref<128x64xf32, #tpu.memory_space<vmem>>, vector<16xf32>,
        %get3A_181 = arith.index_cast %scan3A_170 : i32 to index
        %get3A_182 = arith.constant 16 : index
        %get3A_183 = tpu.vector_load %arg9[%get3A_181, %get3A_182] {strides = array<i32>} : memref<128x32xi32, #tpu.memory_space<vmem>>, vector<16xi32>,
        %shift_left3A_184 = arith.constant 16 : i32
        %shift_left3A_185 = vector.broadcast %shift_left3A_184 : i32 to vector<16xi32>
        %shift_left3A_186 = arith.shli %get3A_183, %shift_left3A_185 : vector<16xi32>
        %bitcast3A_187 = vector.bitcast %shift_left3A_186 : vector<16xi32> to vector<16xf32>
        %swap3A_188 = arith.index_cast %scan3A_170 : i32 to index
        %swap3A_189 = arith.constant 32 : index
        %swap3A_190 = tpu.vector_load %arg12[%swap3A_188, %swap3A_189] {strides = array<i32>} : memref<128x64xf32, #tpu.memory_space<vmem>>, vector<16xf32>,
        tpu.vector_store %arg12[%swap3A_188, %swap3A_189], %bitcast3A_187 {strides = array<i32>} : memref<128x64xf32, #tpu.memory_space<vmem>>, vector<16xf32>,
        %and3A_191 = arith.andi %get3A_183, %broadcast_in_dim3A_1 : vector<16xi32>
        %bitcast3A_192 = vector.bitcast %and3A_191 : vector<16xi32> to vector<16xf32>
        %swap3A_193 = arith.index_cast %scan3A_170 : i32 to index
        %swap3A_194 = arith.constant 48 : index
        %swap3A_195 = tpu.vector_load %arg12[%swap3A_193, %swap3A_194] {strides = array<i32>} : memref<128x64xf32, #tpu.memory_space<vmem>>, vector<16xf32>,
        tpu.vector_store %arg12[%swap3A_193, %swap3A_194], %bitcast3A_192 {strides = array<i32>} : memref<128x64xf32, #tpu.memory_space<vmem>>, vector<16xf32>,
      }
      %scan3A_89 = arith.constant 128 : i32
      %dma_start3A_90 = arith.constant 0 : i32
      %dma_start3A_91 = tpu.memref_slice %arg8[%add3A_75, %dma_start3A_90] : memref<162x128xi32, #tpu.memory_space<vmem>> -> memref<1x128xi32, #tpu.memory_space<vmem>>
      %dma_start3A_92 = tpu.memref_squeeze %dma_start3A_91 : memref<1x128xi32, #tpu.memory_space<vmem>> -> memref<128xi32, #tpu.memory_space<vmem>>
      %dma_start3A_93 = arith.constant 0 : i32
      %dma_start3A_94 = arith.constant 0 : i32
      %dma_start3A_95 = tpu.memref_slice %arg17[%dma_start3A_93, %dma_start3A_94] : memref<10240x64xf32, #tpu.memory_space<vmem_shared>> -> memref<10240x64xf32, #tpu.memory_space<vmem_shared>>
      %dma_start3A_96 = tpu.memref_slice %arg16[%scan3A_32] : memref<3x!tpu.dma_semaphore, #tpu.memory_space<semaphore_mem>> -> memref<1x!tpu.dma_semaphore, #tpu.memory_space<semaphore_mem>>
      %dma_start3A_97 = tpu.memref_squeeze %dma_start3A_96 : memref<1x!tpu.dma_semaphore, #tpu.memory_space<semaphore_mem>> -> memref<!tpu.dma_semaphore, #tpu.memory_space<semaphore_mem>>
      tpu.enqueue_indirect_dma source(%arg12 : memref<128x64xf32, #tpu.memory_space<vmem>>) target(%dma_start3A_95 : memref<10240x64xf32, #tpu.memory_space<vmem_shared>>) offsets(%dma_start3A_92 : memref<128xi32, #tpu.memory_space<vmem>>) semaphore(%dma_start3A_97 : memref<!tpu.dma_semaphore, #tpu.memory_space<semaphore_mem>>) {add = true}
      %add3A_98 = arith.constant 1 : i32
      %add3A_99 = arith.addi %mul3A_74, %add3A_98 : i32
      %dma_wait3A_100 = arith.constant 0 : i32
      %dma_wait3A_101 = tpu.memref_slice %arg7[%add3A_99, %dma_wait3A_100] : memref<162x128xi32, #tpu.memory_space<vmem>> -> memref<1x128xi32, #tpu.memory_space<vmem>>
      %dma_wait3A_102 = tpu.memref_squeeze %dma_wait3A_101 : memref<1x128xi32, #tpu.memory_space<vmem>> -> memref<128xi32, #tpu.memory_space<vmem>>
      %dma_wait3A_103 = arith.constant 0 : i32
      %dma_wait3A_104 = arith.constant 0 : i32
      %dma_wait3A_105 = tpu.memref_slice %arg2[%dma_wait3A_103, %dma_wait3A_104] : memref<20480x32xi32, #tpu.memory_space<hbm>> -> memref<20480x32xi32, #tpu.memory_space<hbm>>
      %dma_wait3A_106 = tpu.memref_slice %arg15[%scan3A_33] : memref<3x!tpu.dma_semaphore, #tpu.memory_space<semaphore_mem>> -> memref<1x!tpu.dma_semaphore, #tpu.memory_space<semaphore_mem>>
      %dma_wait3A_107 = tpu.memref_squeeze %dma_wait3A_106 : memref<1x!tpu.dma_semaphore, #tpu.memory_space<semaphore_mem>> -> memref<!tpu.dma_semaphore, #tpu.memory_space<semaphore_mem>>
      tpu.wait_indirect_dma semaphore(%dma_wait3A_107 : memref<!tpu.dma_semaphore, #tpu.memory_space<semaphore_mem>>) src(%dma_wait3A_105 : memref<20480x32xi32, #tpu.memory_space<hbm>>) dst(%arg10 : memref<128x32xi32, #tpu.memory_space<vmem>>)
      %scan3A_108 = arith.constant 0 : i32
      %scan3A_109 = arith.constant 0 : i32
      %scan3A_110 = arith.constant 128 : i32
      %scan3A_111 = arith.addi %scan3A_109, %scan3A_110 : i32
      %scan3A_112 = arith.constant 1 : i32
      scf.for %scan3A_170 = %scan3A_109 to %scan3A_111 step %scan3A_112  : i32 {
        %get3A = arith.index_cast %scan3A_170 : i32 to index
        %get3A_171 = arith.constant 0 : index
        %get3A_172 = tpu.vector_load %arg10[%get3A, %get3A_171] {strides = array<i32>} : memref<128x32xi32, #tpu.memory_space<vmem>>, vector<16xi32>,
        %shift_left3A = arith.constant 16 : i32
        %shift_left3A_173 = vector.broadcast %shift_left3A : i32 to vector<16xi32>
        %shift_left3A_174 = arith.shli %get3A_172, %shift_left3A_173 : vector<16xi32>
        %bitcast3A = vector.bitcast %shift_left3A_174 : vector<16xi32> to vector<16xf32>
        %swap3A = arith.index_cast %scan3A_170 : i32 to index
        %swap3A_175 = arith.constant 0 : index
        %swap3A_176 = tpu.vector_load %arg13[%swap3A, %swap3A_175] {strides = array<i32>} : memref<128x64xf32, #tpu.memory_space<vmem>>, vector<16xf32>,
        tpu.vector_store %arg13[%swap3A, %swap3A_175], %bitcast3A {strides = array<i32>} : memref<128x64xf32, #tpu.memory_space<vmem>>, vector<16xf32>,
        %and3A = arith.andi %get3A_172, %broadcast_in_dim3A_1 : vector<16xi32>
        %bitcast3A_177 = vector.bitcast %and3A : vector<16xi32> to vector<16xf32>
        %swap3A_178 = arith.index_cast %scan3A_170 : i32 to index
        %swap3A_179 = arith.constant 16 : index
        %swap3A_180 = tpu.vector_load %arg13[%swap3A_178, %swap3A_179] {strides = array<i32>} : memref<128x64xf32, #tpu.memory_space<vmem>>, vector<16xf32>,
        tpu.vector_store %arg13[%swap3A_178, %swap3A_179], %bitcast3A_177 {strides = array<i32>} : memref<128x64xf32, #tpu.memory_space<vmem>>, vector<16xf32>,
        %get3A_181 = arith.index_cast %scan3A_170 : i32 to index
        %get3A_182 = arith.constant 16 : index
        %get3A_183 = tpu.vector_load %arg10[%get3A_181, %get3A_182] {strides = array<i32>} : memref<128x32xi32, #tpu.memory_space<vmem>>, vector<16xi32>,
        %shift_left3A_184 = arith.constant 16 : i32
        %shift_left3A_185 = vector.broadcast %shift_left3A_184 : i32 to vector<16xi32>
        %shift_left3A_186 = arith.shli %get3A_183, %shift_left3A_185 : vector<16xi32>
        %bitcast3A_187 = vector.bitcast %shift_left3A_186 : vector<16xi32> to vector<16xf32>
        %swap3A_188 = arith.index_cast %scan3A_170 : i32 to index
        %swap3A_189 = arith.constant 32 : index
        %swap3A_190 = tpu.vector_load %arg13[%swap3A_188, %swap3A_189] {strides = array<i32>} : memref<128x64xf32, #tpu.memory_space<vmem>>, vector<16xf32>,
        tpu.vector_store %arg13[%swap3A_188, %swap3A_189], %bitcast3A_187 {strides = array<i32>} : memref<128x64xf32, #tpu.memory_space<vmem>>, vector<16xf32>,
        %and3A_191 = arith.andi %get3A_183, %broadcast_in_dim3A_1 : vector<16xi32>
        %bitcast3A_192 = vector.bitcast %and3A_191 : vector<16xi32> to vector<16xf32>
        %swap3A_193 = arith.index_cast %scan3A_170 : i32 to index
        %swap3A_194 = arith.constant 48 : index
        %swap3A_195 = tpu.vector_load %arg13[%swap3A_193, %swap3A_194] {strides = array<i32>} : memref<128x64xf32, #tpu.memory_space<vmem>>, vector<16xf32>,
        tpu.vector_store %arg13[%swap3A_193, %swap3A_194], %bitcast3A_192 {strides = array<i32>} : memref<128x64xf32, #tpu.memory_space<vmem>>, vector<16xf32>,
      }
      %scan3A_113 = arith.constant 128 : i32
      %dma_start3A_114 = arith.constant 0 : i32
      %dma_start3A_115 = tpu.memref_slice %arg8[%add3A_99, %dma_start3A_114] : memref<162x128xi32, #tpu.memory_space<vmem>> -> memref<1x128xi32, #tpu.memory_space<vmem>>
      %dma_start3A_116 = tpu.memref_squeeze %dma_start3A_115 : memref<1x128xi32, #tpu.memory_space<vmem>> -> memref<128xi32, #tpu.memory_space<vmem>>
      %dma_start3A_117 = arith.constant 0 : i32
      %dma_start3A_118 = arith.constant 0 : i32
      %dma_start3A_119 = tpu.memref_slice %arg17[%dma_start3A_117, %dma_start3A_118] : memref<10240x64xf32, #tpu.memory_space<vmem_shared>> -> memref<10240x64xf32, #tpu.memory_space<vmem_shared>>
      %dma_start3A_120 = tpu.memref_slice %arg16[%scan3A_34] : memref<3x!tpu.dma_semaphore, #tpu.memory_space<semaphore_mem>> -> memref<1x!tpu.dma_semaphore, #tpu.memory_space<semaphore_mem>>
      %dma_start3A_121 = tpu.memref_squeeze %dma_start3A_120 : memref<1x!tpu.dma_semaphore, #tpu.memory_space<semaphore_mem>> -> memref<!tpu.dma_semaphore, #tpu.memory_space<semaphore_mem>>
      tpu.enqueue_indirect_dma source(%arg13 : memref<128x64xf32, #tpu.memory_space<vmem>>) target(%dma_start3A_119 : memref<10240x64xf32, #tpu.memory_space<vmem_shared>>) offsets(%dma_start3A_116 : memref<128xi32, #tpu.memory_space<vmem>>) semaphore(%dma_start3A_121 : memref<!tpu.dma_semaphore, #tpu.memory_space<semaphore_mem>>) {add = true}
      %add3A_122 = arith.constant 2 : i32
      %add3A_123 = arith.addi %mul3A_74, %add3A_122 : i32
      %dma_wait3A_124 = arith.constant 0 : i32
      %dma_wait3A_125 = tpu.memref_slice %arg7[%add3A_123, %dma_wait3A_124] : memref<162x128xi32, #tpu.memory_space<vmem>> -> memref<1x128xi32, #tpu.memory_space<vmem>>
      %dma_wait3A_126 = tpu.memref_squeeze %dma_wait3A_125 : memref<1x128xi32, #tpu.memory_space<vmem>> -> memref<128xi32, #tpu.memory_space<vmem>>
      %dma_wait3A_127 = arith.constant 0 : i32
      %dma_wait3A_128 = arith.constant 0 : i32
      %dma_wait3A_129 = tpu.memref_slice %arg2[%dma_wait3A_127, %dma_wait3A_128] : memref<20480x32xi32, #tpu.memory_space<hbm>> -> memref<20480x32xi32, #tpu.memory_space<hbm>>
      %dma_wait3A_130 = tpu.memref_slice %arg15[%scan3A_35] : memref<3x!tpu.dma_semaphore, #tpu.memory_space<semaphore_mem>> -> memref<1x!tpu.dma_semaphore, #tpu.memory_space<semaphore_mem>>
      %dma_wait3A_131 = tpu.memref_squeeze %dma_wait3A_130 : memref<1x!tpu.dma_semaphore, #tpu.memory_space<semaphore_mem>> -> memref<!tpu.dma_semaphore, #tpu.memory_space<semaphore_mem>>
      tpu.wait_indirect_dma semaphore(%dma_wait3A_131 : memref<!tpu.dma_semaphore, #tpu.memory_space<semaphore_mem>>) src(%dma_wait3A_129 : memref<20480x32xi32, #tpu.memory_space<hbm>>) dst(%arg11 : memref<128x32xi32, #tpu.memory_space<vmem>>)
      %scan3A_132 = arith.constant 0 : i32
      %scan3A_133 = arith.constant 0 : i32
      %scan3A_134 = arith.constant 128 : i32
      %scan3A_135 = arith.addi %scan3A_133, %scan3A_134 : i32
      %scan3A_136 = arith.constant 1 : i32
      scf.for %scan3A_170 = %scan3A_133 to %scan3A_135 step %scan3A_136  : i32 {
        %get3A = arith.index_cast %scan3A_170 : i32 to index
        %get3A_171 = arith.constant 0 : index
        %get3A_172 = tpu.vector_load %arg11[%get3A, %get3A_171] {strides = array<i32>} : memref<128x32xi32, #tpu.memory_space<vmem>>, vector<16xi32>,
        %shift_left3A = arith.constant 16 : i32
        %shift_left3A_173 = vector.broadcast %shift_left3A : i32 to vector<16xi32>
        %shift_left3A_174 = arith.shli %get3A_172, %shift_left3A_173 : vector<16xi32>
        %bitcast3A = vector.bitcast %shift_left3A_174 : vector<16xi32> to vector<16xf32>
        %swap3A = arith.index_cast %scan3A_170 : i32 to index
        %swap3A_175 = arith.constant 0 : index
        %swap3A_176 = tpu.vector_load %arg14[%swap3A, %swap3A_175] {strides = array<i32>} : memref<128x64xf32, #tpu.memory_space<vmem>>, vector<16xf32>,
        tpu.vector_store %arg14[%swap3A, %swap3A_175], %bitcast3A {strides = array<i32>} : memref<128x64xf32, #tpu.memory_space<vmem>>, vector<16xf32>,
        %and3A = arith.andi %get3A_172, %broadcast_in_dim3A_1 : vector<16xi32>
        %bitcast3A_177 = vector.bitcast %and3A : vector<16xi32> to vector<16xf32>
        %swap3A_178 = arith.index_cast %scan3A_170 : i32 to index
        %swap3A_179 = arith.constant 16 : index
        %swap3A_180 = tpu.vector_load %arg14[%swap3A_178, %swap3A_179] {strides = array<i32>} : memref<128x64xf32, #tpu.memory_space<vmem>>, vector<16xf32>,
        tpu.vector_store %arg14[%swap3A_178, %swap3A_179], %bitcast3A_177 {strides = array<i32>} : memref<128x64xf32, #tpu.memory_space<vmem>>, vector<16xf32>,
        %get3A_181 = arith.index_cast %scan3A_170 : i32 to index
        %get3A_182 = arith.constant 16 : index
        %get3A_183 = tpu.vector_load %arg11[%get3A_181, %get3A_182] {strides = array<i32>} : memref<128x32xi32, #tpu.memory_space<vmem>>, vector<16xi32>,
        %shift_left3A_184 = arith.constant 16 : i32
        %shift_left3A_185 = vector.broadcast %shift_left3A_184 : i32 to vector<16xi32>
        %shift_left3A_186 = arith.shli %get3A_183, %shift_left3A_185 : vector<16xi32>
        %bitcast3A_187 = vector.bitcast %shift_left3A_186 : vector<16xi32> to vector<16xf32>
        %swap3A_188 = arith.index_cast %scan3A_170 : i32 to index
        %swap3A_189 = arith.constant 32 : index
        %swap3A_190 = tpu.vector_load %arg14[%swap3A_188, %swap3A_189] {strides = array<i32>} : memref<128x64xf32, #tpu.memory_space<vmem>>, vector<16xf32>,
        tpu.vector_store %arg14[%swap3A_188, %swap3A_189], %bitcast3A_187 {strides = array<i32>} : memref<128x64xf32, #tpu.memory_space<vmem>>, vector<16xf32>,
        %and3A_191 = arith.andi %get3A_183, %broadcast_in_dim3A_1 : vector<16xi32>
        %bitcast3A_192 = vector.bitcast %and3A_191 : vector<16xi32> to vector<16xf32>
        %swap3A_193 = arith.index_cast %scan3A_170 : i32 to index
        %swap3A_194 = arith.constant 48 : index
        %swap3A_195 = tpu.vector_load %arg14[%swap3A_193, %swap3A_194] {strides = array<i32>} : memref<128x64xf32, #tpu.memory_space<vmem>>, vector<16xf32>,
        tpu.vector_store %arg14[%swap3A_193, %swap3A_194], %bitcast3A_192 {strides = array<i32>} : memref<128x64xf32, #tpu.memory_space<vmem>>, vector<16xf32>,
      }
      %scan3A_137 = arith.constant 128 : i32
      %dma_start3A_138 = arith.constant 0 : i32
      %dma_start3A_139 = tpu.memref_slice %arg8[%add3A_123, %dma_start3A_138] : memref<162x128xi32, #tpu.memory_space<vmem>> -> memref<1x128xi32, #tpu.memory_space<vmem>>
      %dma_start3A_140 = tpu.memref_squeeze %dma_start3A_139 : memref<1x128xi32, #tpu.memory_space<vmem>> -> memref<128xi32, #tpu.memory_space<vmem>>
      %dma_start3A_141 = arith.constant 0 : i32
      %dma_start3A_142 = arith.constant 0 : i32
      %dma_start3A_143 = tpu.memref_slice %arg17[%dma_start3A_141, %dma_start3A_142] : memref<10240x64xf32, #tpu.memory_space<vmem_shared>> -> memref<10240x64xf32, #tpu.memory_space<vmem_shared>>
      %dma_start3A_144 = tpu.memref_slice %arg16[%scan3A_36] : memref<3x!tpu.dma_semaphore, #tpu.memory_space<semaphore_mem>> -> memref<1x!tpu.dma_semaphore, #tpu.memory_space<semaphore_mem>>
      %dma_start3A_145 = tpu.memref_squeeze %dma_start3A_144 : memref<1x!tpu.dma_semaphore, #tpu.memory_space<semaphore_mem>> -> memref<!tpu.dma_semaphore, #tpu.memory_space<semaphore_mem>>
      tpu.enqueue_indirect_dma source(%arg14 : memref<128x64xf32, #tpu.memory_space<vmem>>) target(%dma_start3A_143 : memref<10240x64xf32, #tpu.memory_space<vmem_shared>>) offsets(%dma_start3A_140 : memref<128xi32, #tpu.memory_space<vmem>>) semaphore(%dma_start3A_145 : memref<!tpu.dma_semaphore, #tpu.memory_space<semaphore_mem>>) {add = true}
      %add3A_146 = arith.constant 3 : i32
      %add3A_147 = arith.addi %mul3A_74, %add3A_146 : i32
      %add3A_148 = arith.constant 0 : i32
      %add3A_149 = arith.addi %add3A_147, %add3A_148 : i32
      %lt3A = arith.constant 162 : i32
      %lt3A_150 = arith.cmpi slt, %add3A_149, %lt3A : i32
      %convert_element_type3A = arith.extui %lt3A_150 : i1 to i32
      %cond3A = arith.constant 0 : i32
      %cond3A_151 = arith.cmpi ne, %convert_element_type3A, %cond3A : i32
      scf.if %cond3A_151 {
        %add3A_170 = arith.constant 0 : i32
        %add3A_171 = arith.addi %mul3A_74, %add3A_170 : i32
        %dma_wait3A_172 = arith.constant 0 : i32
        %dma_wait3A_173 = tpu.memref_slice %arg8[%add3A_171, %dma_wait3A_172] : memref<162x128xi32, #tpu.memory_space<vmem>> -> memref<1x128xi32, #tpu.memory_space<vmem>>
        %dma_wait3A_174 = tpu.memref_squeeze %dma_wait3A_173 : memref<1x128xi32, #tpu.memory_space<vmem>> -> memref<128xi32, #tpu.memory_space<vmem>>
        %dma_wait3A_175 = arith.constant 0 : i32
        %dma_wait3A_176 = arith.constant 0 : i32
        %dma_wait3A_177 = tpu.memref_slice %arg17[%dma_wait3A_175, %dma_wait3A_176] : memref<10240x64xf32, #tpu.memory_space<vmem_shared>> -> memref<10240x64xf32, #tpu.memory_space<vmem_shared>>
        %dma_wait3A_178 = tpu.memref_slice %arg16[%scan3A_32] : memref<3x!tpu.dma_semaphore, #tpu.memory_space<semaphore_mem>> -> memref<1x!tpu.dma_semaphore, #tpu.memory_space<semaphore_mem>>
        %dma_wait3A_179 = tpu.memref_squeeze %dma_wait3A_178 : memref<1x!tpu.dma_semaphore, #tpu.memory_space<semaphore_mem>> -> memref<!tpu.dma_semaphore, #tpu.memory_space<semaphore_mem>>
        tpu.wait_indirect_dma semaphore(%dma_wait3A_179 : memref<!tpu.dma_semaphore, #tpu.memory_space<semaphore_mem>>) src(%arg12 : memref<128x64xf32, #tpu.memory_space<vmem>>) dst(%dma_wait3A_177 : memref<10240x64xf32, #tpu.memory_space<vmem_shared>>)
        %dma_start3A_180 = arith.constant 0 : i32
        %dma_start3A_181 = tpu.memref_slice %arg7[%add3A_149, %dma_start3A_180] : memref<162x128xi32, #tpu.memory_space<vmem>> -> memref<1x128xi32, #tpu.memory_space<vmem>>
        %dma_start3A_182 = tpu.memref_squeeze %dma_start3A_181 : memref<1x128xi32, #tpu.memory_space<vmem>> -> memref<128xi32, #tpu.memory_space<vmem>>
        %dma_start3A_183 = arith.constant 0 : i32
        %dma_start3A_184 = arith.constant 0 : i32
        %dma_start3A_185 = tpu.memref_slice %arg2[%dma_start3A_183, %dma_start3A_184] : memref<20480x32xi32, #tpu.memory_space<hbm>> -> memref<20480x32xi32, #tpu.memory_space<hbm>>
        %dma_start3A_186 = tpu.memref_slice %arg15[%scan3A_31] : memref<3x!tpu.dma_semaphore, #tpu.memory_space<semaphore_mem>> -> memref<1x!tpu.dma_semaphore, #tpu.memory_space<semaphore_mem>>
        %dma_start3A_187 = tpu.memref_squeeze %dma_start3A_186 : memref<1x!tpu.dma_semaphore, #tpu.memory_space<semaphore_mem>> -> memref<!tpu.dma_semaphore, #tpu.memory_space<semaphore_mem>>
        tpu.enqueue_indirect_dma source(%dma_start3A_185 : memref<20480x32xi32, #tpu.memory_space<hbm>>) target(%arg9 : memref<128x32xi32, #tpu.memory_space<vmem>>) offsets(%dma_start3A_182 : memref<128xi32, #tpu.memory_space<vmem>>) semaphore(%dma_start3A_187 : memref<!tpu.dma_semaphore, #tpu.memory_space<semaphore_mem>>)
      } else {
      }
      %add3A_152 = arith.constant 3 : i32
      %add3A_153 = arith.addi %mul3A_74, %add3A_152 : i32
      %add3A_154 = arith.constant 1 : i32
      %add3A_155 = arith.addi %add3A_153, %add3A_154 : i32
      %lt3A_156 = arith.constant 162 : i32
      %lt3A_157 = arith.cmpi slt, %add3A_155, %lt3A_156 : i32
      %convert_element_type3A_158 = arith.extui %lt3A_157 : i1 to i32
      %cond3A_159 = arith.constant 0 : i32
      %cond3A_160 = arith.cmpi ne, %convert_element_type3A_158, %cond3A_159 : i32
      scf.if %cond3A_160 {
        %add3A_170 = arith.constant 1 : i32
        %add3A_171 = arith.addi %mul3A_74, %add3A_170 : i32
        %dma_wait3A_172 = arith.constant 0 : i32
        %dma_wait3A_173 = tpu.memref_slice %arg8[%add3A_171, %dma_wait3A_172] : memref<162x128xi32, #tpu.memory_space<vmem>> -> memref<1x128xi32, #tpu.memory_space<vmem>>
        %dma_wait3A_174 = tpu.memref_squeeze %dma_wait3A_173 : memref<1x128xi32, #tpu.memory_space<vmem>> -> memref<128xi32, #tpu.memory_space<vmem>>
        %dma_wait3A_175 = arith.constant 0 : i32
        %dma_wait3A_176 = arith.constant 0 : i32
        %dma_wait3A_177 = tpu.memref_slice %arg17[%dma_wait3A_175, %dma_wait3A_176] : memref<10240x64xf32, #tpu.memory_space<vmem_shared>> -> memref<10240x64xf32, #tpu.memory_space<vmem_shared>>
        %dma_wait3A_178 = tpu.memref_slice %arg16[%scan3A_34] : memref<3x!tpu.dma_semaphore, #tpu.memory_space<semaphore_mem>> -> memref<1x!tpu.dma_semaphore, #tpu.memory_space<semaphore_mem>>
        %dma_wait3A_179 = tpu.memref_squeeze %dma_wait3A_178 : memref<1x!tpu.dma_semaphore, #tpu.memory_space<semaphore_mem>> -> memref<!tpu.dma_semaphore, #tpu.memory_space<semaphore_mem>>
        tpu.wait_indirect_dma semaphore(%dma_wait3A_179 : memref<!tpu.dma_semaphore, #tpu.memory_space<semaphore_mem>>) src(%arg13 : memref<128x64xf32, #tpu.memory_space<vmem>>) dst(%dma_wait3A_177 : memref<10240x64xf32, #tpu.memory_space<vmem_shared>>)
        %dma_start3A_180 = arith.constant 0 : i32
        %dma_start3A_181 = tpu.memref_slice %arg7[%add3A_155, %dma_start3A_180] : memref<162x128xi32, #tpu.memory_space<vmem>> -> memref<1x128xi32, #tpu.memory_space<vmem>>
        %dma_start3A_182 = tpu.memref_squeeze %dma_start3A_181 : memref<1x128xi32, #tpu.memory_space<vmem>> -> memref<128xi32, #tpu.memory_space<vmem>>
        %dma_start3A_183 = arith.constant 0 : i32
        %dma_start3A_184 = arith.constant 0 : i32
        %dma_start3A_185 = tpu.memref_slice %arg2[%dma_start3A_183, %dma_start3A_184] : memref<20480x32xi32, #tpu.memory_space<hbm>> -> memref<20480x32xi32, #tpu.memory_space<hbm>>
        %dma_start3A_186 = tpu.memref_slice %arg15[%scan3A_33] : memref<3x!tpu.dma_semaphore, #tpu.memory_space<semaphore_mem>> -> memref<1x!tpu.dma_semaphore, #tpu.memory_space<semaphore_mem>>
        %dma_start3A_187 = tpu.memref_squeeze %dma_start3A_186 : memref<1x!tpu.dma_semaphore, #tpu.memory_space<semaphore_mem>> -> memref<!tpu.dma_semaphore, #tpu.memory_space<semaphore_mem>>
        tpu.enqueue_indirect_dma source(%dma_start3A_185 : memref<20480x32xi32, #tpu.memory_space<hbm>>) target(%arg10 : memref<128x32xi32, #tpu.memory_space<vmem>>) offsets(%dma_start3A_182 : memref<128xi32, #tpu.memory_space<vmem>>) semaphore(%dma_start3A_187 : memref<!tpu.dma_semaphore, #tpu.memory_space<semaphore_mem>>)
      } else {
      }
      %add3A_161 = arith.constant 3 : i32
      %add3A_162 = arith.addi %mul3A_74, %add3A_161 : i32
      %add3A_163 = arith.constant 2 : i32
      %add3A_164 = arith.addi %add3A_162, %add3A_163 : i32
      %lt3A_165 = arith.constant 162 : i32
      %lt3A_166 = arith.cmpi slt, %add3A_164, %lt3A_165 : i32
      %convert_element_type3A_167 = arith.extui %lt3A_166 : i1 to i32
      %cond3A_168 = arith.constant 0 : i32
      %cond3A_169 = arith.cmpi ne, %convert_element_type3A_167, %cond3A_168 : i32
      scf.if %cond3A_169 {
        %add3A_170 = arith.constant 2 : i32
        %add3A_171 = arith.addi %mul3A_74, %add3A_170 : i32
        %dma_wait3A_172 = arith.constant 0 : i32
        %dma_wait3A_173 = tpu.memref_slice %arg8[%add3A_171, %dma_wait3A_172] : memref<162x128xi32, #tpu.memory_space<vmem>> -> memref<1x128xi32, #tpu.memory_space<vmem>>
        %dma_wait3A_174 = tpu.memref_squeeze %dma_wait3A_173 : memref<1x128xi32, #tpu.memory_space<vmem>> -> memref<128xi32, #tpu.memory_space<vmem>>
        %dma_wait3A_175 = arith.constant 0 : i32
        %dma_wait3A_176 = arith.constant 0 : i32
        %dma_wait3A_177 = tpu.memref_slice %arg17[%dma_wait3A_175, %dma_wait3A_176] : memref<10240x64xf32, #tpu.memory_space<vmem_shared>> -> memref<10240x64xf32, #tpu.memory_space<vmem_shared>>
        %dma_wait3A_178 = tpu.memref_slice %arg16[%scan3A_36] : memref<3x!tpu.dma_semaphore, #tpu.memory_space<semaphore_mem>> -> memref<1x!tpu.dma_semaphore, #tpu.memory_space<semaphore_mem>>
        %dma_wait3A_179 = tpu.memref_squeeze %dma_wait3A_178 : memref<1x!tpu.dma_semaphore, #tpu.memory_space<semaphore_mem>> -> memref<!tpu.dma_semaphore, #tpu.memory_space<semaphore_mem>>
        tpu.wait_indirect_dma semaphore(%dma_wait3A_179 : memref<!tpu.dma_semaphore, #tpu.memory_space<semaphore_mem>>) src(%arg14 : memref<128x64xf32, #tpu.memory_space<vmem>>) dst(%dma_wait3A_177 : memref<10240x64xf32, #tpu.memory_space<vmem_shared>>)
        %dma_start3A_180 = arith.constant 0 : i32
        %dma_start3A_181 = tpu.memref_slice %arg7[%add3A_164, %dma_start3A_180] : memref<162x128xi32, #tpu.memory_space<vmem>> -> memref<1x128xi32, #tpu.memory_space<vmem>>
        %dma_start3A_182 = tpu.memref_squeeze %dma_start3A_181 : memref<1x128xi32, #tpu.memory_space<vmem>> -> memref<128xi32, #tpu.memory_space<vmem>>
        %dma_start3A_183 = arith.constant 0 : i32
        %dma_start3A_184 = arith.constant 0 : i32
        %dma_start3A_185 = tpu.memref_slice %arg2[%dma_start3A_183, %dma_start3A_184] : memref<20480x32xi32, #tpu.memory_space<hbm>> -> memref<20480x32xi32, #tpu.memory_space<hbm>>
        %dma_start3A_186 = tpu.memref_slice %arg15[%scan3A_35] : memref<3x!tpu.dma_semaphore, #tpu.memory_space<semaphore_mem>> -> memref<1x!tpu.dma_semaphore, #tpu.memory_space<semaphore_mem>>
        %dma_start3A_187 = tpu.memref_squeeze %dma_start3A_186 : memref<1x!tpu.dma_semaphore, #tpu.memory_space<semaphore_mem>> -> memref<!tpu.dma_semaphore, #tpu.memory_space<semaphore_mem>>
        tpu.enqueue_indirect_dma source(%dma_start3A_185 : memref<20480x32xi32, #tpu.memory_space<hbm>>) target(%arg11 : memref<128x32xi32, #tpu.memory_space<vmem>>) offsets(%dma_start3A_182 : memref<128xi32, #tpu.memory_space<vmem>>) semaphore(%dma_start3A_187 : memref<!tpu.dma_semaphore, #tpu.memory_space<semaphore_mem>>)
      } else {
      }
    }
    %scan3A_41 = arith.constant 54 : i32
    %dma_wait3A = arith.constant 159 : i32
    %dma_wait3A_42 = arith.constant 0 : i32
    %dma_wait3A_43 = arith.constant 0 : i32
    %dma_wait3A_44 = tpu.memref_slice %arg8[%dma_wait3A, %dma_wait3A_43] : memref<162x128xi32, #tpu.memory_space<vmem>> -> memref<1x128xi32, #tpu.memory_space<vmem>>
    %dma_wait3A_45 = tpu.memref_squeeze %dma_wait3A_44 : memref<1x128xi32, #tpu.memory_space<vmem>> -> memref<128xi32, #tpu.memory_space<vmem>>
    %dma_wait3A_46 = arith.constant 0 : i32
    %dma_wait3A_47 = arith.constant 0 : i32
    %dma_wait3A_48 = tpu.memref_slice %arg17[%dma_wait3A_46, %dma_wait3A_47] : memref<10240x64xf32, #tpu.memory_space<vmem_shared>> -> memref<10240x64xf32, #tpu.memory_space<vmem_shared>>
    %dma_wait3A_49 = tpu.memref_slice %arg16[%dma_wait3A_42] : memref<3x!tpu.dma_semaphore, #tpu.memory_space<semaphore_mem>> -> memref<1x!tpu.dma_semaphore, #tpu.memory_space<semaphore_mem>>
    %dma_wait3A_50 = tpu.memref_squeeze %dma_wait3A_49 : memref<1x!tpu.dma_semaphore, #tpu.memory_space<semaphore_mem>> -> memref<!tpu.dma_semaphore, #tpu.memory_space<semaphore_mem>>
    tpu.wait_indirect_dma semaphore(%dma_wait3A_50 : memref<!tpu.dma_semaphore, #tpu.memory_space<semaphore_mem>>) src(%arg12 : memref<128x64xf32, #tpu.memory_space<vmem>>) dst(%dma_wait3A_48 : memref<10240x64xf32, #tpu.memory_space<vmem_shared>>)
    %dma_wait3A_51 = arith.constant 160 : i32
    %dma_wait3A_52 = arith.constant 1 : i32
    %dma_wait3A_53 = arith.constant 0 : i32
    %dma_wait3A_54 = tpu.memref_slice %arg8[%dma_wait3A_51, %dma_wait3A_53] : memref<162x128xi32, #tpu.memory_space<vmem>> -> memref<1x128xi32, #tpu.memory_space<vmem>>
    %dma_wait3A_55 = tpu.memref_squeeze %dma_wait3A_54 : memref<1x128xi32, #tpu.memory_space<vmem>> -> memref<128xi32, #tpu.memory_space<vmem>>
    %dma_wait3A_56 = arith.constant 0 : i32
    %dma_wait3A_57 = arith.constant 0 : i32
    %dma_wait3A_58 = tpu.memref_slice %arg17[%dma_wait3A_56, %dma_wait3A_57] : memref<10240x64xf32, #tpu.memory_space<vmem_shared>> -> memref<10240x64xf32, #tpu.memory_space<vmem_shared>>
    %dma_wait3A_59 = tpu.memref_slice %arg16[%dma_wait3A_52] : memref<3x!tpu.dma_semaphore, #tpu.memory_space<semaphore_mem>> -> memref<1x!tpu.dma_semaphore, #tpu.memory_space<semaphore_mem>>
    %dma_wait3A_60 = tpu.memref_squeeze %dma_wait3A_59 : memref<1x!tpu.dma_semaphore, #tpu.memory_space<semaphore_mem>> -> memref<!tpu.dma_semaphore, #tpu.memory_space<semaphore_mem>>
    tpu.wait_indirect_dma semaphore(%dma_wait3A_60 : memref<!tpu.dma_semaphore, #tpu.memory_space<semaphore_mem>>) src(%arg13 : memref<128x64xf32, #tpu.memory_space<vmem>>) dst(%dma_wait3A_58 : memref<10240x64xf32, #tpu.memory_space<vmem_shared>>)
    %dma_wait3A_61 = arith.constant 161 : i32
    %dma_wait3A_62 = arith.constant 2 : i32
    %dma_wait3A_63 = arith.constant 0 : i32
    %dma_wait3A_64 = tpu.memref_slice %arg8[%dma_wait3A_61, %dma_wait3A_63] : memref<162x128xi32, #tpu.memory_space<vmem>> -> memref<1x128xi32, #tpu.memory_space<vmem>>
    %dma_wait3A_65 = tpu.memref_squeeze %dma_wait3A_64 : memref<1x128xi32, #tpu.memory_space<vmem>> -> memref<128xi32, #tpu.memory_space<vmem>>
    %dma_wait3A_66 = arith.constant 0 : i32
    %dma_wait3A_67 = arith.constant 0 : i32
    %dma_wait3A_68 = tpu.memref_slice %arg17[%dma_wait3A_66, %dma_wait3A_67] : memref<10240x64xf32, #tpu.memory_space<vmem_shared>> -> memref<10240x64xf32, #tpu.memory_space<vmem_shared>>
    %dma_wait3A_69 = tpu.memref_slice %arg16[%dma_wait3A_62] : memref<3x!tpu.dma_semaphore, #tpu.memory_space<semaphore_mem>> -> memref<1x!tpu.dma_semaphore, #tpu.memory_space<semaphore_mem>>
    %dma_wait3A_70 = tpu.memref_squeeze %dma_wait3A_69 : memref<1x!tpu.dma_semaphore, #tpu.memory_space<semaphore_mem>> -> memref<!tpu.dma_semaphore, #tpu.memory_space<semaphore_mem>>
    tpu.wait_indirect_dma semaphore(%dma_wait3A_70 : memref<!tpu.dma_semaphore, #tpu.memory_space<semaphore_mem>>) src(%arg14 : memref<128x64xf32, #tpu.memory_space<vmem>>) dst(%dma_wait3A_68 : memref<10240x64xf32, #tpu.memory_space<vmem_shared>>)
    %barrier3A_71 = arith.constant 0 : index
    tpu.barrier barrier_id(%barrier3A_71)
    "tpu.region"() ({
      %run_scoped3A = tpu.sem_alloc : memref<!tpu.dma_semaphore, #tpu.memory_space<semaphore_mem>>
      %dma_start3A_72 = arith.constant 0 : i32
      %dma_start3A_73 = tpu.memref_slice %arg6[%arg0, %mul3A_0, %dma_start3A_72] : memref<2x10240x64xf32, #tpu.memory_space<hbm>> -> memref<1x640x64xf32, #tpu.memory_space<hbm>>
      %dma_start3A_74 = tpu.memref_squeeze %dma_start3A_73 : memref<1x640x64xf32, #tpu.memory_space<hbm>> -> memref<640x64xf32, #tpu.memory_space<hbm>>
      %dma_start3A_75 = arith.constant 0 : i32
      %dma_start3A_76 = tpu.memref_slice %arg17[%mul3A_0, %dma_start3A_75] : memref<10240x64xf32, #tpu.memory_space<vmem_shared>> -> memref<640x64xf32, #tpu.memory_space<vmem_shared>>
      tpu.enqueue_dma source(%dma_start3A_76 : memref<640x64xf32, #tpu.memory_space<vmem_shared>>) target(%dma_start3A_74 : memref<640x64xf32, #tpu.memory_space<hbm>>) target_semaphore(%run_scoped3A : memref<!tpu.dma_semaphore, #tpu.memory_space<semaphore_mem>>)
      %dma_wait3A_77 = arith.constant 0 : i32
      %dma_wait3A_78 = tpu.memref_slice %arg6[%arg0, %mul3A_0, %dma_wait3A_77] : memref<2x10240x64xf32, #tpu.memory_space<hbm>> -> memref<1x640x64xf32, #tpu.memory_space<hbm>>
      %dma_wait3A_79 = tpu.memref_squeeze %dma_wait3A_78 : memref<1x640x64xf32, #tpu.memory_space<hbm>> -> memref<640x64xf32, #tpu.memory_space<hbm>>
      %dma_wait3A_80 = arith.constant 0 : i32
      %dma_wait3A_81 = tpu.memref_slice %arg17[%mul3A_0, %dma_wait3A_80] : memref<10240x64xf32, #tpu.memory_space<vmem_shared>> -> memref<640x64xf32, #tpu.memory_space<vmem_shared>>
      tpu.wait_dma2 semaphore(%run_scoped3A : memref<!tpu.dma_semaphore, #tpu.memory_space<semaphore_mem>>) src(%dma_wait3A_81 : memref<640x64xf32, #tpu.memory_space<vmem_shared>>) dst(%dma_wait3A_79 : memref<640x64xf32, #tpu.memory_space<hbm>>)
      tpu.yield
    }) : () -> ()
    return
  }
}

module attributes {stable_mosaic.version = 14 : i64} {
  func.func @_tc1_body(%arg0: i32, %arg1: memref<2x1280x1xf32, #tpu.memory_space<vmem>>, %arg2: memref<1280x128xf32, #tpu.memory_space<vmem>>, %arg3: memref<128x128xf32, #tpu.memory_space<vmem>>, %arg4: memref<1280x128xf32, #tpu.memory_space<vmem>>, %arg5: memref<1280x2x32xi32, #tpu.memory_space<vmem>>) attributes {dimension_semantics = [#tpu.dimension_semantics<arbitrary>], iteration_bounds = array<i64: 8>, scalar_prefetch = 0 : i64, scratch_operands = 0 : i64, tpu.core_type = #tpu.core_type<tc>, window_params = [{transform_indices = @transform_0, window_bounds = array<i64: 2, 1280, 1>}, {transform_indices = @transform_1, window_bounds = array<i64: 1280, 128>}, {pipeline_mode = #tpu.pipeline_mode<synchronous>, transform_indices = @transform_2, window_bounds = array<i64: 128, 128>}, {transform_indices = @transform_3, window_bounds = array<i64: 1280, 128>}, {transform_indices = @transform_4, window_bounds = array<i64: 1280, 2, 32>}]} {
    %get3A = arith.constant 0 : index
    %get3A_0 = arith.constant 0 : index
    %get3A_1 = vector.load %arg2[%get3A, %get3A_0] : memref<1280x128xf32, #tpu.memory_space<vmem>>, vector<1280x128xf32>
    %get3A_2 = arith.constant 0 : index
    %get3A_3 = arith.constant 0 : index
    %get3A_4 = vector.load %arg3[%get3A_2, %get3A_3] : memref<128x128xf32, #tpu.memory_space<vmem>>, vector<128x128xf32>
    %dot_general3A = arith.constant dense<0.000000e+00> : vector<1280x128xf32>
    %dot_general3A_5 = tpu.matmul %get3A_1, %get3A_4, %dot_general3A {dimension_numbers = #tpu.dot_dimension_numbers<[1], [0], [0], [1], [0, 0, 1, 1], [], []>, transpose_lhs_hint = false} : vector<1280x128xf32>, vector<128x128xf32>, vector<1280x128xf32> -> vector<1280x128xf32>
    %get3A_6 = arith.constant 0 : index
    %get3A_7 = arith.constant 0 : index
    %get3A_8 = arith.constant 0 : index
    %get3A_9 = vector.load %arg1[%get3A_6, %get3A_7, %get3A_8] : memref<2x1280x1xf32, #tpu.memory_space<vmem>>, vector<1x1280x1xf32>
    %get3A_10 = vector.shape_cast %get3A_9 : vector<1x1280x1xf32> to vector<1280x1xf32>
    %get3A_11 = arith.constant 1 : index
    %get3A_12 = arith.constant 0 : index
    %get3A_13 = arith.constant 0 : index
    %get3A_14 = vector.load %arg1[%get3A_11, %get3A_12, %get3A_13] : memref<2x1280x1xf32, #tpu.memory_space<vmem>>, vector<1x1280x1xf32>
    %get3A_15 = vector.shape_cast %get3A_14 : vector<1x1280x1xf32> to vector<1280x1xf32>
    %add3A = arith.addf %get3A_10, %get3A_15 : vector<1280x1xf32>
    %add3A_16 = arith.constant 1.000000e+00 : f32
    %add3A_17 = vector.broadcast %add3A_16 : f32 to vector<1280x1xf32>
    %add3A_18 = arith.addf %add3A, %add3A_17 : vector<1280x1xf32>
    %rsqrt3A = math.rsqrt %add3A_18 : vector<1280x1xf32>
    %mul3A = vector.broadcast %rsqrt3A : vector<1280x1xf32> to vector<1280x128xf32>
    %mul3A_19 = arith.mulf %dot_general3A_5, %mul3A : vector<1280x128xf32>
    %swap3A = arith.constant 0 : index
    %swap3A_20 = arith.constant 0 : index
    %swap3A_21 = vector.load %arg4[%swap3A, %swap3A_20] : memref<1280x128xf32, #tpu.memory_space<vmem>>, vector<1280x128xf32>
    tpu.vector_store %arg4[%swap3A, %swap3A_20], %mul3A_19 {strides = array<i32>} : memref<1280x128xf32, #tpu.memory_space<vmem>>, vector<1280x128xf32>,
    %slice3A = vector.extract_strided_slice %mul3A_19 {offsets = [0, 0], sizes = [1280, 16], strides = [1, 1]} : vector<1280x128xf32> to vector<1280x16xf32>
    %bitcast_convert_type3A = tpu.bitcast %slice3A : vector<1280x16xf32> -> vector<1280x16xi32>
    %add3A_22 = arith.constant 32767 : i32
    %add3A_23 = vector.broadcast %add3A_22 : i32 to vector<1280x16xi32>
    %add3A_24 = arith.addi %bitcast_convert_type3A, %add3A_23 : vector<1280x16xi32>
    %shift_right_logical3A = arith.constant 16 : i32
    %shift_right_logical3A_25 = vector.broadcast %shift_right_logical3A : i32 to vector<1280x16xi32>
    %shift_right_logical3A_26 = arith.shrui %bitcast_convert_type3A, %shift_right_logical3A_25 : vector<1280x16xi32>
    %and3A = arith.constant 1 : i32
    %and3A_27 = vector.broadcast %and3A : i32 to vector<1280x16xi32>
    %and3A_28 = arith.andi %shift_right_logical3A_26, %and3A_27 : vector<1280x16xi32>
    %add3A_29 = arith.addi %add3A_24, %and3A_28 : vector<1280x16xi32>
    %shift_right_logical3A_30 = arith.constant 16 : i32
    %shift_right_logical3A_31 = vector.broadcast %shift_right_logical3A_30 : i32 to vector<1280x16xi32>
    %shift_right_logical3A_32 = arith.shrui %add3A_29, %shift_right_logical3A_31 : vector<1280x16xi32>
    %slice3A_33 = vector.extract_strided_slice %mul3A_19 {offsets = [0, 16], sizes = [1280, 16], strides = [1, 1]} : vector<1280x128xf32> to vector<1280x16xf32>
    %bitcast_convert_type3A_34 = tpu.bitcast %slice3A_33 : vector<1280x16xf32> -> vector<1280x16xi32>
    %add3A_35 = arith.constant 32767 : i32
    %add3A_36 = vector.broadcast %add3A_35 : i32 to vector<1280x16xi32>
    %add3A_37 = arith.addi %bitcast_convert_type3A_34, %add3A_36 : vector<1280x16xi32>
    %shift_right_logical3A_38 = arith.constant 16 : i32
    %shift_right_logical3A_39 = vector.broadcast %shift_right_logical3A_38 : i32 to vector<1280x16xi32>
    %shift_right_logical3A_40 = arith.shrui %bitcast_convert_type3A_34, %shift_right_logical3A_39 : vector<1280x16xi32>
    %and3A_41 = arith.constant 1 : i32
    %and3A_42 = vector.broadcast %and3A_41 : i32 to vector<1280x16xi32>
    %and3A_43 = arith.andi %shift_right_logical3A_40, %and3A_42 : vector<1280x16xi32>
    %add3A_44 = arith.addi %add3A_37, %and3A_43 : vector<1280x16xi32>
    %shift_right_logical3A_45 = arith.constant 16 : i32
    %shift_right_logical3A_46 = vector.broadcast %shift_right_logical3A_45 : i32 to vector<1280x16xi32>
    %shift_right_logical3A_47 = arith.shrui %add3A_44, %shift_right_logical3A_46 : vector<1280x16xi32>
    %shift_left3A = arith.constant 16 : i32
    %shift_left3A_48 = vector.broadcast %shift_left3A : i32 to vector<1280x16xi32>
    %shift_left3A_49 = arith.shli %shift_right_logical3A_47, %shift_left3A_48 : vector<1280x16xi32>
    %or3A = arith.ori %shift_right_logical3A_32, %shift_left3A_49 : vector<1280x16xi32>
    %bitcast_convert_type3A_50 = tpu.bitcast %or3A : vector<1280x16xi32> -> vector<1280x16xi32>
    %slice3A_51 = vector.extract_strided_slice %mul3A_19 {offsets = [0, 32], sizes = [1280, 16], strides = [1, 1]} : vector<1280x128xf32> to vector<1280x16xf32>
    %bitcast_convert_type3A_52 = tpu.bitcast %slice3A_51 : vector<1280x16xf32> -> vector<1280x16xi32>
    %add3A_53 = arith.constant 32767 : i32
    %add3A_54 = vector.broadcast %add3A_53 : i32 to vector<1280x16xi32>
    %add3A_55 = arith.addi %bitcast_convert_type3A_52, %add3A_54 : vector<1280x16xi32>
    %shift_right_logical3A_56 = arith.constant 16 : i32
    %shift_right_logical3A_57 = vector.broadcast %shift_right_logical3A_56 : i32 to vector<1280x16xi32>
    %shift_right_logical3A_58 = arith.shrui %bitcast_convert_type3A_52, %shift_right_logical3A_57 : vector<1280x16xi32>
    %and3A_59 = arith.constant 1 : i32
    %and3A_60 = vector.broadcast %and3A_59 : i32 to vector<1280x16xi32>
    %and3A_61 = arith.andi %shift_right_logical3A_58, %and3A_60 : vector<1280x16xi32>
    %add3A_62 = arith.addi %add3A_55, %and3A_61 : vector<1280x16xi32>
    %shift_right_logical3A_63 = arith.constant 16 : i32
    %shift_right_logical3A_64 = vector.broadcast %shift_right_logical3A_63 : i32 to vector<1280x16xi32>
    %shift_right_logical3A_65 = arith.shrui %add3A_62, %shift_right_logical3A_64 : vector<1280x16xi32>
    %slice3A_66 = vector.extract_strided_slice %mul3A_19 {offsets = [0, 48], sizes = [1280, 16], strides = [1, 1]} : vector<1280x128xf32> to vector<1280x16xf32>
    %bitcast_convert_type3A_67 = tpu.bitcast %slice3A_66 : vector<1280x16xf32> -> vector<1280x16xi32>
    %add3A_68 = arith.constant 32767 : i32
    %add3A_69 = vector.broadcast %add3A_68 : i32 to vector<1280x16xi32>
    %add3A_70 = arith.addi %bitcast_convert_type3A_67, %add3A_69 : vector<1280x16xi32>
    %shift_right_logical3A_71 = arith.constant 16 : i32
    %shift_right_logical3A_72 = vector.broadcast %shift_right_logical3A_71 : i32 to vector<1280x16xi32>
    %shift_right_logical3A_73 = arith.shrui %bitcast_convert_type3A_67, %shift_right_logical3A_72 : vector<1280x16xi32>
    %and3A_74 = arith.constant 1 : i32
    %and3A_75 = vector.broadcast %and3A_74 : i32 to vector<1280x16xi32>
    %and3A_76 = arith.andi %shift_right_logical3A_73, %and3A_75 : vector<1280x16xi32>
    %add3A_77 = arith.addi %add3A_70, %and3A_76 : vector<1280x16xi32>
    %shift_right_logical3A_78 = arith.constant 16 : i32
    %shift_right_logical3A_79 = vector.broadcast %shift_right_logical3A_78 : i32 to vector<1280x16xi32>
    %shift_right_logical3A_80 = arith.shrui %add3A_77, %shift_right_logical3A_79 : vector<1280x16xi32>
    %shift_left3A_81 = arith.constant 16 : i32
    %shift_left3A_82 = vector.broadcast %shift_left3A_81 : i32 to vector<1280x16xi32>
    %shift_left3A_83 = arith.shli %shift_right_logical3A_80, %shift_left3A_82 : vector<1280x16xi32>
    %or3A_84 = arith.ori %shift_right_logical3A_65, %shift_left3A_83 : vector<1280x16xi32>
    %bitcast_convert_type3A_85 = tpu.bitcast %or3A_84 : vector<1280x16xi32> -> vector<1280x16xi32>
    %concatenate3A = tpu.concatenate %bitcast_convert_type3A_50, %bitcast_convert_type3A_85 in 1 : vector<1280x16xi32>, vector<1280x16xi32> -> vector<1280x32xi32>
    %swap3A_86 = arith.constant 0 : index
    %swap3A_87 = arith.constant 0 : index
    %swap3A_88 = arith.constant 0 : index
    %swap3A_89 = vector.load %arg5[%swap3A_86, %swap3A_87, %swap3A_88] : memref<1280x2x32xi32, #tpu.memory_space<vmem>>, vector<1280x1x32xi32>
    %swap3A_90 = vector.shape_cast %swap3A_89 : vector<1280x1x32xi32> to vector<1280x32xi32>
    %swap3A_91 = vector.shape_cast %concatenate3A : vector<1280x32xi32> to vector<1280x1x32xi32>
    tpu.vector_store %arg5[%swap3A_86, %swap3A_87, %swap3A_88], %swap3A_91 {strides = array<i32>} : memref<1280x2x32xi32, #tpu.memory_space<vmem>>, vector<1280x1x32xi32>,
    %slice3A_92 = vector.extract_strided_slice %mul3A_19 {offsets = [0, 64], sizes = [1280, 16], strides = [1, 1]} : vector<1280x128xf32> to vector<1280x16xf32>
    %bitcast_convert_type3A_93 = tpu.bitcast %slice3A_92 : vector<1280x16xf32> -> vector<1280x16xi32>
    %add3A_94 = arith.constant 32767 : i32
    %add3A_95 = vector.broadcast %add3A_94 : i32 to vector<1280x16xi32>
    %add3A_96 = arith.addi %bitcast_convert_type3A_93, %add3A_95 : vector<1280x16xi32>
    %shift_right_logical3A_97 = arith.constant 16 : i32
    %shift_right_logical3A_98 = vector.broadcast %shift_right_logical3A_97 : i32 to vector<1280x16xi32>
    %shift_right_logical3A_99 = arith.shrui %bitcast_convert_type3A_93, %shift_right_logical3A_98 : vector<1280x16xi32>
    %and3A_100 = arith.constant 1 : i32
    %and3A_101 = vector.broadcast %and3A_100 : i32 to vector<1280x16xi32>
    %and3A_102 = arith.andi %shift_right_logical3A_99, %and3A_101 : vector<1280x16xi32>
    %add3A_103 = arith.addi %add3A_96, %and3A_102 : vector<1280x16xi32>
    %shift_right_logical3A_104 = arith.constant 16 : i32
    %shift_right_logical3A_105 = vector.broadcast %shift_right_logical3A_104 : i32 to vector<1280x16xi32>
    %shift_right_logical3A_106 = arith.shrui %add3A_103, %shift_right_logical3A_105 : vector<1280x16xi32>
    %slice3A_107 = vector.extract_strided_slice %mul3A_19 {offsets = [0, 80], sizes = [1280, 16], strides = [1, 1]} : vector<1280x128xf32> to vector<1280x16xf32>
    %bitcast_convert_type3A_108 = tpu.bitcast %slice3A_107 : vector<1280x16xf32> -> vector<1280x16xi32>
    %add3A_109 = arith.constant 32767 : i32
    %add3A_110 = vector.broadcast %add3A_109 : i32 to vector<1280x16xi32>
    %add3A_111 = arith.addi %bitcast_convert_type3A_108, %add3A_110 : vector<1280x16xi32>
    %shift_right_logical3A_112 = arith.constant 16 : i32
    %shift_right_logical3A_113 = vector.broadcast %shift_right_logical3A_112 : i32 to vector<1280x16xi32>
    %shift_right_logical3A_114 = arith.shrui %bitcast_convert_type3A_108, %shift_right_logical3A_113 : vector<1280x16xi32>
    %and3A_115 = arith.constant 1 : i32
    %and3A_116 = vector.broadcast %and3A_115 : i32 to vector<1280x16xi32>
    %and3A_117 = arith.andi %shift_right_logical3A_114, %and3A_116 : vector<1280x16xi32>
    %add3A_118 = arith.addi %add3A_111, %and3A_117 : vector<1280x16xi32>
    %shift_right_logical3A_119 = arith.constant 16 : i32
    %shift_right_logical3A_120 = vector.broadcast %shift_right_logical3A_119 : i32 to vector<1280x16xi32>
    %shift_right_logical3A_121 = arith.shrui %add3A_118, %shift_right_logical3A_120 : vector<1280x16xi32>
    %shift_left3A_122 = arith.constant 16 : i32
    %shift_left3A_123 = vector.broadcast %shift_left3A_122 : i32 to vector<1280x16xi32>
    %shift_left3A_124 = arith.shli %shift_right_logical3A_121, %shift_left3A_123 : vector<1280x16xi32>
    %or3A_125 = arith.ori %shift_right_logical3A_106, %shift_left3A_124 : vector<1280x16xi32>
    %bitcast_convert_type3A_126 = tpu.bitcast %or3A_125 : vector<1280x16xi32> -> vector<1280x16xi32>
    %slice3A_127 = vector.extract_strided_slice %mul3A_19 {offsets = [0, 96], sizes = [1280, 16], strides = [1, 1]} : vector<1280x128xf32> to vector<1280x16xf32>
    %bitcast_convert_type3A_128 = tpu.bitcast %slice3A_127 : vector<1280x16xf32> -> vector<1280x16xi32>
    %add3A_129 = arith.constant 32767 : i32
    %add3A_130 = vector.broadcast %add3A_129 : i32 to vector<1280x16xi32>
    %add3A_131 = arith.addi %bitcast_convert_type3A_128, %add3A_130 : vector<1280x16xi32>
    %shift_right_logical3A_132 = arith.constant 16 : i32
    %shift_right_logical3A_133 = vector.broadcast %shift_right_logical3A_132 : i32 to vector<1280x16xi32>
    %shift_right_logical3A_134 = arith.shrui %bitcast_convert_type3A_128, %shift_right_logical3A_133 : vector<1280x16xi32>
    %and3A_135 = arith.constant 1 : i32
    %and3A_136 = vector.broadcast %and3A_135 : i32 to vector<1280x16xi32>
    %and3A_137 = arith.andi %shift_right_logical3A_134, %and3A_136 : vector<1280x16xi32>
    %add3A_138 = arith.addi %add3A_131, %and3A_137 : vector<1280x16xi32>
    %shift_right_logical3A_139 = arith.constant 16 : i32
    %shift_right_logical3A_140 = vector.broadcast %shift_right_logical3A_139 : i32 to vector<1280x16xi32>
    %shift_right_logical3A_141 = arith.shrui %add3A_138, %shift_right_logical3A_140 : vector<1280x16xi32>
    %slice3A_142 = vector.extract_strided_slice %mul3A_19 {offsets = [0, 112], sizes = [1280, 16], strides = [1, 1]} : vector<1280x128xf32> to vector<1280x16xf32>
    %bitcast_convert_type3A_143 = tpu.bitcast %slice3A_142 : vector<1280x16xf32> -> vector<1280x16xi32>
    %add3A_144 = arith.constant 32767 : i32
    %add3A_145 = vector.broadcast %add3A_144 : i32 to vector<1280x16xi32>
    %add3A_146 = arith.addi %bitcast_convert_type3A_143, %add3A_145 : vector<1280x16xi32>
    %shift_right_logical3A_147 = arith.constant 16 : i32
    %shift_right_logical3A_148 = vector.broadcast %shift_right_logical3A_147 : i32 to vector<1280x16xi32>
    %shift_right_logical3A_149 = arith.shrui %bitcast_convert_type3A_143, %shift_right_logical3A_148 : vector<1280x16xi32>
    %and3A_150 = arith.constant 1 : i32
    %and3A_151 = vector.broadcast %and3A_150 : i32 to vector<1280x16xi32>
    %and3A_152 = arith.andi %shift_right_logical3A_149, %and3A_151 : vector<1280x16xi32>
    %add3A_153 = arith.addi %add3A_146, %and3A_152 : vector<1280x16xi32>
    %shift_right_logical3A_154 = arith.constant 16 : i32
    %shift_right_logical3A_155 = vector.broadcast %shift_right_logical3A_154 : i32 to vector<1280x16xi32>
    %shift_right_logical3A_156 = arith.shrui %add3A_153, %shift_right_logical3A_155 : vector<1280x16xi32>
    %shift_left3A_157 = arith.constant 16 : i32
    %shift_left3A_158 = vector.broadcast %shift_left3A_157 : i32 to vector<1280x16xi32>
    %shift_left3A_159 = arith.shli %shift_right_logical3A_156, %shift_left3A_158 : vector<1280x16xi32>
    %or3A_160 = arith.ori %shift_right_logical3A_141, %shift_left3A_159 : vector<1280x16xi32>
    %bitcast_convert_type3A_161 = tpu.bitcast %or3A_160 : vector<1280x16xi32> -> vector<1280x16xi32>
    %concatenate3A_162 = tpu.concatenate %bitcast_convert_type3A_126, %bitcast_convert_type3A_161 in 1 : vector<1280x16xi32>, vector<1280x16xi32> -> vector<1280x32xi32>
    %swap3A_163 = arith.constant 0 : index
    %swap3A_164 = arith.constant 1 : index
    %swap3A_165 = arith.constant 0 : index
    %swap3A_166 = vector.load %arg5[%swap3A_163, %swap3A_164, %swap3A_165] : memref<1280x2x32xi32, #tpu.memory_space<vmem>>, vector<1280x1x32xi32>
    %swap3A_167 = vector.shape_cast %swap3A_166 : vector<1280x1x32xi32> to vector<1280x32xi32>
    %swap3A_168 = vector.shape_cast %concatenate3A_162 : vector<1280x32xi32> to vector<1280x1x32xi32>
    tpu.vector_store %arg5[%swap3A_163, %swap3A_164, %swap3A_165], %swap3A_168 {strides = array<i32>} : memref<1280x2x32xi32, #tpu.memory_space<vmem>>, vector<1280x1x32xi32>,
    return
  }
  func.func @transform_0(%arg0: i32) -> (i32, i32, i32) {
    %c0_i32 = arith.constant 0 : i32
    %c0_i32_0 = arith.constant 0 : i32
    %c0_i32_1 = arith.constant 0 : i32
    return %c0_i32, %arg0, %c0_i32_0 : i32, i32, i32
  }
  func.func @transform_1(%arg0: i32) -> (i32, i32) {
    %c0_i32 = arith.constant 0 : i32
    %c0_i32_0 = arith.constant 0 : i32
    return %arg0, %c0_i32 : i32, i32
  }
  func.func @transform_2(%arg0: i32) -> (i32, i32) {
    %c0_i32 = arith.constant 0 : i32
    %c0_i32_0 = arith.constant 0 : i32
    %c0_i32_1 = arith.constant 0 : i32
    return %c0_i32, %c0_i32_0 : i32, i32
  }
  func.func @transform_3(%arg0: i32) -> (i32, i32) {
    %c0_i32 = arith.constant 0 : i32
    %c0_i32_0 = arith.constant 0 : i32
    return %arg0, %c0_i32 : i32, i32
  }
  func.func @transform_4(%arg0: i32) -> (i32, i32, i32) {
    %c0_i32 = arith.constant 0 : i32
    %c0_i32_0 = arith.constant 0 : i32
    %c0_i32_1 = arith.constant 0 : i32
    return %arg0, %c0_i32, %c0_i32_0 : i32, i32, i32
  }
}

module attributes {stable_mosaic.version = 14 : i64} {
  func.func @_tc2_body(%arg0: i32, %arg1: memref<2x1280x1xf32, #tpu.memory_space<vmem>>, %arg2: memref<2x1280x64xf32, #tpu.memory_space<vmem>>, %arg3: memref<1280x128xf32, #tpu.memory_space<vmem>>, %arg4: memref<1x128xf32, #tpu.memory_space<vmem>>, %arg5: memref<128x128xf32, #tpu.memory_space<vmem>>, %arg6: memref<1280x128xf32, #tpu.memory_space<vmem>>, %arg7: memref<1280x2x32xi32, #tpu.memory_space<vmem>>) attributes {dimension_semantics = [#tpu.dimension_semantics<arbitrary>], iteration_bounds = array<i64: 8>, scalar_prefetch = 0 : i64, scratch_operands = 0 : i64, tpu.core_type = #tpu.core_type<tc>, window_params = [{transform_indices = @transform_0, window_bounds = array<i64: 2, 1280, 1>}, {transform_indices = @transform_1, window_bounds = array<i64: 2, 1280, 64>}, {transform_indices = @transform_2, window_bounds = array<i64: 1280, 128>}, {pipeline_mode = #tpu.pipeline_mode<synchronous>, transform_indices = @transform_3, window_bounds = array<i64: 1, 128>}, {pipeline_mode = #tpu.pipeline_mode<synchronous>, transform_indices = @transform_4, window_bounds = array<i64: 128, 128>}, {transform_indices = @transform_5, window_bounds = array<i64: 1280, 128>}, {transform_indices = @transform_6, window_bounds = array<i64: 1280, 2, 32>}]} {
    %get3A = arith.constant 0 : index
    %get3A_0 = arith.constant 0 : index
    %get3A_1 = arith.constant 0 : index
    %get3A_2 = vector.load %arg1[%get3A, %get3A_0, %get3A_1] : memref<2x1280x1xf32, #tpu.memory_space<vmem>>, vector<1x1280x1xf32>
    %get3A_3 = vector.shape_cast %get3A_2 : vector<1x1280x1xf32> to vector<1280x1xf32>
    %get3A_4 = arith.constant 1 : index
    %get3A_5 = arith.constant 0 : index
    %get3A_6 = arith.constant 0 : index
    %get3A_7 = vector.load %arg1[%get3A_4, %get3A_5, %get3A_6] : memref<2x1280x1xf32, #tpu.memory_space<vmem>>, vector<1x1280x1xf32>
    %get3A_8 = vector.shape_cast %get3A_7 : vector<1x1280x1xf32> to vector<1280x1xf32>
    %add3A = arith.addf %get3A_3, %get3A_8 : vector<1280x1xf32>
    %add3A_9 = arith.constant 1.000000e+00 : f32
    %add3A_10 = vector.broadcast %add3A_9 : f32 to vector<1280x1xf32>
    %add3A_11 = arith.addf %add3A, %add3A_10 : vector<1280x1xf32>
    %rsqrt3A = math.rsqrt %add3A_11 : vector<1280x1xf32>
    %get3A_12 = arith.constant 0 : index
    %get3A_13 = arith.constant 0 : index
    %get3A_14 = arith.constant 0 : index
    %get3A_15 = vector.load %arg2[%get3A_12, %get3A_13, %get3A_14] : memref<2x1280x64xf32, #tpu.memory_space<vmem>>, vector<1x1280x64xf32>
    %get3A_16 = vector.shape_cast %get3A_15 : vector<1x1280x64xf32> to vector<1280x64xf32>
    %get3A_17 = arith.constant 1 : index
    %get3A_18 = arith.constant 0 : index
    %get3A_19 = arith.constant 0 : index
    %get3A_20 = vector.load %arg2[%get3A_17, %get3A_18, %get3A_19] : memref<2x1280x64xf32, #tpu.memory_space<vmem>>, vector<1x1280x64xf32>
    %get3A_21 = vector.shape_cast %get3A_20 : vector<1x1280x64xf32> to vector<1280x64xf32>
    %concatenate3A = tpu.concatenate %get3A_16, %get3A_21 in 1 : vector<1280x64xf32>, vector<1280x64xf32> -> vector<1280x128xf32>
    %get3A_22 = arith.constant 0 : index
    %get3A_23 = arith.constant 0 : index
    %get3A_24 = vector.load %arg3[%get3A_22, %get3A_23] : memref<1280x128xf32, #tpu.memory_space<vmem>>, vector<1280x128xf32>
    %add3A_25 = arith.addf %concatenate3A, %get3A_24 : vector<1280x128xf32>
    %mul3A = vector.broadcast %rsqrt3A : vector<1280x1xf32> to vector<1280x128xf32>
    %mul3A_26 = arith.mulf %add3A_25, %mul3A : vector<1280x128xf32>
    %get3A_27 = arith.constant 0 : index
    %get3A_28 = arith.constant 0 : index
    %get3A_29 = vector.load %arg4[%get3A_27, %get3A_28] : memref<1x128xf32, #tpu.memory_space<vmem>>, vector<1x128xf32>
    %add3A_30 = vector.broadcast %get3A_29 : vector<1x128xf32> to vector<1280x128xf32>
    %add3A_31 = arith.addf %mul3A_26, %add3A_30 : vector<1280x128xf32>
    %max3A = arith.constant 0.000000e+00 : f32
    %max3A_32 = vector.broadcast %max3A : f32 to vector<1280x128xf32>
    %max3A_33 = arith.maximumf %add3A_31, %max3A_32 : vector<1280x128xf32>
    %get3A_34 = arith.constant 0 : index
    %get3A_35 = arith.constant 0 : index
    %get3A_36 = vector.load %arg5[%get3A_34, %get3A_35] : memref<128x128xf32, #tpu.memory_space<vmem>>, vector<128x128xf32>
    %dot_general3A = arith.constant dense<0.000000e+00> : vector<1280x128xf32>
    %dot_general3A_37 = tpu.matmul %max3A_33, %get3A_36, %dot_general3A {dimension_numbers = #tpu.dot_dimension_numbers<[1], [0], [0], [1], [0, 0, 1, 1], [], []>, transpose_lhs_hint = false} : vector<1280x128xf32>, vector<128x128xf32>, vector<1280x128xf32> -> vector<1280x128xf32>
    %mul3A_38 = vector.broadcast %rsqrt3A : vector<1280x1xf32> to vector<1280x128xf32>
    %mul3A_39 = arith.mulf %dot_general3A_37, %mul3A_38 : vector<1280x128xf32>
    %swap3A = arith.constant 0 : index
    %swap3A_40 = arith.constant 0 : index
    %swap3A_41 = vector.load %arg6[%swap3A, %swap3A_40] : memref<1280x128xf32, #tpu.memory_space<vmem>>, vector<1280x128xf32>
    tpu.vector_store %arg6[%swap3A, %swap3A_40], %mul3A_39 {strides = array<i32>} : memref<1280x128xf32, #tpu.memory_space<vmem>>, vector<1280x128xf32>,
    %slice3A = vector.extract_strided_slice %mul3A_39 {offsets = [0, 0], sizes = [1280, 16], strides = [1, 1]} : vector<1280x128xf32> to vector<1280x16xf32>
    %bitcast_convert_type3A = tpu.bitcast %slice3A : vector<1280x16xf32> -> vector<1280x16xi32>
    %add3A_42 = arith.constant 32767 : i32
    %add3A_43 = vector.broadcast %add3A_42 : i32 to vector<1280x16xi32>
    %add3A_44 = arith.addi %bitcast_convert_type3A, %add3A_43 : vector<1280x16xi32>
    %shift_right_logical3A = arith.constant 16 : i32
    %shift_right_logical3A_45 = vector.broadcast %shift_right_logical3A : i32 to vector<1280x16xi32>
    %shift_right_logical3A_46 = arith.shrui %bitcast_convert_type3A, %shift_right_logical3A_45 : vector<1280x16xi32>
    %and3A = arith.constant 1 : i32
    %and3A_47 = vector.broadcast %and3A : i32 to vector<1280x16xi32>
    %and3A_48 = arith.andi %shift_right_logical3A_46, %and3A_47 : vector<1280x16xi32>
    %add3A_49 = arith.addi %add3A_44, %and3A_48 : vector<1280x16xi32>
    %shift_right_logical3A_50 = arith.constant 16 : i32
    %shift_right_logical3A_51 = vector.broadcast %shift_right_logical3A_50 : i32 to vector<1280x16xi32>
    %shift_right_logical3A_52 = arith.shrui %add3A_49, %shift_right_logical3A_51 : vector<1280x16xi32>
    %slice3A_53 = vector.extract_strided_slice %mul3A_39 {offsets = [0, 16], sizes = [1280, 16], strides = [1, 1]} : vector<1280x128xf32> to vector<1280x16xf32>
    %bitcast_convert_type3A_54 = tpu.bitcast %slice3A_53 : vector<1280x16xf32> -> vector<1280x16xi32>
    %add3A_55 = arith.constant 32767 : i32
    %add3A_56 = vector.broadcast %add3A_55 : i32 to vector<1280x16xi32>
    %add3A_57 = arith.addi %bitcast_convert_type3A_54, %add3A_56 : vector<1280x16xi32>
    %shift_right_logical3A_58 = arith.constant 16 : i32
    %shift_right_logical3A_59 = vector.broadcast %shift_right_logical3A_58 : i32 to vector<1280x16xi32>
    %shift_right_logical3A_60 = arith.shrui %bitcast_convert_type3A_54, %shift_right_logical3A_59 : vector<1280x16xi32>
    %and3A_61 = arith.constant 1 : i32
    %and3A_62 = vector.broadcast %and3A_61 : i32 to vector<1280x16xi32>
    %and3A_63 = arith.andi %shift_right_logical3A_60, %and3A_62 : vector<1280x16xi32>
    %add3A_64 = arith.addi %add3A_57, %and3A_63 : vector<1280x16xi32>
    %shift_right_logical3A_65 = arith.constant 16 : i32
    %shift_right_logical3A_66 = vector.broadcast %shift_right_logical3A_65 : i32 to vector<1280x16xi32>
    %shift_right_logical3A_67 = arith.shrui %add3A_64, %shift_right_logical3A_66 : vector<1280x16xi32>
    %shift_left3A = arith.constant 16 : i32
    %shift_left3A_68 = vector.broadcast %shift_left3A : i32 to vector<1280x16xi32>
    %shift_left3A_69 = arith.shli %shift_right_logical3A_67, %shift_left3A_68 : vector<1280x16xi32>
    %or3A = arith.ori %shift_right_logical3A_52, %shift_left3A_69 : vector<1280x16xi32>
    %bitcast_convert_type3A_70 = tpu.bitcast %or3A : vector<1280x16xi32> -> vector<1280x16xi32>
    %slice3A_71 = vector.extract_strided_slice %mul3A_39 {offsets = [0, 32], sizes = [1280, 16], strides = [1, 1]} : vector<1280x128xf32> to vector<1280x16xf32>
    %bitcast_convert_type3A_72 = tpu.bitcast %slice3A_71 : vector<1280x16xf32> -> vector<1280x16xi32>
    %add3A_73 = arith.constant 32767 : i32
    %add3A_74 = vector.broadcast %add3A_73 : i32 to vector<1280x16xi32>
    %add3A_75 = arith.addi %bitcast_convert_type3A_72, %add3A_74 : vector<1280x16xi32>
    %shift_right_logical3A_76 = arith.constant 16 : i32
    %shift_right_logical3A_77 = vector.broadcast %shift_right_logical3A_76 : i32 to vector<1280x16xi32>
    %shift_right_logical3A_78 = arith.shrui %bitcast_convert_type3A_72, %shift_right_logical3A_77 : vector<1280x16xi32>
    %and3A_79 = arith.constant 1 : i32
    %and3A_80 = vector.broadcast %and3A_79 : i32 to vector<1280x16xi32>
    %and3A_81 = arith.andi %shift_right_logical3A_78, %and3A_80 : vector<1280x16xi32>
    %add3A_82 = arith.addi %add3A_75, %and3A_81 : vector<1280x16xi32>
    %shift_right_logical3A_83 = arith.constant 16 : i32
    %shift_right_logical3A_84 = vector.broadcast %shift_right_logical3A_83 : i32 to vector<1280x16xi32>
    %shift_right_logical3A_85 = arith.shrui %add3A_82, %shift_right_logical3A_84 : vector<1280x16xi32>
    %slice3A_86 = vector.extract_strided_slice %mul3A_39 {offsets = [0, 48], sizes = [1280, 16], strides = [1, 1]} : vector<1280x128xf32> to vector<1280x16xf32>
    %bitcast_convert_type3A_87 = tpu.bitcast %slice3A_86 : vector<1280x16xf32> -> vector<1280x16xi32>
    %add3A_88 = arith.constant 32767 : i32
    %add3A_89 = vector.broadcast %add3A_88 : i32 to vector<1280x16xi32>
    %add3A_90 = arith.addi %bitcast_convert_type3A_87, %add3A_89 : vector<1280x16xi32>
    %shift_right_logical3A_91 = arith.constant 16 : i32
    %shift_right_logical3A_92 = vector.broadcast %shift_right_logical3A_91 : i32 to vector<1280x16xi32>
    %shift_right_logical3A_93 = arith.shrui %bitcast_convert_type3A_87, %shift_right_logical3A_92 : vector<1280x16xi32>
    %and3A_94 = arith.constant 1 : i32
    %and3A_95 = vector.broadcast %and3A_94 : i32 to vector<1280x16xi32>
    %and3A_96 = arith.andi %shift_right_logical3A_93, %and3A_95 : vector<1280x16xi32>
    %add3A_97 = arith.addi %add3A_90, %and3A_96 : vector<1280x16xi32>
    %shift_right_logical3A_98 = arith.constant 16 : i32
    %shift_right_logical3A_99 = vector.broadcast %shift_right_logical3A_98 : i32 to vector<1280x16xi32>
    %shift_right_logical3A_100 = arith.shrui %add3A_97, %shift_right_logical3A_99 : vector<1280x16xi32>
    %shift_left3A_101 = arith.constant 16 : i32
    %shift_left3A_102 = vector.broadcast %shift_left3A_101 : i32 to vector<1280x16xi32>
    %shift_left3A_103 = arith.shli %shift_right_logical3A_100, %shift_left3A_102 : vector<1280x16xi32>
    %or3A_104 = arith.ori %shift_right_logical3A_85, %shift_left3A_103 : vector<1280x16xi32>
    %bitcast_convert_type3A_105 = tpu.bitcast %or3A_104 : vector<1280x16xi32> -> vector<1280x16xi32>
    %concatenate3A_106 = tpu.concatenate %bitcast_convert_type3A_70, %bitcast_convert_type3A_105 in 1 : vector<1280x16xi32>, vector<1280x16xi32> -> vector<1280x32xi32>
    %swap3A_107 = arith.constant 0 : index
    %swap3A_108 = arith.constant 0 : index
    %swap3A_109 = arith.constant 0 : index
    %swap3A_110 = vector.load %arg7[%swap3A_107, %swap3A_108, %swap3A_109] : memref<1280x2x32xi32, #tpu.memory_space<vmem>>, vector<1280x1x32xi32>
    %swap3A_111 = vector.shape_cast %swap3A_110 : vector<1280x1x32xi32> to vector<1280x32xi32>
    %swap3A_112 = vector.shape_cast %concatenate3A_106 : vector<1280x32xi32> to vector<1280x1x32xi32>
    tpu.vector_store %arg7[%swap3A_107, %swap3A_108, %swap3A_109], %swap3A_112 {strides = array<i32>} : memref<1280x2x32xi32, #tpu.memory_space<vmem>>, vector<1280x1x32xi32>,
    %slice3A_113 = vector.extract_strided_slice %mul3A_39 {offsets = [0, 64], sizes = [1280, 16], strides = [1, 1]} : vector<1280x128xf32> to vector<1280x16xf32>
    %bitcast_convert_type3A_114 = tpu.bitcast %slice3A_113 : vector<1280x16xf32> -> vector<1280x16xi32>
    %add3A_115 = arith.constant 32767 : i32
    %add3A_116 = vector.broadcast %add3A_115 : i32 to vector<1280x16xi32>
    %add3A_117 = arith.addi %bitcast_convert_type3A_114, %add3A_116 : vector<1280x16xi32>
    %shift_right_logical3A_118 = arith.constant 16 : i32
    %shift_right_logical3A_119 = vector.broadcast %shift_right_logical3A_118 : i32 to vector<1280x16xi32>
    %shift_right_logical3A_120 = arith.shrui %bitcast_convert_type3A_114, %shift_right_logical3A_119 : vector<1280x16xi32>
    %and3A_121 = arith.constant 1 : i32
    %and3A_122 = vector.broadcast %and3A_121 : i32 to vector<1280x16xi32>
    %and3A_123 = arith.andi %shift_right_logical3A_120, %and3A_122 : vector<1280x16xi32>
    %add3A_124 = arith.addi %add3A_117, %and3A_123 : vector<1280x16xi32>
    %shift_right_logical3A_125 = arith.constant 16 : i32
    %shift_right_logical3A_126 = vector.broadcast %shift_right_logical3A_125 : i32 to vector<1280x16xi32>
    %shift_right_logical3A_127 = arith.shrui %add3A_124, %shift_right_logical3A_126 : vector<1280x16xi32>
    %slice3A_128 = vector.extract_strided_slice %mul3A_39 {offsets = [0, 80], sizes = [1280, 16], strides = [1, 1]} : vector<1280x128xf32> to vector<1280x16xf32>
    %bitcast_convert_type3A_129 = tpu.bitcast %slice3A_128 : vector<1280x16xf32> -> vector<1280x16xi32>
    %add3A_130 = arith.constant 32767 : i32
    %add3A_131 = vector.broadcast %add3A_130 : i32 to vector<1280x16xi32>
    %add3A_132 = arith.addi %bitcast_convert_type3A_129, %add3A_131 : vector<1280x16xi32>
    %shift_right_logical3A_133 = arith.constant 16 : i32
    %shift_right_logical3A_134 = vector.broadcast %shift_right_logical3A_133 : i32 to vector<1280x16xi32>
    %shift_right_logical3A_135 = arith.shrui %bitcast_convert_type3A_129, %shift_right_logical3A_134 : vector<1280x16xi32>
    %and3A_136 = arith.constant 1 : i32
    %and3A_137 = vector.broadcast %and3A_136 : i32 to vector<1280x16xi32>
    %and3A_138 = arith.andi %shift_right_logical3A_135, %and3A_137 : vector<1280x16xi32>
    %add3A_139 = arith.addi %add3A_132, %and3A_138 : vector<1280x16xi32>
    %shift_right_logical3A_140 = arith.constant 16 : i32
    %shift_right_logical3A_141 = vector.broadcast %shift_right_logical3A_140 : i32 to vector<1280x16xi32>
    %shift_right_logical3A_142 = arith.shrui %add3A_139, %shift_right_logical3A_141 : vector<1280x16xi32>
    %shift_left3A_143 = arith.constant 16 : i32
    %shift_left3A_144 = vector.broadcast %shift_left3A_143 : i32 to vector<1280x16xi32>
    %shift_left3A_145 = arith.shli %shift_right_logical3A_142, %shift_left3A_144 : vector<1280x16xi32>
    %or3A_146 = arith.ori %shift_right_logical3A_127, %shift_left3A_145 : vector<1280x16xi32>
    %bitcast_convert_type3A_147 = tpu.bitcast %or3A_146 : vector<1280x16xi32> -> vector<1280x16xi32>
    %slice3A_148 = vector.extract_strided_slice %mul3A_39 {offsets = [0, 96], sizes = [1280, 16], strides = [1, 1]} : vector<1280x128xf32> to vector<1280x16xf32>
    %bitcast_convert_type3A_149 = tpu.bitcast %slice3A_148 : vector<1280x16xf32> -> vector<1280x16xi32>
    %add3A_150 = arith.constant 32767 : i32
    %add3A_151 = vector.broadcast %add3A_150 : i32 to vector<1280x16xi32>
    %add3A_152 = arith.addi %bitcast_convert_type3A_149, %add3A_151 : vector<1280x16xi32>
    %shift_right_logical3A_153 = arith.constant 16 : i32
    %shift_right_logical3A_154 = vector.broadcast %shift_right_logical3A_153 : i32 to vector<1280x16xi32>
    %shift_right_logical3A_155 = arith.shrui %bitcast_convert_type3A_149, %shift_right_logical3A_154 : vector<1280x16xi32>
    %and3A_156 = arith.constant 1 : i32
    %and3A_157 = vector.broadcast %and3A_156 : i32 to vector<1280x16xi32>
    %and3A_158 = arith.andi %shift_right_logical3A_155, %and3A_157 : vector<1280x16xi32>
    %add3A_159 = arith.addi %add3A_152, %and3A_158 : vector<1280x16xi32>
    %shift_right_logical3A_160 = arith.constant 16 : i32
    %shift_right_logical3A_161 = vector.broadcast %shift_right_logical3A_160 : i32 to vector<1280x16xi32>
    %shift_right_logical3A_162 = arith.shrui %add3A_159, %shift_right_logical3A_161 : vector<1280x16xi32>
    %slice3A_163 = vector.extract_strided_slice %mul3A_39 {offsets = [0, 112], sizes = [1280, 16], strides = [1, 1]} : vector<1280x128xf32> to vector<1280x16xf32>
    %bitcast_convert_type3A_164 = tpu.bitcast %slice3A_163 : vector<1280x16xf32> -> vector<1280x16xi32>
    %add3A_165 = arith.constant 32767 : i32
    %add3A_166 = vector.broadcast %add3A_165 : i32 to vector<1280x16xi32>
    %add3A_167 = arith.addi %bitcast_convert_type3A_164, %add3A_166 : vector<1280x16xi32>
    %shift_right_logical3A_168 = arith.constant 16 : i32
    %shift_right_logical3A_169 = vector.broadcast %shift_right_logical3A_168 : i32 to vector<1280x16xi32>
    %shift_right_logical3A_170 = arith.shrui %bitcast_convert_type3A_164, %shift_right_logical3A_169 : vector<1280x16xi32>
    %and3A_171 = arith.constant 1 : i32
    %and3A_172 = vector.broadcast %and3A_171 : i32 to vector<1280x16xi32>
    %and3A_173 = arith.andi %shift_right_logical3A_170, %and3A_172 : vector<1280x16xi32>
    %add3A_174 = arith.addi %add3A_167, %and3A_173 : vector<1280x16xi32>
    %shift_right_logical3A_175 = arith.constant 16 : i32
    %shift_right_logical3A_176 = vector.broadcast %shift_right_logical3A_175 : i32 to vector<1280x16xi32>
    %shift_right_logical3A_177 = arith.shrui %add3A_174, %shift_right_logical3A_176 : vector<1280x16xi32>
    %shift_left3A_178 = arith.constant 16 : i32
    %shift_left3A_179 = vector.broadcast %shift_left3A_178 : i32 to vector<1280x16xi32>
    %shift_left3A_180 = arith.shli %shift_right_logical3A_177, %shift_left3A_179 : vector<1280x16xi32>
    %or3A_181 = arith.ori %shift_right_logical3A_162, %shift_left3A_180 : vector<1280x16xi32>
    %bitcast_convert_type3A_182 = tpu.bitcast %or3A_181 : vector<1280x16xi32> -> vector<1280x16xi32>
    %concatenate3A_183 = tpu.concatenate %bitcast_convert_type3A_147, %bitcast_convert_type3A_182 in 1 : vector<1280x16xi32>, vector<1280x16xi32> -> vector<1280x32xi32>
    %swap3A_184 = arith.constant 0 : index
    %swap3A_185 = arith.constant 1 : index
    %swap3A_186 = arith.constant 0 : index
    %swap3A_187 = vector.load %arg7[%swap3A_184, %swap3A_185, %swap3A_186] : memref<1280x2x32xi32, #tpu.memory_space<vmem>>, vector<1280x1x32xi32>
    %swap3A_188 = vector.shape_cast %swap3A_187 : vector<1280x1x32xi32> to vector<1280x32xi32>
    %swap3A_189 = vector.shape_cast %concatenate3A_183 : vector<1280x32xi32> to vector<1280x1x32xi32>
    tpu.vector_store %arg7[%swap3A_184, %swap3A_185, %swap3A_186], %swap3A_189 {strides = array<i32>} : memref<1280x2x32xi32, #tpu.memory_space<vmem>>, vector<1280x1x32xi32>,
    return
  }
  func.func @transform_0(%arg0: i32) -> (i32, i32, i32) {
    %c0_i32 = arith.constant 0 : i32
    %c0_i32_0 = arith.constant 0 : i32
    %c0_i32_1 = arith.constant 0 : i32
    return %c0_i32, %arg0, %c0_i32_0 : i32, i32, i32
  }
  func.func @transform_1(%arg0: i32) -> (i32, i32, i32) {
    %c0_i32 = arith.constant 0 : i32
    %c0_i32_0 = arith.constant 0 : i32
    %c0_i32_1 = arith.constant 0 : i32
    return %c0_i32, %arg0, %c0_i32_0 : i32, i32, i32
  }
  func.func @transform_2(%arg0: i32) -> (i32, i32) {
    %c0_i32 = arith.constant 0 : i32
    %c0_i32_0 = arith.constant 0 : i32
    return %arg0, %c0_i32 : i32, i32
  }
  func.func @transform_3(%arg0: i32) -> (i32, i32) {
    %c0_i32 = arith.constant 0 : i32
    %c0_i32_0 = arith.constant 0 : i32
    %c0_i32_1 = arith.constant 0 : i32
    return %c0_i32, %c0_i32_0 : i32, i32
  }
  func.func @transform_4(%arg0: i32) -> (i32, i32) {
    %c0_i32 = arith.constant 0 : i32
    %c0_i32_0 = arith.constant 0 : i32
    %c0_i32_1 = arith.constant 0 : i32
    return %c0_i32, %c0_i32_0 : i32, i32
  }
  func.func @transform_5(%arg0: i32) -> (i32, i32) {
    %c0_i32 = arith.constant 0 : i32
    %c0_i32_0 = arith.constant 0 : i32
    return %arg0, %c0_i32 : i32, i32
  }
  func.func @transform_6(%arg0: i32) -> (i32, i32, i32) {
    %c0_i32 = arith.constant 0 : i32
    %c0_i32_0 = arith.constant 0 : i32
    %c0_i32_1 = arith.constant 0 : i32
    return %arg0, %c0_i32, %c0_i32_0 : i32, i32, i32
  }
}

module attributes {stable_mosaic.version = 14 : i64} {
  func.func @_tc3_body(%arg0: i32, %arg1: memref<2x1280x1xf32, #tpu.memory_space<vmem>>, %arg2: memref<2x1280x64xf32, #tpu.memory_space<vmem>>, %arg3: memref<1280x128xf32, #tpu.memory_space<vmem>>, %arg4: memref<1x128xf32, #tpu.memory_space<vmem>>, %arg5: memref<1280x128xf32, #tpu.memory_space<vmem>>) attributes {dimension_semantics = [#tpu.dimension_semantics<arbitrary>], iteration_bounds = array<i64: 8>, scalar_prefetch = 0 : i64, scratch_operands = 0 : i64, tpu.core_type = #tpu.core_type<tc>, window_params = [{transform_indices = @transform_0, window_bounds = array<i64: 2, 1280, 1>}, {transform_indices = @transform_1, window_bounds = array<i64: 2, 1280, 64>}, {transform_indices = @transform_2, window_bounds = array<i64: 1280, 128>}, {pipeline_mode = #tpu.pipeline_mode<synchronous>, transform_indices = @transform_3, window_bounds = array<i64: 1, 128>}, {transform_indices = @transform_4, window_bounds = array<i64: 1280, 128>}]} {
    %get3A = arith.constant 0 : index
    %get3A_0 = arith.constant 0 : index
    %get3A_1 = arith.constant 0 : index
    %get3A_2 = vector.load %arg2[%get3A, %get3A_0, %get3A_1] : memref<2x1280x64xf32, #tpu.memory_space<vmem>>, vector<1x1280x64xf32>
    %get3A_3 = vector.shape_cast %get3A_2 : vector<1x1280x64xf32> to vector<1280x64xf32>
    %get3A_4 = arith.constant 1 : index
    %get3A_5 = arith.constant 0 : index
    %get3A_6 = arith.constant 0 : index
    %get3A_7 = vector.load %arg2[%get3A_4, %get3A_5, %get3A_6] : memref<2x1280x64xf32, #tpu.memory_space<vmem>>, vector<1x1280x64xf32>
    %get3A_8 = vector.shape_cast %get3A_7 : vector<1x1280x64xf32> to vector<1280x64xf32>
    %concatenate3A = tpu.concatenate %get3A_3, %get3A_8 in 1 : vector<1280x64xf32>, vector<1280x64xf32> -> vector<1280x128xf32>
    %get3A_9 = arith.constant 0 : index
    %get3A_10 = arith.constant 0 : index
    %get3A_11 = vector.load %arg3[%get3A_9, %get3A_10] : memref<1280x128xf32, #tpu.memory_space<vmem>>, vector<1280x128xf32>
    %add3A = arith.addf %concatenate3A, %get3A_11 : vector<1280x128xf32>
    %get3A_12 = arith.constant 0 : index
    %get3A_13 = arith.constant 0 : index
    %get3A_14 = arith.constant 0 : index
    %get3A_15 = vector.load %arg1[%get3A_12, %get3A_13, %get3A_14] : memref<2x1280x1xf32, #tpu.memory_space<vmem>>, vector<1x1280x1xf32>
    %get3A_16 = vector.shape_cast %get3A_15 : vector<1x1280x1xf32> to vector<1280x1xf32>
    %get3A_17 = arith.constant 1 : index
    %get3A_18 = arith.constant 0 : index
    %get3A_19 = arith.constant 0 : index
    %get3A_20 = vector.load %arg1[%get3A_17, %get3A_18, %get3A_19] : memref<2x1280x1xf32, #tpu.memory_space<vmem>>, vector<1x1280x1xf32>
    %get3A_21 = vector.shape_cast %get3A_20 : vector<1x1280x1xf32> to vector<1280x1xf32>
    %add3A_22 = arith.addf %get3A_16, %get3A_21 : vector<1280x1xf32>
    %add3A_23 = arith.constant 1.000000e+00 : f32
    %add3A_24 = vector.broadcast %add3A_23 : f32 to vector<1280x1xf32>
    %add3A_25 = arith.addf %add3A_22, %add3A_24 : vector<1280x1xf32>
    %rsqrt3A = math.rsqrt %add3A_25 : vector<1280x1xf32>
    %mul3A = vector.broadcast %rsqrt3A : vector<1280x1xf32> to vector<1280x128xf32>
    %mul3A_26 = arith.mulf %add3A, %mul3A : vector<1280x128xf32>
    %get3A_27 = arith.constant 0 : index
    %get3A_28 = arith.constant 0 : index
    %get3A_29 = vector.load %arg4[%get3A_27, %get3A_28] : memref<1x128xf32, #tpu.memory_space<vmem>>, vector<1x128xf32>
    %add3A_30 = vector.broadcast %get3A_29 : vector<1x128xf32> to vector<1280x128xf32>
    %add3A_31 = arith.addf %mul3A_26, %add3A_30 : vector<1280x128xf32>
    %swap3A = arith.constant 0 : index
    %swap3A_32 = arith.constant 0 : index
    %swap3A_33 = vector.load %arg5[%swap3A, %swap3A_32] : memref<1280x128xf32, #tpu.memory_space<vmem>>, vector<1280x128xf32>
    tpu.vector_store %arg5[%swap3A, %swap3A_32], %add3A_31 {strides = array<i32>} : memref<1280x128xf32, #tpu.memory_space<vmem>>, vector<1280x128xf32>,
    return
  }
  func.func @transform_0(%arg0: i32) -> (i32, i32, i32) {
    %c0_i32 = arith.constant 0 : i32
    %c0_i32_0 = arith.constant 0 : i32
    %c0_i32_1 = arith.constant 0 : i32
    return %c0_i32, %arg0, %c0_i32_0 : i32, i32, i32
  }
  func.func @transform_1(%arg0: i32) -> (i32, i32, i32) {
    %c0_i32 = arith.constant 0 : i32
    %c0_i32_0 = arith.constant 0 : i32
    %c0_i32_1 = arith.constant 0 : i32
    return %c0_i32, %arg0, %c0_i32_0 : i32, i32, i32
  }
  func.func @transform_2(%arg0: i32) -> (i32, i32) {
    %c0_i32 = arith.constant 0 : i32
    %c0_i32_0 = arith.constant 0 : i32
    return %arg0, %c0_i32 : i32, i32
  }
  func.func @transform_3(%arg0: i32) -> (i32, i32) {
    %c0_i32 = arith.constant 0 : i32
    %c0_i32_0 = arith.constant 0 : i32
    %c0_i32_1 = arith.constant 0 : i32
    return %c0_i32, %c0_i32_0 : i32, i32
  }
  func.func @transform_4(%arg0: i32) -> (i32, i32) {
    %c0_i32 = arith.constant 0 : i32
    %c0_i32_0 = arith.constant 0 : i32
    return %arg0, %c0_i32 : i32, i32
  }
}

</mosaic_0001>

<sc_bundles>
// kernel: kernel.11.cloned.1.call-start
scs
__scs_entry_jumppad:
0x0: {  	(pc) =	sbr.rel $0x88, $3  }
0x1: {  	(tag) =	ssettag $0x0;
	lr =	simm.s32 $0x1  }
0x2: {  	[smem:$0x3F9B] =	sst lr;
	_ =	strace $0xD0000000  }
0x3: {  	_ = 	snop  }
0x4: {  	_ = 	snop  }
0x5: {  	_ = 	snop  }
0x6: {  	_ = 	snop  }
0x7: {  	_ = 	snop  }
__scs_overlays_trampoline_lowered:
0x8: {  	[smem:$0x3FAA] =	sst s0  }
0x9: {  	[smem:$0x3FAB] =	sst s1  }
0xa: {  	[smem:$0x3FAC] =	sst s2  }
0xb: {  	[smem:$0x3FAD] =	sst s3  }
0xc: {  	[smem:$0x3FAE] =	sst s4  }
0xd: {  	[smem:$0x3FAF] =	sst s5  }
0xe: {  	[smem:$0x3FB0] =	sst s6  }
0xf: {  	[smem:$0x3FB1] =	sst s7  }
0x10: {  	[smem:$0x3FB2] =	sst s8  }
0x11: {  	[smem:$0x3FB3] =	sst s9;
	s0 =	simm.s32 @!p0 $0x0  }
0x12: {  	s1 =	sld [smem:$0x3F99];
	s0 =	simm.s32 @p0 $0x1  }
0x13: {  	[smem:$0x3FB4] =	sst s0;
	s0 =	simm.s32 @!p1 $0x0  }
0x14: {  	s2 =	sld [smem:$0x3F98];
	s0 =	simm.s32 @p1 $0x1  }
0x15: {  	[smem:$0x3FB5] =	sst s0;
	s0 =	simm.s32 @!p2 $0x0  }
0x16: {  	s3 =	sld [smem:$0x3FDB];
	s0 =	simm.s32 @p2 $0x1  }
0x17: {  	s4 =	simm.s32 $0x1BF5;
	[smem:$0x3FB7] =	sst s0  }
0x18: {  	s0 =	sld [smem:$0x3F9A];
	_ =	swait.ge [sflag:s4], $0x0  }
0x19: {  	s7 =	sld [smem:$0x3F9B]  }
0x1a: {  	s8 =	sadd.s32 $0xFFFFE003, lr  }
0x1b: {  	s9 =	sadd.s32 $0xFFFFFEF7, lr;
	s5 =	simm.s32 $0xFFFFFFFF;
	p2 =	slt.u32 s8, $0xFFFFF086  }
0x1c: {  	p1 =	slt.u32 s9, $0xF7A;
	s5 =	simm.s32 @!p2 $0x0  }
0x1d: {  	s5 =	simm.s32 @p1 $0x1;
	p0 =	seq.s32 s7, s2  }
0x1e: {  	s7 =	smul.u32 @!p0 $0xF7A, s2;
	p2 =	seq.s32 @!p0 s5, $0x0  }
0x1f: {  	s9 =	smul.u32 $0xF7A, s1;
	s8 =	simm.s32 @!p0 $0x1BF5;
	p2 =	por !p2, p0  }
0x20: {  	[sflag:s8] =	ssyncset.s32 @!p0 $0xFFFFF086;
	s6 =	sadd.s32 @!p0 s3, s7;
	s7 =	simm.s32 @!p0 $0x108  }
0x21: {  	s3 =	sadd.s32 s3, s9;
	s6 =	sadd.s32 @!p0 $0x88, s6;
	s7 =	simm.s32 @p2 $0x1082  }
0x22: {  	[simem:s7], [sflag:s8] =	dma.local @!p0 [hbm:s6], $0xF7A  }
0x23: {  	s9 =	sor.u32 $0xD0000000, s2;
	s6 =	simm.s32 $0x108;
	_ =	swait.ge @!p0 [sflag:s8], $0x0  }
0x24: {  	s3 =	sadd.s32 $0x88, s3;
	s6 =	simm.s32 @!p1 $0x1082;
	[sflag:s4] =	ssyncset.s32 $0xFFFFF086  }
0x25: {  	[simem:s6], [sflag:s4] =	dma.local [hbm:s3], $0xF7A  }
0x26: {  	[smem:$0x3F9B] =	sst s1;
	(tag) =	ssettag s2;
	_ =	strace s9  }
0x27: {  	s1 =	sld [smem:$0x3FAB]  }
0x28: {  	s2 =	sld [smem:$0x3FAC]  }
0x29: {  	s4 =	sld [smem:$0x3FAE]  }
0x2a: {  	p0 =	seq.s32 s5, $0x0;
	s5 =	sld [smem:$0x3FAF]  }
0x2b: {  	s6 =	sld [smem:$0x3FB0]  }
0x2c: {  	s7 =	sld [smem:$0x3FB1]  }
0x2d: {  	s3 =	simm.s32 $0x108;
	s8 =	sld [smem:$0x3FB2]  }
0x2e: {  	s3 =	simm.s32 @!p0 $0x1082;
	s9 =	sld [smem:$0x3FB3]  }
0x2f: {  	lr =	sadd.s32 s0, s3;
	s0 =	sld [smem:$0x3FAA]  }
0x30: {  	s3 =	sld [smem:$0x3FAD]  }
0x31: {  	[smem:$0x3FB6] =	sst s10  }
0x32: {  	s10 =	sld [smem:$0x3FB4];
	_ =	sdelay $0x3  }
0x33: {  	p0 =	seq.s32 s10, $0x1;
	s10 =	sld [smem:$0x3FB6];
	_ =	sdelay $0x3  }
0x34: {  	[smem:$0x3FB6] =	sst s10  }
0x35: {  	s10 =	sld [smem:$0x3FB5];
	_ =	sdelay $0x3  }
0x36: {  	p1 =	seq.s32 s10, $0x1;
	s10 =	sld [smem:$0x3FB6];
	_ =	sdelay $0x3  }
0x37: {  	[smem:$0x3FB6] =	sst s10  }
0x38: {  	s10 =	sld [smem:$0x3FB7]  }
0x39: {  	_ = 	snop;
	(pc) =	sbr.ind lr, $3  }
0x3a: {  	_ = 	snop  }
0x3b: {  	_ = 	snop  }
0x3c: {  	p2 =	seq.s32 s10, $0x1;
	s10 =	sld [smem:$0x3FB6]  }
0x3d: {  	_ =	shalt  }
0x3e: {  	_ =	shalt  }
0x3f: {  	_ =	shalt  }
0x40: {  	_ =	shalt  }
0x41: {  	_ =	shalt  }
0x42: {  	_ =	shalt  }
0x43: {  	_ =	shalt  }
0x44: {  	_ =	shalt  }
0x45: {  	_ =	shalt  }
0x46: {  	_ =	shalt  }
0x47: {  	_ =	shalt  }
0x48: {  	_ =	shalt  }
0x49: {  	_ =	shalt  }
0x4a: {  	_ =	shalt  }
0x4b: {  	_ =	shalt  }
0x4c: {  	_ =	shalt  }
0x4d: {  	_ =	shalt  }
0x4e: {  	_ =	shalt  }
0x4f: {  	_ =	shalt  }
0x50: {  	_ =	shalt  }
0x51: {  	_ =	shalt  }
0x52: {  	_ =	shalt  }
0x53: {  	_ =	shalt  }
0x54: {  	_ =	shalt  }
0x55: {  	_ =	shalt  }
0x56: {  	_ =	shalt  }
0x57: {  	_ =	shalt  }
0x58: {  	_ =	shalt  }
0x59: {  	_ =	shalt  }
0x5a: {  	_ =	shalt  }
0x5b: {  	_ =	shalt  }
0x5c: {  	_ =	shalt  }
0x5d: {  	_ =	shalt  }
0x5e: {  	_ =	shalt  }
0x5f: {  	_ =	shalt  }
0x60: {  	_ =	shalt  }
0x61: {  	_ =	shalt  }
0x62: {  	_ =	shalt  }
0x63: {  	_ =	shalt  }
0x64: {  	_ =	shalt  }
0x65: {  	_ =	shalt  }
0x66: {  	_ =	shalt  }
0x67: {  	_ =	shalt  }
0x68: {  	_ =	shalt  }
0x69: {  	_ =	shalt  }
0x6a: {  	_ =	shalt  }
0x6b: {  	_ =	shalt  }
0x6c: {  	_ =	shalt  }
0x6d: {  	_ =	shalt  }
0x6e: {  	_ =	shalt  }
0x6f: {  	_ =	shalt  }
0x70: {  	_ =	shalt  }
0x71: {  	_ =	shalt  }
0x72: {  	_ =	shalt  }
0x73: {  	_ =	shalt  }
0x74: {  	_ =	shalt  }
0x75: {  	_ =	shalt  }
0x76: {  	_ =	shalt  }
0x77: {  	_ =	shalt  }
0x78: {  	_ =	shalt  }
0x79: {  	_ =	shalt  }
0x7a: {  	_ =	shalt  }
0x7b: {  	_ =	shalt  }
0x7c: {  	_ =	shalt  }
0x7d: {  	_ =	shalt  }
0x7e: {  	_ =	shalt  }
0x7f: {  	_ =	shalt  }
0x80: {  	_ =	shalt  }
0x81: {  	_ =	shalt  }
0x82: {  	_ =	shalt  }
0x83: {  	_ =	shalt  }
0x84: {  	_ =	shalt  }
0x85: {  	_ =	shalt  }
0x86: {  	_ =	shalt  }
0x87: {  	_ =	shalt  }
.Lfunc_end0:
.L_simem_size_0:
called_computation.1_lowered:
.L_overlay_start_0:
0x88: {  	s2 =	sld [smem:$0x3FD9]  }
0x89: {  	s3 =	sld [smem:$0x3FFE];
	_ =	sdelay $0x1  }
0x8a: {  	s1 =	srdreg.scid  }
0x8b: {  	s0 =	sand.u32 $0x1, s1  }
0x8c: {  	s17 =	sshll.u32 s0, $0xA;
	s2 =	sadd.s32 s3, s2  }
0x8d: {  	s2 =	sadd.s32 s2, s17  }
0x8e: {  	[smem:$0x3FC2] =	sst s2  }
0x8f: {  	_ = 	snop  }
0x90: {  	s2 =	sld [smem:$0x3FD0];
	(tm) =	ssettm $0x1  }
0x91: {  	s18 =	sld [smem:$0x3FFB];
	_ =	sdelay $0x3  }
0x92: {  	_ =	strace s18  }
0x93: {  	s3 =	sld [smem:$0x3FFC];
	_ =	sdelay $0x3  }
0x94: {  	_ =	strace s3  }
0x95: {  	s3 =	sld [smem:$0x3FFD];
	_ =	sdelay $0x3  }
0x96: {  	_ =	strace s3  }
0x97: {  	_ =	strace $0x8FFFFFFF  }
0x98: {  	s19 =	sld [smem:$0x3FDB];
	_ =	sdelay $0x1  }
0x99: {  	s4 =	simm.s32 $_scs_section_size  }
0x9a: {  	s5 =	simm.s32 $_size__tile_overlayer_lowered;
	s6 =	simm.s32 $_tile_overlayer_lowered  }
0x9b: {  	s22 =	simm.s32 $0x1BFF;
	s21 =	sshll.u32 s6, $0x1;
	s3 =	sadd.s32 s4, s19  }
0x9c: {  	s7 =	simm.s32 $0x0;
	s20 =	sshll.u32 s5, $0x1;
	s5 =	sadd.s32 s21, s3  }
0x9d: {  	[timem:s7], [sflag:s22] =	dma.local [hbm:s5], s20  }
0x9e: {  	_ =	swait.ge [sflag:s22], s20  }
0x9f: {  	s4 =	ssub.s32 $0x0, s20;
	[sflag:s22] =	ssyncset.done $0x0  }
0xa0: {  	[sflag:s22] =	ssyncadd.s32 s4;
	_ =	sdelay $0x1  }
0xa1: {  	s23 =	simm.s32 $0x1B8B  }
0xa2: {  	_ =	swait.ge [sflag:s23], $0x1  }
0xa3: {  	[sflag:s23] =	ssyncset.done $0x0  }
0xa4: {  	s25 =	simm.s32 $0x1B8E;
	s24 =	sld [smem:$0x3FFE];
	[sflag:s23] =	ssyncadd.s32 $0xFFFFFFFF  }
0xa5: {  	s26 =	simm.s32 $execute0_lowered;
	[smem:$0x3FD2] =	sst s25  }
0xa6: {  	s5 =	sshll.u32 s26, $0x1;
	_ =	strace $0x80000049;
	[dreg:$0x1] =	wrdreg $0xFFFFFFFF  }
0xa7: {  	s28 =	simm.s32 $_size_execute0_lowered;
	s3 =	sadd.s32 s3, s5;
	[dreg:$0x0] =	wrdreg $0x0  }
0xa8: {  	s5 =	sshll.u32 s28, $0x1;
	[dreg:$0x2] =	wrdreg s3  }
0xa9: {  	[dreg:$0x3] =	wrdreg s5  }
0xaa: {  	[dreg:$0x4] =	wrdreg $0xC0  }
0xab: {  	_ =	task [dreg:s7], $0x5FFFF  }
0xac: {  	[dreg:$0x1] =	wrdreg $0xFFFFFFFF  }
0xad: {  	[dreg:$0x0] =	wrdreg $0x60  }
0xae: {  	[dreg:$0x2] =	wrdreg s24  }
0xaf: {  	[dreg:$0x3] =	wrdreg s2  }
0xb0: {  	[dreg:$0x4] =	wrdreg $0x132000  }
0xb1: {  	[dreg:$0x5] =	wrdreg $0x9  }
0xb2: {  	_ =	task.clear_ibuf [dreg:s7], $0x6FFFF;
	_ =	strace $0x90000049  }
0xb3: {  	s29 =	simm.s32 $0x9;
	_ =	strace $0x8000004B  }
0xb4: {  	_ =	swait.ge [sflag:s29], $0x1  }
0xb5: {  	[sflag:s29] =	ssyncadd.s32 $0xFFFFFFFF  }
0xb6: {  	_ =	strace $0x9000004B  }
0xb7: {  	_ =	sfence  }
0xb8: {  	s30 =	sld [smem:$0x0];
	_ =	sdelay $0x2  }
0xb9: {  	s31 =	sshll.u32 s1, $0xD;
	s1 =	sshrl.u32 s1, $0x2  }
0xba: {  	s3 =	sand.u32 $0x4000, s31;
	s1 =	sadd.s32 s1, s30  }
0xbb: {  	s0 =	sor.u32 s3, s0;
	s1 =	sshll.u32 s1, $0x11  }
0xbc: {  	s0 =	sor.u32 s1, s0  }
0xbd: {  	s0 =	sadd.s32 $0x8F2B, s0  }
0xbe: {  	[sflag:s0] =	ssyncadd.remote.s32 $0x1  }
0xbf: {  	_ =	sfence.sel $0xFFFF  }
0xc0: {  	[dreg:$0x0] =	wrdreg $0xFFFFFFFF;
	(pc) =	sbr.abs _section_cstart, $3  }
0xc1: {  	[dreg:$0x1] =	wrdreg $0xFFFFFFFF  }
0xc2: {  	_ =	task.clear_ibuf [dreg:s7], $0x2FFFF;
	_ =	strace $0x9FFFFFFF  }
0xc3: {  	(tm) =	ssettm $0x7FFFFFFF  }
tec
execute0_lowered:
.L_overlay_start_1:
0x0: {  	(tag) =	ssettag $0x1  }
0x1: {  	s0 =	rddreg [dreg:$0x0]  }
0x2: {  	s1 =	rddreg [dreg:$0x1]  }
0x3: {  	s2 =	rddreg [dreg:$0x2];
	s12 =	stileid.u32  }
0x4: {  	s4 =	srdreg.scid;
	s3 =	simm.s32 $0x0;
	s14 =	simm.s32 $0x80  }
0x5: {  	s15 =	simm.s32 $0xA200;
	s16 =	simm.s32 $0xB200;
	s18 =	simm.s32 $0xC200  }
0x6: {  	s19 =	simm.s32 $0x1;
	s20 =	simm.s32 $0xD200;
	s21 =	simm.s32 $0x2  }
0x7: {  	s22 =	simm.s32 $0xF200;
	s23 =	simm.s32 $0x3;
	s24 =	simm.s32 $0x11200  }
0x8: {  	s25 =	simm.s32 $0x4;
	s28 =	simm.s32 $0x6;
	s6 =	smul.u32 $0x5100, s12  }
0x9: {  	s29 =	simm.s32 $0x0;
	s7 =	sand.u32 $0x1, s4;
	s8 =	smul.u32 $0xA000, s12  }
0xa: {  	[smem:$0x7FF] =	sst s3;
	s4 =	sadd.s32 $0x67000, s0;
	s30 =	sshll.u32 s12, $0x6  }
0xb: {  	s12 =	simm.s32 $0x7;
	s5 =	smul.u32 $0xA0000, s7;
	_ =	strace $0x8000004A  }
0xc: {  	s11 =	smul.u32 $0x51000, s7;
	s7 =	ssub.s32 $0x2, s7;
	s9 =	sshrl.u32 s6, $0x3  }
0xd: {  	s26 =	sshrl.u32 s7, $0x1;
	s31 =	sadd.s32 s8, s2;
	s9 =	sadd.s32 s9, s0  }
.Ltmp0:
0xe: {  	s10 =	sadd.s32 s8, s5;
	s6 =	sadd.s32 s6, s11;
	(pc) =	sbr.rel .LBB2_1-.Ltmp0, $4  }
0xf: {  	s5 =	sadd.s32 $0x2400, s0;
	s10 =	sshrl.u32 s10, $0x3;
	s11 =	sshrl.u32 s6, $0x3  }
0x10: {  	s6 =	sor.u32 $0x1C07, s30;
	s8 =	sadd.s32 $0xCE00, s9;
	s0 =	sadd.s32 s10, s0  }
0x11: {  	s10 =	ssub.s32 s7, s26;
	s7 =	sadd.s32 s1, s11;
	s11 =	sshrl.u32 s31, $0x3  }
0x12: {  	s26 =	simm.s32 $0x5;
	s9 =	sadd.s32 $0x7B000, s0;
	s10 =	smax.u32 s10, $0x1  }
.LBB2_10:
0x13: {  	_ =	swait.ge [sflag:s26], $0x2000  }
0x14: {  	[sflag:s26] =	ssyncset.done $0x0  }
0x15: {  	[sflag:s26] =	ssyncadd.s32 $0xFFFFE000  }
0x16: {  	_ =	swait.ge [sflag:s28], $0x2000  }
0x17: {  	s29 =	sadd.s32 $0x1, s29;
	[sflag:s28] =	ssyncset.done $0x0  }
0x18: {  	p0 =	sne.s32 s29, s10;
	[sflag:s28] =	ssyncadd.s32 $0xFFFFE000  }
.Ltmp1:
0x19: {  	[bflag:$0x0] =	sbarrier.arrive $0xFFFF;
	(pc) =	sbr.rel @!p0 .LBB2_11-.Ltmp1, $4  }
0x1a: {  	[hbm:s9], [sflag:s6] =	dma.local [spmem:s11], $0x1400  }
0x1b: {  	_ =	swait.ge [sflag:s12], $0x1400  }
0x1c: {  	[sflag:s12] =	ssyncset.done $0x0  }
0x1d: {  	[sflag:s12] =	ssyncadd.s32 $0xFFFFEC00  }
.LBB2_1:
0x1e: {  	[spmem:s11], [sflag:s6] =	dma.local [hbm:s5], $0x1400  }
0x1f: {  	_ =	swait.ge [sflag:s12], $0x1400  }
0x20: {  	[sflag:s12] =	ssyncset.done $0x0  }
0x21: {  	[sflag:s12] =	ssyncadd.s32 $0xFFFFEC00  }
0x22: {  	[tilespmem:s3], [sflag:$0x7] =	stream.linear.gather [hbm4b:s7+s3], $0x5100, $0x38;
	[tilespmem:$0x1D200] =	vst v63  }
0x23: {  	_ =	swait.ge [sflag:s12], $0x5100  }
0x24: {  	[sflag:s12] =	ssyncset.done $0x0  }
0x25: {  	s0 =	simm.s32 $0x5100;
	[sflag:s12] =	ssyncadd.s32 $0xFFFFAF00  }
0x26: {  	[tilespmem:s0], [sflag:$0x7] =	stream.linear.gather [hbm4b:s8+s3], $0x5100, $0x38;
	[tilespmem:$0x1D200] =	vst v63  }
0x27: {  	_ =	swait.ge [sflag:s12], $0x5100  }
0x28: {  	[sflag:s12] =	ssyncset.done $0x0  }
0x29: {  	[sflag:s12] =	ssyncadd.s32 $0xFFFFAF00  }
0x2a: {  	[bflag:$0x0] =	sbarrier.arrive $0xFFFF  }
0x2b: {  	[tilespmem:s15], [sflag:$0x1] =	stream.indirect.gather [hbm4b:s4+s14], $0x20, s3, s14, $0xb8;
	[tilespmem:$0x1D200] =	vst v63  }
0x2c: {  	_ = 	snop  }
0x2d: {  	[tilespmem:s16], [sflag:$0x2] =	stream.indirect.gather [hbm4b:s4+s14], $0x20, s14, s14, $0xb8;
	[tilespmem:$0x1D200] =	vst v63  }
0x2e: {  	s31 =	simm.s32 $0x100;
	s30 =	simm.s32 $0x0  }
0x2f: {  	[tilespmem:s18], [sflag:$0x3] =	stream.indirect.gather [hbm4b:s4+s14], $0x20, s31, s14, $0xb8;
	[tilespmem:$0x1D200] =	vst v63  }
.LBB2_2:
0x30: {  	_ =	swait.ge [sflag:s19], $0x1000  }
0x31: {  	[sflag:s19] =	ssyncset.done $0x0  }
0x32: {  	s0 =	simm.s32 $0x0;
	[sflag:s19] =	ssyncadd.s32 $0xFFFFF000  }
0x33: {  	v0 =	vld [tilespmem:s0+$0xA200];
	_ =	sdelay $0x4  }
0x34: {  	s31 =	simm.s32 $0xD220;
	v1 =	vshll.u32 v0, $0x10  }
0x35: {  	v0 =	vand.u32 $0xFFFF0000, v0;
	[tilespmem:s31+$0xFFFFFFE0] =	vst v1  }
0x36: {  	[tilespmem:s31+$0xFFFFFFF0] =	vst v0  }
0x37: {  	s1 =	simm.s32 $0x80;
	v0 =	vld [tilespmem:s0+$0xA210];
	s0 =	simm.s32 $0xD220  }
.LBB2_3:
0x38: {  	_ =	sdelay $0x2  }
0x39: {  	p0 =	sne.s32 s1, $0x3F80  }
0x3a: {  	s31 =	sadd.s32 $0x40, s31;
	s13 =	smov.u32 s1;
	s1 =	sadd.s32 $0x80, s1;
	v1 =	vshll.u32 v0, $0x10;
	v0 =	vand.u32 $0xFFFF0000, v0  }
0x3b: {  	[tilespmem:s0+$0x0] =	vst v1  }
0x3c: {  	s13 =	sshra.s32 s13, $0x2;
	[tilespmem:s0+$0x10] =	vst v0;
	s0 =	smov.u32 s31  }
0x3d: {  	v0 =	vld [tilespmem:s13+$0xA200];
	_ =	sdelay $0x3  }
.Ltmp2:
0x3e: {  	(pc) =	sbr.rel @p0 .LBB2_3-.Ltmp2, $4  }
0x3f: {  	v1 =	vshll.u32 v0, $0x10;
	v0 =	vand.u32 $0xFFFF0000, v0  }
0x40: {  	[tilespmem:s31+$0xFFFFFFE0] =	vst v1  }
0x41: {  	[tilespmem:s31+$0xFFFFFFF0] =	vst v0  }
0x42: {  	v0 =	vld [tilespmem:s13+$0xA210]  }
0x43: {  	_ =	sdelay $0x2  }
0x44: {  	s1 =	smul.u32 $0x600, s30  }
0x45: {  	v1 =	vshll.u32 v0, $0x10  }
0x46: {  	s31 =	sshra.s32 s1, $0x2;
	v0 =	vand.u32 $0xFFFF0000, v0;
	[tilespmem:s0+$0x0] =	vst v1  }
0x47: {  	s13 =	sadd.s32 $0x5100, s31;
	[tilespmem:s0+$0x10] =	vst v0  }
0x48: {  	[spmem:s2] =	stream.indirect.scatter.add.f32 [tilespmem:s20], [sflag:$0x4], $0x40, s13, s14, $0xb8;
	[tilespmem:$0x1D200] =	vst v63  }
0x49: {  	_ =	swait.ge [sflag:s21], $0x1000  }
0x4a: {  	[sflag:s21] =	ssyncset.done $0x0  }
0x4b: {  	s17 =	simm.s32 $0x0;
	[sflag:s21] =	ssyncadd.s32 $0xFFFFF000  }
0x4c: {  	v0 =	vld [tilespmem:s17+$0xB200];
	_ =	sdelay $0x4  }
0x4d: {  	s0 =	simm.s32 $0xF220;
	v1 =	vshll.u32 v0, $0x10  }
0x4e: {  	v0 =	vand.u32 $0xFFFF0000, v0;
	[tilespmem:s0+$0xFFFFFFE0] =	vst v1  }
0x4f: {  	[tilespmem:s0+$0xFFFFFFF0] =	vst v0  }
0x50: {  	s1 =	simm.s32 $0xF220;
	s13 =	simm.s32 $0x80;
	v0 =	vld [tilespmem:s17+$0xB210]  }
.LBB2_5:
0x51: {  	_ =	sdelay $0x2  }
0x52: {  	p0 =	sne.s32 s13, $0x3F80  }
0x53: {  	s0 =	sadd.s32 $0x40, s0;
	s17 =	smov.u32 s13;
	s13 =	sadd.s32 $0x80, s13;
	v1 =	vshll.u32 v0, $0x10;
	v0 =	vand.u32 $0xFFFF0000, v0  }
0x54: {  	[tilespmem:s1+$0x0] =	vst v1  }
0x55: {  	s17 =	sshra.s32 s17, $0x2;
	[tilespmem:s1+$0x10] =	vst v0;
	s1 =	smov.u32 s0  }
0x56: {  	v0 =	vld [tilespmem:s17+$0xB200];
	_ =	sdelay $0x3  }
.Ltmp3:
0x57: {  	(pc) =	sbr.rel @p0 .LBB2_5-.Ltmp3, $4  }
0x58: {  	v1 =	vshll.u32 v0, $0x10;
	v0 =	vand.u32 $0xFFFF0000, v0  }
0x59: {  	[tilespmem:s0+$0xFFFFFFE0] =	vst v1  }
0x5a: {  	[tilespmem:s0+$0xFFFFFFF0] =	vst v0  }
0x5b: {  	v0 =	vld [tilespmem:s17+$0xB210]  }
0x5c: {  	_ =	sdelay $0x3  }
0x5d: {  	v1 =	vshll.u32 v0, $0x10  }
0x5e: {  	v0 =	vand.u32 $0xFFFF0000, v0;
	[tilespmem:s1+$0x0] =	vst v1  }
0x5f: {  	s0 =	sadd.s32 $0x5180, s31;
	[tilespmem:s1+$0x10] =	vst v0  }
0x60: {  	[spmem:s2] =	stream.indirect.scatter.add.f32 [tilespmem:s22], [sflag:$0x5], $0x40, s0, s14, $0xb8;
	[tilespmem:$0x1D200] =	vst v63  }
0x61: {  	_ =	swait.ge [sflag:s23], $0x1000  }
0x62: {  	[sflag:s23] =	ssyncset.done $0x0  }
0x63: {  	s17 =	simm.s32 $0x0;
	[sflag:s23] =	ssyncadd.s32 $0xFFFFF000  }
0x64: {  	v0 =	vld [tilespmem:s17+$0xC200];
	_ =	sdelay $0x4  }
0x65: {  	s0 =	simm.s32 $0x11220;
	v1 =	vshll.u32 v0, $0x10  }
0x66: {  	v0 =	vand.u32 $0xFFFF0000, v0;
	[tilespmem:s0+$0xFFFFFFE0] =	vst v1  }
0x67: {  	[tilespmem:s0+$0xFFFFFFF0] =	vst v0  }
0x68: {  	s13 =	simm.s32 $0x80;
	s1 =	simm.s32 $0x11220;
	v0 =	vld [tilespmem:s17+$0xC210]  }
.LBB2_7:
0x69: {  	_ =	sdelay $0x2  }
0x6a: {  	p0 =	sne.s32 s13, $0x3F80  }
0x6b: {  	s0 =	sadd.s32 $0x40, s0;
	s17 =	smov.u32 s13;
	s13 =	sadd.s32 $0x80, s13;
	v1 =	vshll.u32 v0, $0x10;
	v0 =	vand.u32 $0xFFFF0000, v0  }
0x6c: {  	[tilespmem:s1+$0x0] =	vst v1  }
0x6d: {  	s17 =	sshra.s32 s17, $0x2;
	[tilespmem:s1+$0x10] =	vst v0;
	s1 =	smov.u32 s0  }
0x6e: {  	v0 =	vld [tilespmem:s17+$0xC200];
	_ =	sdelay $0x3  }
.Ltmp4:
0x6f: {  	(pc) =	sbr.rel @p0 .LBB2_7-.Ltmp4, $4  }
0x70: {  	v1 =	vshll.u32 v0, $0x10;
	v0 =	vand.u32 $0xFFFF0000, v0  }
0x71: {  	[tilespmem:s0+$0xFFFFFFE0] =	vst v1  }
0x72: {  	[tilespmem:s0+$0xFFFFFFF0] =	vst v0  }
0x73: {  	v0 =	vld [tilespmem:s17+$0xC210]  }
0x74: {  	_ =	sdelay $0x3  }
0x75: {  	v1 =	vshll.u32 v0, $0x10  }
0x76: {  	p0 =	seq.s32 s30, $0x35;
	v63 =	vand.u32 $0xFFFF0000, v0;
	[tilespmem:s1+$0x0] =	vst v1  }
.Ltmp5:
0x77: {  	s0 =	sadd.s32 $0x5200, s31;
	[tilespmem:s1+$0x10] =	vst v63;
	(pc) =	sbr.rel @p0 .LBB2_10-.Ltmp5, $4  }
0x78: {  	[spmem:s2] =	stream.indirect.scatter.add.f32 [tilespmem:s24], [sflag:$0x6], $0x40, s0, s14, $0xb8;
	[tilespmem:$0x1D200] =	vst v63  }
0x79: {  	_ =	swait.ge [sflag:s25], $0x2000  }
0x7a: {  	[sflag:s25] =	ssyncset.done $0x0  }
0x7b: {  	[sflag:s25] =	ssyncadd.s32 $0xFFFFE000  }
0x7c: {  	s0 =	sadd.s32 $0x180, s31  }
0x7d: {  	[tilespmem:s15], [sflag:$0x1] =	stream.indirect.gather [hbm4b:s4+s14], $0x20, s0, s14, $0xb8;
	[tilespmem:$0x1D200] =	vst v63  }
0x7e: {  	_ =	swait.ge [sflag:s26], $0x2000  }
0x7f: {  	[sflag:s26] =	ssyncset.done $0x0  }
0x80: {  	s17 =	sadd.s32 $0x200, s31;
	[sflag:s26] =	ssyncadd.s32 $0xFFFFE000  }
0x81: {  	[tilespmem:s16], [sflag:$0x2] =	stream.indirect.gather [hbm4b:s4+s14], $0x20, s17, s14, $0xb8;
	[tilespmem:$0x1D200] =	vst v63  }
.Ltmp6:
0x82: {  	_ = 	snop;
	(pc) =	sbr.rel .LBB2_2-.Ltmp6, $4  }
0x83: {  	_ =	swait.ge [sflag:s28], $0x2000  }
0x84: {  	[sflag:s28] =	ssyncset.done $0x0  }
0x85: {  	s31 =	sadd.s32 $0x280, s31;
	s30 =	sadd.s32 $0x1, s30;
	[sflag:s28] =	ssyncadd.s32 $0xFFFFE000  }
0x86: {  	[tilespmem:s18], [sflag:$0x3] =	stream.indirect.gather [hbm4b:s4+s14], $0x20, s31, s14, $0xb8;
	[tilespmem:$0x1D200] =	vst v63  }
.LBB2_11:
0x87: {  	_ =	sfence.sel $0x180000  }
0x88: {  	[bflag:$0x0] =	sbarrier.arrive $0xFFFF  }
0x89: {  	_ =	strace $0x9000004A  }
0x8a: {  	s0 =	stileid.u32;
	[bflag:$0x2] =	sbarrier.arrive $0xFFFF  }
0x8b: {  	p0 =	sne.s32 s0, $0x0;
	s0 =	rddreg [dreg:$0x3]  }
0x8c: {  	s0 =	sadd.s32 @!p0 $0x100000, s0  }
0x8d: {  	[sflag:s0] =	ssyncadd.tile.s32 @!p0 $0x1;
	_ =	shalt  }
.Lfunc_end2:
_tile_overlayer_lowered:
.L_overlay_start_2:
0x8e: {  	(tag) =	ssettag $0x2  }
0x8f: {  	s0 =	rddreg [dreg:$0x0];
	s2 =	stileid.u32  }
0x90: {  	s1 =	rddreg [dreg:$0x1];
	p0 =	sne.s32 s2, $0x0  }
0x91: {  	s3 =	rddreg [dreg:$0x2];
	[bflag:$0x3] =	sbarrier.arrive $0xFFFF;
	s2 =	simm.s32 @!p0 $0x1C07  }
0x92: {  	[timem:s3], [sflag:s2] =	dma.local @!p0 [hbm:s0], s1  }
0x93: {  	s0 =	simm.s32 @!p0 $0x7  }
0x94: {  	_ =	swait.ge @!p0 [sflag:s0], s1  }
0x95: {  	s1 =	ssub.s32 @!p0 $0x0, s1;
	[sflag:s0] =	ssyncset.done @!p0 $0x0  }
0x96: {  	[sflag:s0] =	ssyncadd.s32 @!p0 s1  }
0x97: {  	[bflag:$0x3] =	sbarrier.arrive $0xFFFF  }
0x98: {  	_ =	shalt  }

// kernel: kernel.14.cloned.1.call-start
scs
__scs_entry_jumppad:
0x0: {  	(pc) =	sbr.rel $0x88, $3  }
0x1: {  	(tag) =	ssettag $0x0;
	lr =	simm.s32 $0x1  }
0x2: {  	[smem:$0x3F9B] =	sst lr;
	_ =	strace $0xD0000000  }
0x3: {  	_ = 	snop  }
0x4: {  	_ = 	snop  }
0x5: {  	_ = 	snop  }
0x6: {  	_ = 	snop  }
0x7: {  	_ = 	snop  }
__scs_overlays_trampoline_lowered:
0x8: {  	[smem:$0x3FAA] =	sst s0  }
0x9: {  	[smem:$0x3FAB] =	sst s1  }
0xa: {  	[smem:$0x3FAC] =	sst s2  }
0xb: {  	[smem:$0x3FAD] =	sst s3  }
0xc: {  	[smem:$0x3FAE] =	sst s4  }
0xd: {  	[smem:$0x3FAF] =	sst s5  }
0xe: {  	[smem:$0x3FB0] =	sst s6  }
0xf: {  	[smem:$0x3FB1] =	sst s7  }
0x10: {  	[smem:$0x3FB2] =	sst s8  }
0x11: {  	[smem:$0x3FB3] =	sst s9;
	s0 =	simm.s32 @!p0 $0x0  }
0x12: {  	s1 =	sld [smem:$0x3F99];
	s0 =	simm.s32 @p0 $0x1  }
0x13: {  	[smem:$0x3FB4] =	sst s0;
	s0 =	simm.s32 @!p1 $0x0  }
0x14: {  	s2 =	sld [smem:$0x3F98];
	s0 =	simm.s32 @p1 $0x1  }
0x15: {  	[smem:$0x3FB5] =	sst s0;
	s0 =	simm.s32 @!p2 $0x0  }
0x16: {  	s3 =	sld [smem:$0x3FDB];
	s0 =	simm.s32 @p2 $0x1  }
0x17: {  	s4 =	simm.s32 $0x1BF5;
	[smem:$0x3FB7] =	sst s0  }
0x18: {  	s0 =	sld [smem:$0x3F9A];
	_ =	swait.ge [sflag:s4], $0x0  }
0x19: {  	s7 =	sld [smem:$0x3F9B]  }
0x1a: {  	s8 =	sadd.s32 $0xFFFFE003, lr  }
0x1b: {  	s9 =	sadd.s32 $0xFFFFFEF7, lr;
	s5 =	simm.s32 $0xFFFFFFFF;
	p2 =	slt.u32 s8, $0xFFFFF086  }
0x1c: {  	p1 =	slt.u32 s9, $0xF7A;
	s5 =	simm.s32 @!p2 $0x0  }
0x1d: {  	s5 =	simm.s32 @p1 $0x1;
	p0 =	seq.s32 s7, s2  }
0x1e: {  	s7 =	smul.u32 @!p0 $0xF7A, s2;
	p2 =	seq.s32 @!p0 s5, $0x0  }
0x1f: {  	s9 =	smul.u32 $0xF7A, s1;
	s8 =	simm.s32 @!p0 $0x1BF5;
	p2 =	por !p2, p0  }
0x20: {  	[sflag:s8] =	ssyncset.s32 @!p0 $0xFFFFF086;
	s6 =	sadd.s32 @!p0 s3, s7;
	s7 =	simm.s32 @!p0 $0x108  }
0x21: {  	s3 =	sadd.s32 s3, s9;
	s6 =	sadd.s32 @!p0 $0x88, s6;
	s7 =	simm.s32 @p2 $0x1082  }
0x22: {  	[simem:s7], [sflag:s8] =	dma.local @!p0 [hbm:s6], $0xF7A  }
0x23: {  	s9 =	sor.u32 $0xD0000000, s2;
	s6 =	simm.s32 $0x108;
	_ =	swait.ge @!p0 [sflag:s8], $0x0  }
0x24: {  	s3 =	sadd.s32 $0x88, s3;
	s6 =	simm.s32 @!p1 $0x1082;
	[sflag:s4] =	ssyncset.s32 $0xFFFFF086  }
0x25: {  	[simem:s6], [sflag:s4] =	dma.local [hbm:s3], $0xF7A  }
0x26: {  	[smem:$0x3F9B] =	sst s1;
	(tag) =	ssettag s2;
	_ =	strace s9  }
0x27: {  	s1 =	sld [smem:$0x3FAB]  }
0x28: {  	s2 =	sld [smem:$0x3FAC]  }
0x29: {  	s4 =	sld [smem:$0x3FAE]  }
0x2a: {  	p0 =	seq.s32 s5, $0x0;
	s5 =	sld [smem:$0x3FAF]  }
0x2b: {  	s6 =	sld [smem:$0x3FB0]  }
0x2c: {  	s7 =	sld [smem:$0x3FB1]  }
0x2d: {  	s3 =	simm.s32 $0x108;
	s8 =	sld [smem:$0x3FB2]  }
0x2e: {  	s3 =	simm.s32 @!p0 $0x1082;
	s9 =	sld [smem:$0x3FB3]  }
0x2f: {  	lr =	sadd.s32 s0, s3;
	s0 =	sld [smem:$0x3FAA]  }
0x30: {  	s3 =	sld [smem:$0x3FAD]  }
0x31: {  	[smem:$0x3FB6] =	sst s10  }
0x32: {  	s10 =	sld [smem:$0x3FB4];
	_ =	sdelay $0x3  }
0x33: {  	p0 =	seq.s32 s10, $0x1;
	s10 =	sld [smem:$0x3FB6];
	_ =	sdelay $0x3  }
0x34: {  	[smem:$0x3FB6] =	sst s10  }
0x35: {  	s10 =	sld [smem:$0x3FB5];
	_ =	sdelay $0x3  }
0x36: {  	p1 =	seq.s32 s10, $0x1;
	s10 =	sld [smem:$0x3FB6];
	_ =	sdelay $0x3  }
0x37: {  	[smem:$0x3FB6] =	sst s10  }
0x38: {  	s10 =	sld [smem:$0x3FB7]  }
0x39: {  	_ = 	snop;
	(pc) =	sbr.ind lr, $3  }
0x3a: {  	_ = 	snop  }
0x3b: {  	_ = 	snop  }
0x3c: {  	p2 =	seq.s32 s10, $0x1;
	s10 =	sld [smem:$0x3FB6]  }
0x3d: {  	_ =	shalt  }
0x3e: {  	_ =	shalt  }
0x3f: {  	_ =	shalt  }
0x40: {  	_ =	shalt  }
0x41: {  	_ =	shalt  }
0x42: {  	_ =	shalt  }
0x43: {  	_ =	shalt  }
0x44: {  	_ =	shalt  }
0x45: {  	_ =	shalt  }
0x46: {  	_ =	shalt  }
0x47: {  	_ =	shalt  }
0x48: {  	_ =	shalt  }
0x49: {  	_ =	shalt  }
0x4a: {  	_ =	shalt  }
0x4b: {  	_ =	shalt  }
0x4c: {  	_ =	shalt  }
0x4d: {  	_ =	shalt  }
0x4e: {  	_ =	shalt  }
0x4f: {  	_ =	shalt  }
0x50: {  	_ =	shalt  }
0x51: {  	_ =	shalt  }
0x52: {  	_ =	shalt  }
0x53: {  	_ =	shalt  }
0x54: {  	_ =	shalt  }
0x55: {  	_ =	shalt  }
0x56: {  	_ =	shalt  }
0x57: {  	_ =	shalt  }
0x58: {  	_ =	shalt  }
0x59: {  	_ =	shalt  }
0x5a: {  	_ =	shalt  }
0x5b: {  	_ =	shalt  }
0x5c: {  	_ =	shalt  }
0x5d: {  	_ =	shalt  }
0x5e: {  	_ =	shalt  }
0x5f: {  	_ =	shalt  }
0x60: {  	_ =	shalt  }
0x61: {  	_ =	shalt  }
0x62: {  	_ =	shalt  }
0x63: {  	_ =	shalt  }
0x64: {  	_ =	shalt  }
0x65: {  	_ =	shalt  }
0x66: {  	_ =	shalt  }
0x67: {  	_ =	shalt  }
0x68: {  	_ =	shalt  }
0x69: {  	_ =	shalt  }
0x6a: {  	_ =	shalt  }
0x6b: {  	_ =	shalt  }
0x6c: {  	_ =	shalt  }
0x6d: {  	_ =	shalt  }
0x6e: {  	_ =	shalt  }
0x6f: {  	_ =	shalt  }
0x70: {  	_ =	shalt  }
0x71: {  	_ =	shalt  }
0x72: {  	_ =	shalt  }
0x73: {  	_ =	shalt  }
0x74: {  	_ =	shalt  }
0x75: {  	_ =	shalt  }
0x76: {  	_ =	shalt  }
0x77: {  	_ =	shalt  }
0x78: {  	_ =	shalt  }
0x79: {  	_ =	shalt  }
0x7a: {  	_ =	shalt  }
0x7b: {  	_ =	shalt  }
0x7c: {  	_ =	shalt  }
0x7d: {  	_ =	shalt  }
0x7e: {  	_ =	shalt  }
0x7f: {  	_ =	shalt  }
0x80: {  	_ =	shalt  }
0x81: {  	_ =	shalt  }
0x82: {  	_ =	shalt  }
0x83: {  	_ =	shalt  }
0x84: {  	_ =	shalt  }
0x85: {  	_ =	shalt  }
0x86: {  	_ =	shalt  }
0x87: {  	_ =	shalt  }
.Lfunc_end0:
.L_simem_size_0:
called_computation.2_lowered:
.L_overlay_start_0:
0x88: {  	s2 =	sld [smem:$0x3FD9]  }
0x89: {  	s3 =	sld [smem:$0x3FFE];
	_ =	sdelay $0x1  }
0x8a: {  	s1 =	srdreg.scid  }
0x8b: {  	s0 =	sand.u32 $0x1, s1  }
0x8c: {  	s17 =	sshll.u32 s0, $0xA;
	s2 =	sadd.s32 s3, s2  }
0x8d: {  	s2 =	sadd.s32 s2, s17  }
0x8e: {  	[smem:$0x3FC2] =	sst s2  }
0x8f: {  	_ = 	snop  }
0x90: {  	s2 =	sld [smem:$0x3FD0];
	(tm) =	ssettm $0x1  }
0x91: {  	s18 =	sld [smem:$0x3FFB];
	_ =	sdelay $0x3  }
0x92: {  	_ =	strace s18  }
0x93: {  	s3 =	sld [smem:$0x3FFC];
	_ =	sdelay $0x3  }
0x94: {  	_ =	strace s3  }
0x95: {  	s3 =	sld [smem:$0x3FFD];
	_ =	sdelay $0x3  }
0x96: {  	_ =	strace s3  }
0x97: {  	_ =	strace $0x8FFFFFFF  }
0x98: {  	s19 =	sld [smem:$0x3FDB];
	_ =	sdelay $0x1  }
0x99: {  	s4 =	simm.s32 $_scs_section_size  }
0x9a: {  	s5 =	simm.s32 $_size__tile_overlayer_lowered;
	s6 =	simm.s32 $_tile_overlayer_lowered  }
0x9b: {  	s22 =	simm.s32 $0x1BFF;
	s21 =	sshll.u32 s6, $0x1;
	s3 =	sadd.s32 s4, s19  }
0x9c: {  	s7 =	simm.s32 $0x0;
	s20 =	sshll.u32 s5, $0x1;
	s5 =	sadd.s32 s21, s3  }
0x9d: {  	[timem:s7], [sflag:s22] =	dma.local [hbm:s5], s20  }
0x9e: {  	_ =	swait.ge [sflag:s22], s20  }
0x9f: {  	s4 =	ssub.s32 $0x0, s20;
	[sflag:s22] =	ssyncset.done $0x0  }
0xa0: {  	[sflag:s22] =	ssyncadd.s32 s4;
	_ =	sdelay $0x1  }
0xa1: {  	s23 =	simm.s32 $0x1B8B  }
0xa2: {  	_ =	swait.ge [sflag:s23], $0x1  }
0xa3: {  	[sflag:s23] =	ssyncset.done $0x0  }
0xa4: {  	s25 =	simm.s32 $0x1B8E;
	s24 =	sld [smem:$0x3FFE];
	[sflag:s23] =	ssyncadd.s32 $0xFFFFFFFF  }
0xa5: {  	s26 =	simm.s32 $execute0_lowered;
	[smem:$0x3FD2] =	sst s25  }
0xa6: {  	s5 =	sshll.u32 s26, $0x1;
	_ =	strace $0x8000004C;
	[dreg:$0x1] =	wrdreg $0xFFFFFFFF  }
0xa7: {  	s28 =	simm.s32 $_size_execute0_lowered;
	s3 =	sadd.s32 s3, s5;
	[dreg:$0x0] =	wrdreg $0x0  }
0xa8: {  	s5 =	sshll.u32 s28, $0x1;
	[dreg:$0x2] =	wrdreg s3  }
0xa9: {  	[dreg:$0x3] =	wrdreg s5  }
0xaa: {  	[dreg:$0x4] =	wrdreg $0xC0  }
0xab: {  	_ =	task [dreg:s7], $0x5FFFF  }
0xac: {  	[dreg:$0x1] =	wrdreg $0xFFFFFFFF  }
0xad: {  	[dreg:$0x0] =	wrdreg $0x60  }
0xae: {  	[dreg:$0x2] =	wrdreg s24  }
0xaf: {  	[dreg:$0x3] =	wrdreg s2  }
0xb0: {  	[dreg:$0x4] =	wrdreg $0x132000  }
0xb1: {  	[dreg:$0x5] =	wrdreg $0x9  }
0xb2: {  	_ =	task.clear_ibuf [dreg:s7], $0x6FFFF;
	_ =	strace $0x9000004C  }
0xb3: {  	s29 =	simm.s32 $0x9;
	_ =	strace $0x8000004E  }
0xb4: {  	_ =	swait.ge [sflag:s29], $0x1  }
0xb5: {  	[sflag:s29] =	ssyncadd.s32 $0xFFFFFFFF  }
0xb6: {  	_ =	strace $0x9000004E  }
0xb7: {  	_ =	sfence  }
0xb8: {  	s30 =	sld [smem:$0x0];
	_ =	sdelay $0x2  }
0xb9: {  	s31 =	sshll.u32 s1, $0xD;
	s1 =	sshrl.u32 s1, $0x2  }
0xba: {  	s3 =	sand.u32 $0x4000, s31;
	s1 =	sadd.s32 s1, s30  }
0xbb: {  	s0 =	sor.u32 s3, s0;
	s1 =	sshll.u32 s1, $0x11  }
0xbc: {  	s0 =	sor.u32 s1, s0  }
0xbd: {  	s0 =	sadd.s32 $0x8F2B, s0  }
0xbe: {  	[sflag:s0] =	ssyncadd.remote.s32 $0x1  }
0xbf: {  	_ =	sfence.sel $0xFFFF  }
0xc0: {  	[dreg:$0x0] =	wrdreg $0xFFFFFFFF;
	(pc) =	sbr.abs _section_cstart, $3  }
0xc1: {  	[dreg:$0x1] =	wrdreg $0xFFFFFFFF  }
0xc2: {  	_ =	task.clear_ibuf [dreg:s7], $0x2FFFF;
	_ =	strace $0x9FFFFFFF  }
0xc3: {  	(tm) =	ssettm $0x7FFFFFFF  }
tec
execute0_lowered:
.L_overlay_start_1:
0x0: {  	(tag) =	ssettag $0x1  }
0x1: {  	s0 =	rddreg [dreg:$0x0]  }
0x2: {  	s1 =	rddreg [dreg:$0x1]  }
0x3: {  	s2 =	rddreg [dreg:$0x2];
	s12 =	stileid.u32  }
0x4: {  	s4 =	srdreg.scid;
	s3 =	simm.s32 $0x0;
	s14 =	simm.s32 $0x80  }
0x5: {  	s15 =	simm.s32 $0xA200;
	s16 =	simm.s32 $0xB200;
	s18 =	simm.s32 $0xC200  }
0x6: {  	s19 =	simm.s32 $0x1;
	s20 =	simm.s32 $0xD200;
	s21 =	simm.s32 $0x2  }
0x7: {  	s22 =	simm.s32 $0xF200;
	s23 =	simm.s32 $0x3;
	s24 =	simm.s32 $0x11200  }
0x8: {  	s25 =	simm.s32 $0x4;
	s28 =	simm.s32 $0x6;
	s6 =	smul.u32 $0x5100, s12  }
0x9: {  	s29 =	simm.s32 $0x0;
	s7 =	sand.u32 $0x1, s4;
	s8 =	smul.u32 $0xA000, s12  }
0xa: {  	[smem:$0x7FF] =	sst s3;
	s4 =	sadd.s32 $0x67000, s0;
	s30 =	sshll.u32 s12, $0x6  }
0xb: {  	s12 =	simm.s32 $0x7;
	s5 =	smul.u32 $0xA0000, s7;
	_ =	strace $0x8000004D  }
0xc: {  	s11 =	smul.u32 $0x51000, s7;
	s7 =	ssub.s32 $0x2, s7;
	s9 =	sshrl.u32 s6, $0x3  }
0xd: {  	s26 =	sshrl.u32 s7, $0x1;
	s31 =	sadd.s32 s8, s2;
	s9 =	sadd.s32 s9, s0  }
.Ltmp0:
0xe: {  	s10 =	sadd.s32 s8, s5;
	s6 =	sadd.s32 s6, s11;
	(pc) =	sbr.rel .LBB2_1-.Ltmp0, $4  }
0xf: {  	s5 =	sadd.s32 $0x2400, s0;
	s10 =	sshrl.u32 s10, $0x3;
	s11 =	sshrl.u32 s6, $0x3  }
0x10: {  	s6 =	sor.u32 $0x1C07, s30;
	s8 =	sadd.s32 $0xCE00, s9;
	s0 =	sadd.s32 s10, s0  }
0x11: {  	s10 =	ssub.s32 s7, s26;
	s7 =	sadd.s32 s1, s11;
	s11 =	sshrl.u32 s31, $0x3  }
0x12: {  	s26 =	simm.s32 $0x5;
	s9 =	sadd.s32 $0x7B000, s0;
	s10 =	smax.u32 s10, $0x1  }
.LBB2_10:
0x13: {  	_ =	swait.ge [sflag:s26], $0x2000  }
0x14: {  	[sflag:s26] =	ssyncset.done $0x0  }
0x15: {  	[sflag:s26] =	ssyncadd.s32 $0xFFFFE000  }
0x16: {  	_ =	swait.ge [sflag:s28], $0x2000  }
0x17: {  	s29 =	sadd.s32 $0x1, s29;
	[sflag:s28] =	ssyncset.done $0x0  }
0x18: {  	p0 =	sne.s32 s29, s10;
	[sflag:s28] =	ssyncadd.s32 $0xFFFFE000  }
.Ltmp1:
0x19: {  	[bflag:$0x0] =	sbarrier.arrive $0xFFFF;
	(pc) =	sbr.rel @!p0 .LBB2_11-.Ltmp1, $4  }
0x1a: {  	[hbm:s9], [sflag:s6] =	dma.local [spmem:s11], $0x1400  }
0x1b: {  	_ =	swait.ge [sflag:s12], $0x1400  }
0x1c: {  	[sflag:s12] =	ssyncset.done $0x0  }
0x1d: {  	[sflag:s12] =	ssyncadd.s32 $0xFFFFEC00  }
.LBB2_1:
0x1e: {  	[spmem:s11], [sflag:s6] =	dma.local [hbm:s5], $0x1400  }
0x1f: {  	_ =	swait.ge [sflag:s12], $0x1400  }
0x20: {  	[sflag:s12] =	ssyncset.done $0x0  }
0x21: {  	[sflag:s12] =	ssyncadd.s32 $0xFFFFEC00  }
0x22: {  	[tilespmem:s3], [sflag:$0x7] =	stream.linear.gather [hbm4b:s7+s3], $0x5100, $0x38;
	[tilespmem:$0x1D200] =	vst v63  }
0x23: {  	_ =	swait.ge [sflag:s12], $0x5100  }
0x24: {  	[sflag:s12] =	ssyncset.done $0x0  }
0x25: {  	s0 =	simm.s32 $0x5100;
	[sflag:s12] =	ssyncadd.s32 $0xFFFFAF00  }
0x26: {  	[tilespmem:s0], [sflag:$0x7] =	stream.linear.gather [hbm4b:s8+s3], $0x5100, $0x38;
	[tilespmem:$0x1D200] =	vst v63  }
0x27: {  	_ =	swait.ge [sflag:s12], $0x5100  }
0x28: {  	[sflag:s12] =	ssyncset.done $0x0  }
0x29: {  	[sflag:s12] =	ssyncadd.s32 $0xFFFFAF00  }
0x2a: {  	[bflag:$0x0] =	sbarrier.arrive $0xFFFF  }
0x2b: {  	[tilespmem:s15], [sflag:$0x1] =	stream.indirect.gather [hbm4b:s4+s14], $0x20, s3, s14, $0xb8;
	[tilespmem:$0x1D200] =	vst v63  }
0x2c: {  	_ = 	snop  }
0x2d: {  	[tilespmem:s16], [sflag:$0x2] =	stream.indirect.gather [hbm4b:s4+s14], $0x20, s14, s14, $0xb8;
	[tilespmem:$0x1D200] =	vst v63  }
0x2e: {  	s31 =	simm.s32 $0x100;
	s30 =	simm.s32 $0x0  }
0x2f: {  	[tilespmem:s18], [sflag:$0x3] =	stream.indirect.gather [hbm4b:s4+s14], $0x20, s31, s14, $0xb8;
	[tilespmem:$0x1D200] =	vst v63  }
.LBB2_2:
0x30: {  	_ =	swait.ge [sflag:s19], $0x1000  }
0x31: {  	[sflag:s19] =	ssyncset.done $0x0  }
0x32: {  	s0 =	simm.s32 $0x0;
	[sflag:s19] =	ssyncadd.s32 $0xFFFFF000  }
0x33: {  	v0 =	vld [tilespmem:s0+$0xA200];
	_ =	sdelay $0x4  }
0x34: {  	s31 =	simm.s32 $0xD220;
	v1 =	vshll.u32 v0, $0x10  }
0x35: {  	v0 =	vand.u32 $0xFFFF0000, v0;
	[tilespmem:s31+$0xFFFFFFE0] =	vst v1  }
0x36: {  	[tilespmem:s31+$0xFFFFFFF0] =	vst v0  }
0x37: {  	s1 =	simm.s32 $0x80;
	v0 =	vld [tilespmem:s0+$0xA210];
	s0 =	simm.s32 $0xD220  }
.LBB2_3:
0x38: {  	_ =	sdelay $0x2  }
0x39: {  	p0 =	sne.s32 s1, $0x3F80  }
0x3a: {  	s31 =	sadd.s32 $0x40, s31;
	s13 =	smov.u32 s1;
	s1 =	sadd.s32 $0x80, s1;
	v1 =	vshll.u32 v0, $0x10;
	v0 =	vand.u32 $0xFFFF0000, v0  }
0x3b: {  	[tilespmem:s0+$0x0] =	vst v1  }
0x3c: {  	s13 =	sshra.s32 s13, $0x2;
	[tilespmem:s0+$0x10] =	vst v0;
	s0 =	smov.u32 s31  }
0x3d: {  	v0 =	vld [tilespmem:s13+$0xA200];
	_ =	sdelay $0x3  }
.Ltmp2:
0x3e: {  	(pc) =	sbr.rel @p0 .LBB2_3-.Ltmp2, $4  }
0x3f: {  	v1 =	vshll.u32 v0, $0x10;
	v0 =	vand.u32 $0xFFFF0000, v0  }
0x40: {  	[tilespmem:s31+$0xFFFFFFE0] =	vst v1  }
0x41: {  	[tilespmem:s31+$0xFFFFFFF0] =	vst v0  }
0x42: {  	v0 =	vld [tilespmem:s13+$0xA210]  }
0x43: {  	_ =	sdelay $0x2  }
0x44: {  	s1 =	smul.u32 $0x600, s30  }
0x45: {  	v1 =	vshll.u32 v0, $0x10  }
0x46: {  	s31 =	sshra.s32 s1, $0x2;
	v0 =	vand.u32 $0xFFFF0000, v0;
	[tilespmem:s0+$0x0] =	vst v1  }
0x47: {  	s13 =	sadd.s32 $0x5100, s31;
	[tilespmem:s0+$0x10] =	vst v0  }
0x48: {  	[spmem:s2] =	stream.indirect.scatter.add.f32 [tilespmem:s20], [sflag:$0x4], $0x40, s13, s14, $0xb8;
	[tilespmem:$0x1D200] =	vst v63  }
0x49: {  	_ =	swait.ge [sflag:s21], $0x1000  }
0x4a: {  	[sflag:s21] =	ssyncset.done $0x0  }
0x4b: {  	s17 =	simm.s32 $0x0;
	[sflag:s21] =	ssyncadd.s32 $0xFFFFF000  }
0x4c: {  	v0 =	vld [tilespmem:s17+$0xB200];
	_ =	sdelay $0x4  }
0x4d: {  	s0 =	simm.s32 $0xF220;
	v1 =	vshll.u32 v0, $0x10  }
0x4e: {  	v0 =	vand.u32 $0xFFFF0000, v0;
	[tilespmem:s0+$0xFFFFFFE0] =	vst v1  }
0x4f: {  	[tilespmem:s0+$0xFFFFFFF0] =	vst v0  }
0x50: {  	s1 =	simm.s32 $0xF220;
	s13 =	simm.s32 $0x80;
	v0 =	vld [tilespmem:s17+$0xB210]  }
.LBB2_5:
0x51: {  	_ =	sdelay $0x2  }
0x52: {  	p0 =	sne.s32 s13, $0x3F80  }
0x53: {  	s0 =	sadd.s32 $0x40, s0;
	s17 =	smov.u32 s13;
	s13 =	sadd.s32 $0x80, s13;
	v1 =	vshll.u32 v0, $0x10;
	v0 =	vand.u32 $0xFFFF0000, v0  }
0x54: {  	[tilespmem:s1+$0x0] =	vst v1  }
0x55: {  	s17 =	sshra.s32 s17, $0x2;
	[tilespmem:s1+$0x10] =	vst v0;
	s1 =	smov.u32 s0  }
0x56: {  	v0 =	vld [tilespmem:s17+$0xB200];
	_ =	sdelay $0x3  }
.Ltmp3:
0x57: {  	(pc) =	sbr.rel @p0 .LBB2_5-.Ltmp3, $4  }
0x58: {  	v1 =	vshll.u32 v0, $0x10;
	v0 =	vand.u32 $0xFFFF0000, v0  }
0x59: {  	[tilespmem:s0+$0xFFFFFFE0] =	vst v1  }
0x5a: {  	[tilespmem:s0+$0xFFFFFFF0] =	vst v0  }
0x5b: {  	v0 =	vld [tilespmem:s17+$0xB210]  }
0x5c: {  	_ =	sdelay $0x3  }
0x5d: {  	v1 =	vshll.u32 v0, $0x10  }
0x5e: {  	v0 =	vand.u32 $0xFFFF0000, v0;
	[tilespmem:s1+$0x0] =	vst v1  }
0x5f: {  	s0 =	sadd.s32 $0x5180, s31;
	[tilespmem:s1+$0x10] =	vst v0  }
0x60: {  	[spmem:s2] =	stream.indirect.scatter.add.f32 [tilespmem:s22], [sflag:$0x5], $0x40, s0, s14, $0xb8;
	[tilespmem:$0x1D200] =	vst v63  }
0x61: {  	_ =	swait.ge [sflag:s23], $0x1000  }
0x62: {  	[sflag:s23] =	ssyncset.done $0x0  }
0x63: {  	s17 =	simm.s32 $0x0;
	[sflag:s23] =	ssyncadd.s32 $0xFFFFF000  }
0x64: {  	v0 =	vld [tilespmem:s17+$0xC200];
	_ =	sdelay $0x4  }
0x65: {  	s0 =	simm.s32 $0x11220;
	v1 =	vshll.u32 v0, $0x10  }
0x66: {  	v0 =	vand.u32 $0xFFFF0000, v0;
	[tilespmem:s0+$0xFFFFFFE0] =	vst v1  }
0x67: {  	[tilespmem:s0+$0xFFFFFFF0] =	vst v0  }
0x68: {  	s13 =	simm.s32 $0x80;
	s1 =	simm.s32 $0x11220;
	v0 =	vld [tilespmem:s17+$0xC210]  }
.LBB2_7:
0x69: {  	_ =	sdelay $0x2  }
0x6a: {  	p0 =	sne.s32 s13, $0x3F80  }
0x6b: {  	s0 =	sadd.s32 $0x40, s0;
	s17 =	smov.u32 s13;
	s13 =	sadd.s32 $0x80, s13;
	v1 =	vshll.u32 v0, $0x10;
	v0 =	vand.u32 $0xFFFF0000, v0  }
0x6c: {  	[tilespmem:s1+$0x0] =	vst v1  }
0x6d: {  	s17 =	sshra.s32 s17, $0x2;
	[tilespmem:s1+$0x10] =	vst v0;
	s1 =	smov.u32 s0  }
0x6e: {  	v0 =	vld [tilespmem:s17+$0xC200];
	_ =	sdelay $0x3  }
.Ltmp4:
0x6f: {  	(pc) =	sbr.rel @p0 .LBB2_7-.Ltmp4, $4  }
0x70: {  	v1 =	vshll.u32 v0, $0x10;
	v0 =	vand.u32 $0xFFFF0000, v0  }
0x71: {  	[tilespmem:s0+$0xFFFFFFE0] =	vst v1  }
0x72: {  	[tilespmem:s0+$0xFFFFFFF0] =	vst v0  }
0x73: {  	v0 =	vld [tilespmem:s17+$0xC210]  }
0x74: {  	_ =	sdelay $0x3  }
0x75: {  	v1 =	vshll.u32 v0, $0x10  }
0x76: {  	p0 =	seq.s32 s30, $0x35;
	v63 =	vand.u32 $0xFFFF0000, v0;
	[tilespmem:s1+$0x0] =	vst v1  }
.Ltmp5:
0x77: {  	s0 =	sadd.s32 $0x5200, s31;
	[tilespmem:s1+$0x10] =	vst v63;
	(pc) =	sbr.rel @p0 .LBB2_10-.Ltmp5, $4  }
0x78: {  	[spmem:s2] =	stream.indirect.scatter.add.f32 [tilespmem:s24], [sflag:$0x6], $0x40, s0, s14, $0xb8;
	[tilespmem:$0x1D200] =	vst v63  }
0x79: {  	_ =	swait.ge [sflag:s25], $0x2000  }
0x7a: {  	[sflag:s25] =	ssyncset.done $0x0  }
0x7b: {  	[sflag:s25] =	ssyncadd.s32 $0xFFFFE000  }
0x7c: {  	s0 =	sadd.s32 $0x180, s31  }
0x7d: {  	[tilespmem:s15], [sflag:$0x1] =	stream.indirect.gather [hbm4b:s4+s14], $0x20, s0, s14, $0xb8;
	[tilespmem:$0x1D200] =	vst v63  }
0x7e: {  	_ =	swait.ge [sflag:s26], $0x2000  }
0x7f: {  	[sflag:s26] =	ssyncset.done $0x0  }
0x80: {  	s17 =	sadd.s32 $0x200, s31;
	[sflag:s26] =	ssyncadd.s32 $0xFFFFE000  }
0x81: {  	[tilespmem:s16], [sflag:$0x2] =	stream.indirect.gather [hbm4b:s4+s14], $0x20, s17, s14, $0xb8;
	[tilespmem:$0x1D200] =	vst v63  }
.Ltmp6:
0x82: {  	_ = 	snop;
	(pc) =	sbr.rel .LBB2_2-.Ltmp6, $4  }
0x83: {  	_ =	swait.ge [sflag:s28], $0x2000  }
0x84: {  	[sflag:s28] =	ssyncset.done $0x0  }
0x85: {  	s31 =	sadd.s32 $0x280, s31;
	s30 =	sadd.s32 $0x1, s30;
	[sflag:s28] =	ssyncadd.s32 $0xFFFFE000  }
0x86: {  	[tilespmem:s18], [sflag:$0x3] =	stream.indirect.gather [hbm4b:s4+s14], $0x20, s31, s14, $0xb8;
	[tilespmem:$0x1D200] =	vst v63  }
.LBB2_11:
0x87: {  	_ =	sfence.sel $0x180000  }
0x88: {  	[bflag:$0x0] =	sbarrier.arrive $0xFFFF  }
0x89: {  	_ =	strace $0x9000004D  }
0x8a: {  	s0 =	stileid.u32;
	[bflag:$0x2] =	sbarrier.arrive $0xFFFF  }
0x8b: {  	p0 =	sne.s32 s0, $0x0;
	s0 =	rddreg [dreg:$0x3]  }
0x8c: {  	s0 =	sadd.s32 @!p0 $0x100000, s0  }
0x8d: {  	[sflag:s0] =	ssyncadd.tile.s32 @!p0 $0x1;
	_ =	shalt  }
.Lfunc_end2:
_tile_overlayer_lowered:
.L_overlay_start_2:
0x8e: {  	(tag) =	ssettag $0x2  }
0x8f: {  	s0 =	rddreg [dreg:$0x0];
	s2 =	stileid.u32  }
0x90: {  	s1 =	rddreg [dreg:$0x1];
	p0 =	sne.s32 s2, $0x0  }
0x91: {  	s3 =	rddreg [dreg:$0x2];
	[bflag:$0x3] =	sbarrier.arrive $0xFFFF;
	s2 =	simm.s32 @!p0 $0x1C07  }
0x92: {  	[timem:s3], [sflag:s2] =	dma.local @!p0 [hbm:s0], s1  }
0x93: {  	s0 =	simm.s32 @!p0 $0x7  }
0x94: {  	_ =	swait.ge @!p0 [sflag:s0], s1  }
0x95: {  	s1 =	ssub.s32 @!p0 $0x0, s1;
	[sflag:s0] =	ssyncset.done @!p0 $0x0  }
0x96: {  	[sflag:s0] =	ssyncadd.s32 @!p0 s1  }
0x97: {  	[bflag:$0x3] =	sbarrier.arrive $0xFFFF  }
0x98: {  	_ =	shalt  }

// kernel: kernel.8.cloned.1.call-start
scs
__scs_entry_jumppad:
0x0: {  	(pc) =	sbr.rel $0x88, $3  }
0x1: {  	(tag) =	ssettag $0x0;
	lr =	simm.s32 $0x1  }
0x2: {  	[smem:$0x3F9B] =	sst lr;
	_ =	strace $0xD0000000  }
0x3: {  	_ = 	snop  }
0x4: {  	_ = 	snop  }
0x5: {  	_ = 	snop  }
0x6: {  	_ = 	snop  }
0x7: {  	_ = 	snop  }
__scs_overlays_trampoline_lowered:
0x8: {  	[smem:$0x3FAA] =	sst s0  }
0x9: {  	[smem:$0x3FAB] =	sst s1  }
0xa: {  	[smem:$0x3FAC] =	sst s2  }
0xb: {  	[smem:$0x3FAD] =	sst s3  }
0xc: {  	[smem:$0x3FAE] =	sst s4  }
0xd: {  	[smem:$0x3FAF] =	sst s5  }
0xe: {  	[smem:$0x3FB0] =	sst s6  }
0xf: {  	[smem:$0x3FB1] =	sst s7  }
0x10: {  	[smem:$0x3FB2] =	sst s8  }
0x11: {  	[smem:$0x3FB3] =	sst s9;
	s0 =	simm.s32 @!p0 $0x0  }
0x12: {  	s1 =	sld [smem:$0x3F99];
	s0 =	simm.s32 @p0 $0x1  }
0x13: {  	[smem:$0x3FB4] =	sst s0;
	s0 =	simm.s32 @!p1 $0x0  }
0x14: {  	s2 =	sld [smem:$0x3F98];
	s0 =	simm.s32 @p1 $0x1  }
0x15: {  	[smem:$0x3FB5] =	sst s0;
	s0 =	simm.s32 @!p2 $0x0  }
0x16: {  	s3 =	sld [smem:$0x3FDB];
	s0 =	simm.s32 @p2 $0x1  }
0x17: {  	s4 =	simm.s32 $0x1BF5;
	[smem:$0x3FB7] =	sst s0  }
0x18: {  	s0 =	sld [smem:$0x3F9A];
	_ =	swait.ge [sflag:s4], $0x0  }
0x19: {  	s7 =	sld [smem:$0x3F9B]  }
0x1a: {  	s8 =	sadd.s32 $0xFFFFE003, lr  }
0x1b: {  	s9 =	sadd.s32 $0xFFFFFEF7, lr;
	s5 =	simm.s32 $0xFFFFFFFF;
	p2 =	slt.u32 s8, $0xFFFFF086  }
0x1c: {  	p1 =	slt.u32 s9, $0xF7A;
	s5 =	simm.s32 @!p2 $0x0  }
0x1d: {  	s5 =	simm.s32 @p1 $0x1;
	p0 =	seq.s32 s7, s2  }
0x1e: {  	s7 =	smul.u32 @!p0 $0xF7A, s2;
	p2 =	seq.s32 @!p0 s5, $0x0  }
0x1f: {  	s9 =	smul.u32 $0xF7A, s1;
	s8 =	simm.s32 @!p0 $0x1BF5;
	p2 =	por !p2, p0  }
0x20: {  	[sflag:s8] =	ssyncset.s32 @!p0 $0xFFFFF086;
	s6 =	sadd.s32 @!p0 s3, s7;
	s7 =	simm.s32 @!p0 $0x108  }
0x21: {  	s3 =	sadd.s32 s3, s9;
	s6 =	sadd.s32 @!p0 $0x88, s6;
	s7 =	simm.s32 @p2 $0x1082  }
0x22: {  	[simem:s7], [sflag:s8] =	dma.local @!p0 [hbm:s6], $0xF7A  }
0x23: {  	s9 =	sor.u32 $0xD0000000, s2;
	s6 =	simm.s32 $0x108;
	_ =	swait.ge @!p0 [sflag:s8], $0x0  }
0x24: {  	s3 =	sadd.s32 $0x88, s3;
	s6 =	simm.s32 @!p1 $0x1082;
	[sflag:s4] =	ssyncset.s32 $0xFFFFF086  }
0x25: {  	[simem:s6], [sflag:s4] =	dma.local [hbm:s3], $0xF7A  }
0x26: {  	[smem:$0x3F9B] =	sst s1;
	(tag) =	ssettag s2;
	_ =	strace s9  }
0x27: {  	s1 =	sld [smem:$0x3FAB]  }
0x28: {  	s2 =	sld [smem:$0x3FAC]  }
0x29: {  	s4 =	sld [smem:$0x3FAE]  }
0x2a: {  	p0 =	seq.s32 s5, $0x0;
	s5 =	sld [smem:$0x3FAF]  }
0x2b: {  	s6 =	sld [smem:$0x3FB0]  }
0x2c: {  	s7 =	sld [smem:$0x3FB1]  }
0x2d: {  	s3 =	simm.s32 $0x108;
	s8 =	sld [smem:$0x3FB2]  }
0x2e: {  	s3 =	simm.s32 @!p0 $0x1082;
	s9 =	sld [smem:$0x3FB3]  }
0x2f: {  	lr =	sadd.s32 s0, s3;
	s0 =	sld [smem:$0x3FAA]  }
0x30: {  	s3 =	sld [smem:$0x3FAD]  }
0x31: {  	[smem:$0x3FB6] =	sst s10  }
0x32: {  	s10 =	sld [smem:$0x3FB4];
	_ =	sdelay $0x3  }
0x33: {  	p0 =	seq.s32 s10, $0x1;
	s10 =	sld [smem:$0x3FB6];
	_ =	sdelay $0x3  }
0x34: {  	[smem:$0x3FB6] =	sst s10  }
0x35: {  	s10 =	sld [smem:$0x3FB5];
	_ =	sdelay $0x3  }
0x36: {  	p1 =	seq.s32 s10, $0x1;
	s10 =	sld [smem:$0x3FB6];
	_ =	sdelay $0x3  }
0x37: {  	[smem:$0x3FB6] =	sst s10  }
0x38: {  	s10 =	sld [smem:$0x3FB7]  }
0x39: {  	_ = 	snop;
	(pc) =	sbr.ind lr, $3  }
0x3a: {  	_ = 	snop  }
0x3b: {  	_ = 	snop  }
0x3c: {  	p2 =	seq.s32 s10, $0x1;
	s10 =	sld [smem:$0x3FB6]  }
0x3d: {  	_ =	shalt  }
0x3e: {  	_ =	shalt  }
0x3f: {  	_ =	shalt  }
0x40: {  	_ =	shalt  }
0x41: {  	_ =	shalt  }
0x42: {  	_ =	shalt  }
0x43: {  	_ =	shalt  }
0x44: {  	_ =	shalt  }
0x45: {  	_ =	shalt  }
0x46: {  	_ =	shalt  }
0x47: {  	_ =	shalt  }
0x48: {  	_ =	shalt  }
0x49: {  	_ =	shalt  }
0x4a: {  	_ =	shalt  }
0x4b: {  	_ =	shalt  }
0x4c: {  	_ =	shalt  }
0x4d: {  	_ =	shalt  }
0x4e: {  	_ =	shalt  }
0x4f: {  	_ =	shalt  }
0x50: {  	_ =	shalt  }
0x51: {  	_ =	shalt  }
0x52: {  	_ =	shalt  }
0x53: {  	_ =	shalt  }
0x54: {  	_ =	shalt  }
0x55: {  	_ =	shalt  }
0x56: {  	_ =	shalt  }
0x57: {  	_ =	shalt  }
0x58: {  	_ =	shalt  }
0x59: {  	_ =	shalt  }
0x5a: {  	_ =	shalt  }
0x5b: {  	_ =	shalt  }
0x5c: {  	_ =	shalt  }
0x5d: {  	_ =	shalt  }
0x5e: {  	_ =	shalt  }
0x5f: {  	_ =	shalt  }
0x60: {  	_ =	shalt  }
0x61: {  	_ =	shalt  }
0x62: {  	_ =	shalt  }
0x63: {  	_ =	shalt  }
0x64: {  	_ =	shalt  }
0x65: {  	_ =	shalt  }
0x66: {  	_ =	shalt  }
0x67: {  	_ =	shalt  }
0x68: {  	_ =	shalt  }
0x69: {  	_ =	shalt  }
0x6a: {  	_ =	shalt  }
0x6b: {  	_ =	shalt  }
0x6c: {  	_ =	shalt  }
0x6d: {  	_ =	shalt  }
0x6e: {  	_ =	shalt  }
0x6f: {  	_ =	shalt  }
0x70: {  	_ =	shalt  }
0x71: {  	_ =	shalt  }
0x72: {  	_ =	shalt  }
0x73: {  	_ =	shalt  }
0x74: {  	_ =	shalt  }
0x75: {  	_ =	shalt  }
0x76: {  	_ =	shalt  }
0x77: {  	_ =	shalt  }
0x78: {  	_ =	shalt  }
0x79: {  	_ =	shalt  }
0x7a: {  	_ =	shalt  }
0x7b: {  	_ =	shalt  }
0x7c: {  	_ =	shalt  }
0x7d: {  	_ =	shalt  }
0x7e: {  	_ =	shalt  }
0x7f: {  	_ =	shalt  }
0x80: {  	_ =	shalt  }
0x81: {  	_ =	shalt  }
0x82: {  	_ =	shalt  }
0x83: {  	_ =	shalt  }
0x84: {  	_ =	shalt  }
0x85: {  	_ =	shalt  }
0x86: {  	_ =	shalt  }
0x87: {  	_ =	shalt  }
.Lfunc_end0:
.L_simem_size_0:
called_computation_lowered:
.L_overlay_start_0:
0x88: {  	s2 =	sld [smem:$0x3FD9]  }
0x89: {  	s3 =	sld [smem:$0x3FFE];
	_ =	sdelay $0x1  }
0x8a: {  	s1 =	srdreg.scid  }
0x8b: {  	s0 =	sand.u32 $0x1, s1  }
0x8c: {  	s16 =	sshll.u32 s0, $0xA;
	s2 =	sadd.s32 s3, s2  }
0x8d: {  	s2 =	sadd.s32 s2, s16  }
0x8e: {  	[smem:$0x3FC2] =	sst s2  }
0x8f: {  	_ = 	snop  }
0x90: {  	(tm) =	ssettm $0x1  }
0x91: {  	s17 =	sld [smem:$0x3FFB];
	_ =	sdelay $0x3  }
0x92: {  	_ =	strace s17  }
0x93: {  	s2 =	sld [smem:$0x3FFC];
	_ =	sdelay $0x3  }
0x94: {  	_ =	strace s2  }
0x95: {  	s2 =	sld [smem:$0x3FFD];
	_ =	sdelay $0x3  }
0x96: {  	_ =	strace s2  }
0x97: {  	_ =	strace $0x8FFFFFFF  }
0x98: {  	s18 =	sld [smem:$0x3FDB];
	_ =	sdelay $0x1  }
0x99: {  	s19 =	simm.s32 $_scs_section_size  }
0x9a: {  	s4 =	simm.s32 $_size__tile_overlayer_lowered;
	s5 =	simm.s32 $_tile_overlayer_lowered  }
0x9b: {  	s22 =	simm.s32 $0x1BFF;
	s21 =	sshll.u32 s5, $0x1;
	s2 =	sadd.s32 s19, s18  }
0x9c: {  	s6 =	simm.s32 $0x0;
	s20 =	sshll.u32 s4, $0x1;
	s4 =	sadd.s32 s21, s2  }
0x9d: {  	[timem:s6], [sflag:s22] =	dma.local [hbm:s4], s20  }
0x9e: {  	_ =	swait.ge [sflag:s22], s20  }
0x9f: {  	s3 =	ssub.s32 $0x0, s20;
	[sflag:s22] =	ssyncset.done $0x0  }
0xa0: {  	[sflag:s22] =	ssyncadd.s32 s3;
	_ =	sdelay $0x1  }
0xa1: {  	s23 =	simm.s32 $0x1B8B  }
0xa2: {  	_ =	swait.ge [sflag:s23], $0x1  }
0xa3: {  	[sflag:s23] =	ssyncset.done $0x0  }
0xa4: {  	s25 =	simm.s32 $0x1B8E;
	s24 =	sld [smem:$0x3FFE];
	[sflag:s23] =	ssyncadd.s32 $0xFFFFFFFF  }
0xa5: {  	s26 =	simm.s32 $execute0_lowered;
	[smem:$0x3FD2] =	sst s25  }
0xa6: {  	s4 =	sshll.u32 s26, $0x1;
	_ =	strace $0x80000046;
	[dreg:$0x1] =	wrdreg $0xFFFFFFFF  }
0xa7: {  	s28 =	simm.s32 $_size_execute0_lowered;
	s2 =	sadd.s32 s2, s4;
	[dreg:$0x0] =	wrdreg $0x0  }
0xa8: {  	s4 =	sshll.u32 s28, $0x1;
	[dreg:$0x2] =	wrdreg s2  }
0xa9: {  	[dreg:$0x3] =	wrdreg s4  }
0xaa: {  	[dreg:$0x4] =	wrdreg $0xC0  }
0xab: {  	_ =	task [dreg:s6], $0x5FFFF  }
0xac: {  	[dreg:$0x1] =	wrdreg $0xFFFFFFFF  }
0xad: {  	[dreg:$0x0] =	wrdreg $0x60  }
0xae: {  	[dreg:$0x2] =	wrdreg s24  }
0xaf: {  	[dreg:$0x3] =	wrdreg $0x94000  }
0xb0: {  	[dreg:$0x4] =	wrdreg $0x9  }
0xb1: {  	_ =	task.clear_ibuf [dreg:s6], $0x5FFFF;
	_ =	strace $0x90000046  }
0xb2: {  	s29 =	simm.s32 $0x9;
	_ =	strace $0x80000048  }
0xb3: {  	_ =	swait.ge [sflag:s29], $0x1  }
0xb4: {  	[sflag:s29] =	ssyncadd.s32 $0xFFFFFFFF  }
0xb5: {  	_ =	strace $0x90000048  }
0xb6: {  	_ =	sfence  }
0xb7: {  	s30 =	sld [smem:$0x0];
	_ =	sdelay $0x2  }
0xb8: {  	s31 =	sshll.u32 s1, $0xD;
	s1 =	sshrl.u32 s1, $0x2  }
0xb9: {  	s3 =	sand.u32 $0x4000, s31;
	s1 =	sadd.s32 s1, s30  }
0xba: {  	s0 =	sor.u32 s3, s0;
	s1 =	sshll.u32 s1, $0x11  }
0xbb: {  	s0 =	sor.u32 s1, s0  }
0xbc: {  	s0 =	sadd.s32 $0x8F2B, s0  }
0xbd: {  	[sflag:s0] =	ssyncadd.remote.s32 $0x1  }
0xbe: {  	_ =	sfence.sel $0xFFFF  }
0xbf: {  	[dreg:$0x0] =	wrdreg $0xFFFFFFFF;
	(pc) =	sbr.abs _section_cstart, $3  }
0xc0: {  	[dreg:$0x1] =	wrdreg $0xFFFFFFFF  }
0xc1: {  	_ =	task.clear_ibuf [dreg:s6], $0x2FFFF;
	_ =	strace $0x9FFFFFFF  }
0xc2: {  	(tm) =	ssettm $0x7FFFFFFF  }
0xc3: {  	_ =	shalt  }
tec
execute0_lowered:
.L_overlay_start_1:
0x0: {  	(tag) =	ssettag $0x1  }
0x1: {  	s0 =	rddreg [dreg:$0x0]  }
0x2: {  	s1 =	rddreg [dreg:$0x1];
	s3 =	simm.s32 $0x0;
	s2 =	srdreg.scid  }
0x3: {  	s25 =	stileid.u32;
	s23 =	simm.s32 $0x1;
	s24 =	simm.s32 $0x2800  }
0x4: {  	[smem:$0x7FF] =	sst s3;
	s2 =	sand.u32 $0x1, s2;
	s5 =	sshll.u32 s25, $0xA  }
0x5: {  	s7 =	smul.u32 $0xA000, s25;
	p0 =	sgt.u32 s25, $0x9;
	s30 =	sshll.u32 s2, $0x4  }
0x6: {  	s4 =	smul.u32 $0x2800, s2;
	_ =	strace $0x80000047;
	s2 =	ssub.s32 $0x2, s2  }
0x7: {  	s3 =	sor.u32 s25, s30;
	s6 =	sshrl.u32 s2, $0x1;
	s31 =	sshrl.u32 s7, $0x2  }
0x8: {  	s3 =	smul.u32 $0x500, s3;
	s4 =	sadd.s32 s5, s4;
	s2 =	ssub.s32 s2, s6  }
0x9: {  	s4 =	sshrl.u32 s4, $0x3;
	s22 =	smax.u32 s2, $0x1;
	s2 =	simm.s32 $0x0  }
0xa: {  	s3 =	sadd.s32 s3, s0;
	s0 =	sadd.s32 s4, s0;
	s4 =	sadd.s32 s5, s1  }
0xb: {  	s5 =	sadd.s32 s31, s1;
	s1 =	simm.s32 $0x9000;
	s3 =	sadd.s32 $0x2400, s3  }
0xc: {  	s6 =	sadd.s32 $0x2800, s4;
	s7 =	sadd.s32 $0x5000, s4;
	s8 =	sadd.s32 $0x7800, s4  }
.Ltmp0:
0xd: {  	s9 =	sadd.s32 $0xA000, s4;
	s10 =	sadd.s32 $0xC800, s4;
	(pc) =	sbr.rel .LBB2_1-.Ltmp0, $4  }
0xe: {  	s11 =	sadd.s32 $0xF000, s4;
	s12 =	sadd.s32 $0x11800, s4;
	s13 =	sadd.s32 $0x14000, s4  }
0xf: {  	s14 =	sadd.s32 $0x16800, s4;
	s15 =	sadd.s32 $0x19000, s4;
	s16 =	sadd.s32 $0x1B800, s4  }
0x10: {  	s17 =	sadd.s32 $0x1E000, s4;
	s18 =	sadd.s32 $0x20800, s4;
	s19 =	sadd.s32 $0x23000, s4  }
0x11: {  	v0 =	vimm.f32 $0.0e+00;
	v1 =	vimm.f32 $1.000000000e+00;
	s20 =	sadd.s32 $0x25800, s4;
	s21 =	sadd.s32 $0xC400, s0;
	s0 =	simm.s32 $0x8C00  }
.LBB2_8:
0x12: {  	s26 =	sor.u32 s29, s31;
	s28 =	sand.u32 $0x3FFFFF80, s30  }
0x13: {  	v3 =	vld [tilespmem:s26+$0x5000];
	s28 =	sor.u32 s29, s28;
	[tilespmem:s25+$0x9000] =	vst v2  }
0x14: {  	v2 =	vld [tilespmem:s28+$0x5400];
	_ =	sdelay $0x1  }
0x15: {  	v4 =	vld [tilespmem:s28+$0x5800];
	_ =	sdelay $0x1  }
0x16: {  	v5 =	vld [tilespmem:s28+$0x5C00]  }
0x17: {  	v2 =	vadd.f32 v2, v3  }
0x18: {  	v3 =	vld [tilespmem:s28+$0x6000]  }
0x19: {  	v2 =	vadd.f32 v4, v2  }
0x1a: {  	v56 =	vld [tilespmem:s28+$0x6400]  }
0x1b: {  	v2 =	vadd.f32 v5, v2  }
0x1c: {  	v57 =	vld [tilespmem:s28+$0x6800]  }
0x1d: {  	v2 =	vadd.f32 v3, v2  }
0x1e: {  	v3 =	vld [tilespmem:s28+$0x6C00]  }
0x1f: {  	v2 =	vadd.f32 v56, v2  }
0x20: {  	v58 =	vld [tilespmem:s28+$0x7000]  }
0x21: {  	v2 =	vadd.f32 v57, v2  }
0x22: {  	v59 =	vld [tilespmem:s28+$0x7400]  }
0x23: {  	v2 =	vadd.f32 v3, v2  }
0x24: {  	v3 =	vld [tilespmem:s28+$0x7800]  }
0x25: {  	v2 =	vadd.f32 v58, v2  }
0x26: {  	v60 =	vld [tilespmem:s28+$0x7C00]  }
0x27: {  	v2 =	vadd.f32 v59, v2  }
0x28: {  	v61 =	vld [tilespmem:s28+$0x8000]  }
0x29: {  	v2 =	vadd.f32 v3, v2  }
0x2a: {  	v3 =	vld [tilespmem:s28+$0x8400]  }
0x2b: {  	v2 =	vadd.f32 v60, v2  }
0x2c: {  	v62 =	vld [tilespmem:s28+$0x8800]  }
0x2d: {  	v2 =	vadd.f32 v61, v2  }
0x2e: {  	v63 =	vld [tilespmem:s28+$0x8C00]  }
0x2f: {  	v2 =	vadd.f32 v3, v2;
	_ =	sdelay $0x1  }
0x30: {  	v2 =	vadd.f32 v62, v2;
	_ =	sdelay $0x1  }
0x31: {  	v2 =	vadd.f32 v63, v2;
	_ =	sdelay $0x1  }
0x32: {  	s31 =	simm.s32 $0x0;
	[tilespmem:s26+$0x9000] =	vst v2  }
0x33: {  	[hbm4b:s21+s31] =	stream.linear.scatter [tilespmem:s1], [sflag:$0x1], $0x400, $0x38;
	[tilespmem:$0xBC00] =	vst v63  }
0x34: {  	_ =	swait.ge [sflag:s23], $0x400  }
0x35: {  	[sflag:s23] =	ssyncset.done $0x0  }
0x36: {  	[sflag:s23] =	ssyncadd.s32 $0xFFFFFC00  }
.LBB2_9:
0x37: {  	s2 =	sadd.s32 $0x1, s2  }
0x38: {  	p1 =	sne.s32 s2, s22  }
.Ltmp1:
0x39: {  	_ = 	snop;
	(pc) =	sbr.rel @!p1 .LBB2_10-.Ltmp1, $1  }
0x3a: {  	_ =	sdelay $0x3  }
.LBB2_1:
0x3b: {  	s25 =	simm.s32 $0x0;
	s26 =	simm.s32 $0x200  }
.LBB2_2:
0x3c: {  	p1 =	sne.s32 s26, $0x9E00;
	[tilespmem:s25+$0x2870] =	vst v0  }
0x3d: {  	[tilespmem:s25+$0x2800] =	vst v0  }
0x3e: {  	[tilespmem:s25+$0x2810] =	vst v0  }
.Ltmp2:
0x3f: {  	[tilespmem:s25+$0x2820] =	vst v0;
	(pc) =	sbr.rel @p1 .LBB2_2-.Ltmp2, $4  }
0x40: {  	[tilespmem:s25+$0x2830] =	vst v0  }
0x41: {  	[tilespmem:s25+$0x2840] =	vst v0  }
0x42: {  	[tilespmem:s25+$0x2850] =	vst v0  }
0x43: {  	[tilespmem:s25+$0x2860] =	vst v0;
	s25 =	sshra.s32 s26, $0x2;
	s26 =	sadd.s32 $0x200, s26  }
0x44: {  	[tilespmem:s25+$0x2870] =	vst v0  }
0x45: {  	[tilespmem:s25+$0x2800] =	vst v0  }
0x46: {  	[tilespmem:s25+$0x2810] =	vst v0  }
0x47: {  	[tilespmem:s25+$0x2820] =	vst v0  }
0x48: {  	[tilespmem:s25+$0x2830] =	vst v0  }
0x49: {  	[tilespmem:s25+$0x2840] =	vst v0  }
0x4a: {  	[tilespmem:s25+$0x2850] =	vst v0  }
0x4b: {  	[tilespmem:s25+$0x2860] =	vst v0;
	s31 =	simm.s32 $0x0  }
0x4c: {  	[tilespmem:s31], [sflag:$0x1] =	stream.linear.gather [hbm4b:s3+s31], $0x2800, $0x38;
	[tilespmem:$0xBC00] =	vst v63  }
0x4d: {  	s26 =	sand.u32 $0xFE00, s31;
	_ =	swait.ge [sflag:s23], $0x2800  }
0x4e: {  	s25 =	sand.u32 $0x70, s31;
	s26 =	sshrl.u32 s26, $0x2;
	[sflag:s23] =	ssyncset.done $0x0  }
0x4f: {  	s25 =	sor.u32 s25, s26;
	[sflag:s23] =	ssyncadd.s32 $0xFFFFD800  }
0x50: {  	v2 =	vld [tilespmem:s25+$0x0];
	_ =	sdelay $0x4  }
0x51: {  	s28 =	simm.s32 $0x40  }
0x52: {  	s28 =	sand.u32 $0xFE00, s28;
	s26 =	simm.s32 $0x80;
	s25 =	simm.s32 $0x10  }
.LBB2_4:
0x53: {  	p1 =	sne.s32 s26, $0x9FC0;
	s29 =	sand.u32 $0x70, s25;
	s28 =	sshrl.u32 s28, $0x2  }
0x54: {  	s28 =	sor.u32 s29, s28;
	[tilespmem:v2+s24+$0x0] =	vst.idx.add.f32.msk $0xffff, v1  }
0x55: {  	v2 =	vld [tilespmem:s28+$0x0];
	_ =	sdelay $0x1  }
.Ltmp3:
0x56: {  	(pc) =	sbr.rel @p1 .LBB2_4-.Ltmp3, $2  }
0x57: {  	_ =	sdelay $0x2  }
0x58: {  	s25 =	sadd.s32 $0x10, s25;
	s28 =	sand.u32 $0xFE00, s26;
	s26 =	sadd.s32 $0x40, s26  }
0x59: {  	_ =	sdelay $0x2  }
0x5a: {  	s25 =	sand.u32 $0x70, s25;
	s26 =	sshrl.u32 s28, $0x2  }
0x5b: {  	[tilespmem:v2+s24+$0x0] =	vst.idx.add.f32.msk $0xffff, v1;
	s25 =	sor.u32 s25, s26  }
0x5c: {  	v2 =	vld [tilespmem:s25+$0x0];
	_ =	sdelay $0x7  }
0x5d: {  	[tilespmem:v2+s24+$0x0] =	vst.idx.add.f32.msk $0xffff, v1  }
0x5e: {  	[spmem:s5] =	stream.linear.scatter [tilespmem:s24], [sflag:$0x1], $0x2800, $0x38;
	[tilespmem:$0xBC00] =	vst v63  }
.Ltmp4:
0x5f: {  	_ =	swait.ge [sflag:s23], $0x2800;
	(pc) =	sbr.rel @p0 .LBB2_9-.Ltmp4, $3  }
0x60: {  	[sflag:s23] =	ssyncset.done $0x0  }
0x61: {  	[sflag:s23] =	ssyncadd.s32 $0xFFFFD800  }
0x62: {  	[bflag:$0x0] =	sbarrier.arrive $0xFFFF;
	_ =	sdelay $0x1  }
0x63: {  	s25 =	simm.s32 $0x5000  }
0x64: {  	[tilespmem:s25], [sflag:$0x1] =	stream.linear.gather [spmem:s4], $0x400, $0x38;
	[tilespmem:$0xBC00] =	vst v63  }
0x65: {  	_ =	swait.ge [sflag:s23], $0x400  }
0x66: {  	[sflag:s23] =	ssyncset.done $0x0  }
0x67: {  	s26 =	simm.s32 $0x5400;
	[sflag:s23] =	ssyncadd.s32 $0xFFFFFC00  }
0x68: {  	[tilespmem:s26], [sflag:$0x1] =	stream.linear.gather [spmem:s6], $0x400, $0x38;
	[tilespmem:$0xBC00] =	vst v63  }
0x69: {  	_ =	swait.ge [sflag:s23], $0x400  }
0x6a: {  	[sflag:s23] =	ssyncset.done $0x0  }
0x6b: {  	s26 =	simm.s32 $0x5800;
	[sflag:s23] =	ssyncadd.s32 $0xFFFFFC00  }
0x6c: {  	[tilespmem:s26], [sflag:$0x1] =	stream.linear.gather [spmem:s7], $0x400, $0x38;
	[tilespmem:$0xBC00] =	vst v63  }
0x6d: {  	_ =	swait.ge [sflag:s23], $0x400  }
0x6e: {  	[sflag:s23] =	ssyncset.done $0x0  }
0x6f: {  	s26 =	simm.s32 $0x5C00;
	[sflag:s23] =	ssyncadd.s32 $0xFFFFFC00  }
0x70: {  	[tilespmem:s26], [sflag:$0x1] =	stream.linear.gather [spmem:s8], $0x400, $0x38;
	[tilespmem:$0xBC00] =	vst v63  }
0x71: {  	_ =	swait.ge [sflag:s23], $0x400  }
0x72: {  	[sflag:s23] =	ssyncset.done $0x0  }
0x73: {  	s26 =	simm.s32 $0x6000;
	[sflag:s23] =	ssyncadd.s32 $0xFFFFFC00  }
0x74: {  	[tilespmem:s26], [sflag:$0x1] =	stream.linear.gather [spmem:s9], $0x400, $0x38;
	[tilespmem:$0xBC00] =	vst v63  }
0x75: {  	_ =	swait.ge [sflag:s23], $0x400  }
0x76: {  	[sflag:s23] =	ssyncset.done $0x0  }
0x77: {  	s26 =	simm.s32 $0x6400;
	[sflag:s23] =	ssyncadd.s32 $0xFFFFFC00  }
0x78: {  	[tilespmem:s26], [sflag:$0x1] =	stream.linear.gather [spmem:s10], $0x400, $0x38;
	[tilespmem:$0xBC00] =	vst v63  }
0x79: {  	_ =	swait.ge [sflag:s23], $0x400  }
0x7a: {  	[sflag:s23] =	ssyncset.done $0x0  }
0x7b: {  	s26 =	simm.s32 $0x6800;
	[sflag:s23] =	ssyncadd.s32 $0xFFFFFC00  }
0x7c: {  	[tilespmem:s26], [sflag:$0x1] =	stream.linear.gather [spmem:s11], $0x400, $0x38;
	[tilespmem:$0xBC00] =	vst v63  }
0x7d: {  	_ =	swait.ge [sflag:s23], $0x400  }
0x7e: {  	[sflag:s23] =	ssyncset.done $0x0  }
0x7f: {  	s26 =	simm.s32 $0x6C00;
	[sflag:s23] =	ssyncadd.s32 $0xFFFFFC00  }
0x80: {  	[tilespmem:s26], [sflag:$0x1] =	stream.linear.gather [spmem:s12], $0x400, $0x38;
	[tilespmem:$0xBC00] =	vst v63  }
0x81: {  	_ =	swait.ge [sflag:s23], $0x400  }
0x82: {  	[sflag:s23] =	ssyncset.done $0x0  }
0x83: {  	s26 =	simm.s32 $0x7000;
	[sflag:s23] =	ssyncadd.s32 $0xFFFFFC00  }
0x84: {  	[tilespmem:s26], [sflag:$0x1] =	stream.linear.gather [spmem:s13], $0x400, $0x38;
	[tilespmem:$0xBC00] =	vst v63  }
0x85: {  	_ =	swait.ge [sflag:s23], $0x400  }
0x86: {  	[sflag:s23] =	ssyncset.done $0x0  }
0x87: {  	s26 =	simm.s32 $0x7400;
	[sflag:s23] =	ssyncadd.s32 $0xFFFFFC00  }
0x88: {  	[tilespmem:s26], [sflag:$0x1] =	stream.linear.gather [spmem:s14], $0x400, $0x38;
	[tilespmem:$0xBC00] =	vst v63  }
0x89: {  	_ =	swait.ge [sflag:s23], $0x400  }
0x8a: {  	[sflag:s23] =	ssyncset.done $0x0  }
0x8b: {  	s26 =	simm.s32 $0x7800;
	[sflag:s23] =	ssyncadd.s32 $0xFFFFFC00  }
0x8c: {  	[tilespmem:s26], [sflag:$0x1] =	stream.linear.gather [spmem:s15], $0x400, $0x38;
	[tilespmem:$0xBC00] =	vst v63  }
0x8d: {  	_ =	swait.ge [sflag:s23], $0x400  }
0x8e: {  	[sflag:s23] =	ssyncset.done $0x0  }
0x8f: {  	s26 =	simm.s32 $0x7C00;
	[sflag:s23] =	ssyncadd.s32 $0xFFFFFC00  }
0x90: {  	[tilespmem:s26], [sflag:$0x1] =	stream.linear.gather [spmem:s16], $0x400, $0x38;
	[tilespmem:$0xBC00] =	vst v63  }
0x91: {  	_ =	swait.ge [sflag:s23], $0x400  }
0x92: {  	[sflag:s23] =	ssyncset.done $0x0  }
0x93: {  	s26 =	simm.s32 $0x8000;
	[sflag:s23] =	ssyncadd.s32 $0xFFFFFC00  }
0x94: {  	[tilespmem:s26], [sflag:$0x1] =	stream.linear.gather [spmem:s17], $0x400, $0x38;
	[tilespmem:$0xBC00] =	vst v63  }
0x95: {  	_ =	swait.ge [sflag:s23], $0x400  }
0x96: {  	[sflag:s23] =	ssyncset.done $0x0  }
0x97: {  	s26 =	simm.s32 $0x8400;
	[sflag:s23] =	ssyncadd.s32 $0xFFFFFC00  }
0x98: {  	[tilespmem:s26], [sflag:$0x1] =	stream.linear.gather [spmem:s18], $0x400, $0x38;
	[tilespmem:$0xBC00] =	vst v63  }
0x99: {  	_ =	swait.ge [sflag:s23], $0x400  }
0x9a: {  	[sflag:s23] =	ssyncset.done $0x0  }
0x9b: {  	s26 =	simm.s32 $0x8800;
	[sflag:s23] =	ssyncadd.s32 $0xFFFFFC00  }
0x9c: {  	[tilespmem:s26], [sflag:$0x1] =	stream.linear.gather [spmem:s19], $0x400, $0x38;
	[tilespmem:$0xBC00] =	vst v63  }
0x9d: {  	_ =	swait.ge [sflag:s23], $0x400  }
0x9e: {  	[sflag:s23] =	ssyncset.done $0x0  }
0x9f: {  	[sflag:s23] =	ssyncadd.s32 $0xFFFFFC00  }
0xa0: {  	[tilespmem:s0], [sflag:$0x1] =	stream.linear.gather [spmem:s20], $0x400, $0x38;
	[tilespmem:$0xBC00] =	vst v63  }
0xa1: {  	s25 =	simm.s32 $0x0;
	s26 =	simm.s32 $0x0;
	_ =	swait.ge [sflag:s23], $0x400  }
0xa2: {  	s28 =	sand.u32 $0x70, s25;
	s25 =	sand.u32 $0xFFFFFF80, s26;
	[sflag:s23] =	ssyncset.done $0x0  }
0xa3: {  	s26 =	sand.u32 $0x3FFFFF80, s26;
	s25 =	sor.u32 s28, s25;
	[sflag:s23] =	ssyncadd.s32 $0xFFFFFC00  }
0xa4: {  	s26 =	sor.u32 s28, s26;
	v2 =	vld [tilespmem:s25+$0x5000]  }
0xa5: {  	v3 =	vld [tilespmem:s26+$0x5400];
	_ =	sdelay $0x1  }
0xa6: {  	v4 =	vld [tilespmem:s26+$0x5800];
	_ =	sdelay $0x1  }
0xa7: {  	v5 =	vld [tilespmem:s26+$0x5C00]  }
0xa8: {  	v2 =	vadd.f32 v3, v2  }
0xa9: {  	v3 =	vld [tilespmem:s26+$0x6000]  }
0xaa: {  	v2 =	vadd.f32 v4, v2  }
0xab: {  	v56 =	vld [tilespmem:s26+$0x6400]  }
0xac: {  	v2 =	vadd.f32 v5, v2  }
0xad: {  	v57 =	vld [tilespmem:s26+$0x6800]  }
0xae: {  	v2 =	vadd.f32 v3, v2  }
0xaf: {  	v3 =	vld [tilespmem:s26+$0x6C00]  }
0xb0: {  	v2 =	vadd.f32 v56, v2  }
0xb1: {  	v58 =	vld [tilespmem:s26+$0x7000]  }
0xb2: {  	v2 =	vadd.f32 v57, v2  }
0xb3: {  	v59 =	vld [tilespmem:s26+$0x7400]  }
0xb4: {  	v2 =	vadd.f32 v3, v2  }
0xb5: {  	v3 =	vld [tilespmem:s26+$0x7800]  }
0xb6: {  	v2 =	vadd.f32 v58, v2  }
0xb7: {  	v60 =	vld [tilespmem:s26+$0x7C00]  }
0xb8: {  	v2 =	vadd.f32 v59, v2  }
0xb9: {  	v61 =	vld [tilespmem:s26+$0x8000]  }
0xba: {  	v2 =	vadd.f32 v3, v2  }
0xbb: {  	v3 =	vld [tilespmem:s26+$0x8400]  }
0xbc: {  	v2 =	vadd.f32 v60, v2  }
0xbd: {  	v62 =	vld [tilespmem:s26+$0x8800]  }
0xbe: {  	v2 =	vadd.f32 v61, v2  }
0xbf: {  	v63 =	vld [tilespmem:s26+$0x8C00]  }
0xc0: {  	v2 =	vadd.f32 v3, v2;
	_ =	sdelay $0x1  }
0xc1: {  	v2 =	vadd.f32 v62, v2  }
0xc2: {  	s30 =	simm.s32 $0x10;
	s26 =	simm.s32 $0x10  }
0xc3: {  	s31 =	sand.u32 $0xFFFFFF80, s30;
	s28 =	simm.s32 $0x2;
	s29 =	sand.u32 $0x70, s26;
	v2 =	vadd.f32 v63, v2  }
.LBB2_7:
0xc4: {  	p1 =	sne.s32 s28, $0x3F;
	s31 =	sor.u32 s29, s31;
	s30 =	sand.u32 $0x3FFFFF80, s30  }
0xc5: {  	v3 =	vld [tilespmem:s31+$0x5000];
	s29 =	sor.u32 s29, s30;
	[tilespmem:s25+$0x9000] =	vst v2;
	s25 =	smov.u32 s31  }
0xc6: {  	v2 =	vld [tilespmem:s29+$0x5400];
	_ =	sdelay $0x1  }
0xc7: {  	v4 =	vld [tilespmem:s29+$0x5800];
	_ =	sdelay $0x1  }
0xc8: {  	v5 =	vld [tilespmem:s29+$0x5C00]  }
0xc9: {  	v2 =	vadd.f32 v2, v3  }
0xca: {  	v3 =	vld [tilespmem:s29+$0x6000]  }
0xcb: {  	v2 =	vadd.f32 v4, v2  }
0xcc: {  	v4 =	vld [tilespmem:s29+$0x6400]  }
0xcd: {  	v2 =	vadd.f32 v5, v2  }
0xce: {  	v5 =	vld [tilespmem:s29+$0x6800]  }
0xcf: {  	v2 =	vadd.f32 v3, v2  }
0xd0: {  	v3 =	vld [tilespmem:s29+$0x6C00]  }
0xd1: {  	v2 =	vadd.f32 v4, v2  }
0xd2: {  	v4 =	vld [tilespmem:s29+$0x7000]  }
0xd3: {  	v2 =	vadd.f32 v5, v2  }
0xd4: {  	v5 =	vld [tilespmem:s29+$0x7400]  }
0xd5: {  	v2 =	vadd.f32 v3, v2  }
0xd6: {  	v3 =	vld [tilespmem:s29+$0x7800]  }
0xd7: {  	v2 =	vadd.f32 v4, v2  }
0xd8: {  	v4 =	vld [tilespmem:s29+$0x7C00]  }
0xd9: {  	v2 =	vadd.f32 v5, v2  }
0xda: {  	v5 =	vld [tilespmem:s29+$0x8000]  }
0xdb: {  	v2 =	vadd.f32 v3, v2  }
0xdc: {  	v3 =	vld [tilespmem:s29+$0x8400]  }
0xdd: {  	v2 =	vadd.f32 v4, v2  }
0xde: {  	v4 =	vld [tilespmem:s29+$0x8800]  }
0xdf: {  	v2 =	vadd.f32 v5, v2  }
0xe0: {  	v5 =	vld [tilespmem:s29+$0x8C00]  }
.Ltmp5:
0xe1: {  	v2 =	vadd.f32 v3, v2;
	(pc) =	sbr.rel @p1 .LBB2_7-.Ltmp5, $4  }
0xe2: {  	_ = 	snop  }
0xe3: {  	v2 =	vadd.f32 v4, v2  }
0xe4: {  	s26 =	sadd.s32 $0x10, s26;
	s30 =	sshll.u32 s28, $0x4  }
0xe5: {  	s28 =	sadd.s32 $0x1, s28;
	s31 =	sand.u32 $0xFFFFFF80, s30;
	s29 =	sand.u32 $0x70, s26;
	v2 =	vadd.f32 v5, v2  }
.Ltmp6:
0xe6: {  	_ = 	snop;
	(pc) =	sbr.rel .LBB2_8-.Ltmp6, $1  }
0xe7: {  	_ =	sdelay $0x3  }
.LBB2_10:
0xe8: {  	_ =	sfence.sel $0x180000  }
0xe9: {  	[bflag:$0x0] =	sbarrier.arrive $0xFFFF  }
0xea: {  	_ =	strace $0x90000047  }
0xeb: {  	s0 =	stileid.u32;
	[bflag:$0x2] =	sbarrier.arrive $0xFFFF  }
0xec: {  	p0 =	sne.s32 s0, $0x0;
	s0 =	rddreg [dreg:$0x2]  }
0xed: {  	s0 =	sadd.s32 @!p0 $0x100000, s0  }
0xee: {  	[sflag:s0] =	ssyncadd.tile.s32 @!p0 $0x1;
	_ =	shalt  }
.Lfunc_end2:
_tile_overlayer_lowered:
.L_overlay_start_2:
0xef: {  	(tag) =	ssettag $0x2  }
0xf0: {  	s0 =	rddreg [dreg:$0x0];
	s2 =	stileid.u32  }
0xf1: {  	s1 =	rddreg [dreg:$0x1];
	p0 =	sne.s32 s2, $0x0  }
0xf2: {  	s3 =	rddreg [dreg:$0x2];
	[bflag:$0x3] =	sbarrier.arrive $0xFFFF;
	s2 =	simm.s32 @!p0 $0x1C01  }
0xf3: {  	[timem:s3], [sflag:s2] =	dma.local @!p0 [hbm:s0], s1  }
0xf4: {  	s0 =	simm.s32 @!p0 $0x1  }
0xf5: {  	_ =	swait.ge @!p0 [sflag:s0], s1  }
0xf6: {  	s1 =	ssub.s32 @!p0 $0x0, s1;
	[sflag:s0] =	ssyncset.done @!p0 $0x0  }
0xf7: {  	[sflag:s0] =	ssyncadd.s32 @!p0 s1  }
0xf8: {  	[bflag:$0x3] =	sbarrier.arrive $0xFFFF  }
0xf9: {  	_ =	shalt  }

</sc_bundles>
